<compile_context>
chip_gen: v7x
topology: tpu7x:2x2x1
jax: 0.10.2.dev20260603
libtpu: 0.0.44.dev20260713+nightly
codegen_flags: <defaults>
</compile_context>

<pallas_src>
import functools
import jax
import jax.numpy as jnp
import numpy as np
from jax import lax
from jax.experimental import pallas as pl
from jax.experimental.pallas import tpu as pltpu
from jax.experimental.pallas import tpu_sc as plsc

H = 64
SKIP = 0.5
XINIT = 0.25
SLOPE = 0.01
SIGMAS = np.array([1.5 ** x for x in range(15)], dtype=np.float32)

NC = 2
NS = 16
NW = NC * NS
CPAD = 16
ROW = 128


def _lrelu(x):
    return jnp.maximum(x, SLOPE * x)



def _pre_body(hl_ref, hr_ref, cpl_ref, cpr_ref,
              w1al_ref, w1bl_ref, w1ar_ref, w1br_ref,
              wql_ref, wkl_ref, wvl_ref, wq_ref, wk_ref, wv_ref,
              tsl_ref, tdl_ref, tsr_ref, tdr_ref,
              ql_ref, kl_ref, vl_ref, qr_ref, kr_ref, vr_ref):
    dot = functools.partial(jnp.dot, preferred_element_type=jnp.float32)

    def pack(h, cp, w):
        z = jnp.zeros((h.shape[0], ROW - H - CPAD), jnp.float32)
        return jnp.concatenate([dot(h, w), cp, z], axis=1)

    hl = hl_ref[...]
    hr = hr_ref[...]
    cpl = cpl_ref[...]
    cpr = cpr_ref[...]
    tsl_ref[...] = pack(hl, cpl, w1al_ref[...])
    tdl_ref[...] = pack(hl, cpl, w1bl_ref[...])
    tsr_ref[...] = pack(hr, cpr, w1ar_ref[...])
    tdr_ref[...] = pack(hr, cpr, w1br_ref[...])
    def vplus(h, w):
        v = _lrelu(dot(h, w))
        return jnp.concatenate(
            [v, jnp.ones((h.shape[0], 1), jnp.float32)], axis=1).astype(jnp.bfloat16)

    ql_ref[...] = _lrelu(dot(hl, wql_ref[...]))
    kl_ref[...] = _lrelu(dot(hl, wkl_ref[...]))
    vl_ref[...] = vplus(hl, wvl_ref[...])
    qr_ref[...] = _lrelu(dot(hr, wq_ref[...]))
    kr_ref[...] = _lrelu(dot(hr, wk_ref[...]))
    vr_ref[...] = vplus(hr, wv_ref[...])


def _pre_pass(h_lig, h_rec, cp_l, cp_r, w1al, w1bl, w1ar, w1br,
              wql, wkl, wvl, wq, wk, wv):
    nl = h_lig.shape[0]
    nr = h_rec.shape[0]
    f32 = jnp.float32
    outs = (jax.ShapeDtypeStruct((nl, ROW), f32),
            jax.ShapeDtypeStruct((nl, ROW), f32),
            jax.ShapeDtypeStruct((nr, ROW), f32),
            jax.ShapeDtypeStruct((nr, ROW), f32),
            jax.ShapeDtypeStruct((nl, H), f32),
            jax.ShapeDtypeStruct((nl, H), f32),
            jax.ShapeDtypeStruct((nl, H + 1), jnp.bfloat16),
            jax.ShapeDtypeStruct((nr, H), f32),
            jax.ShapeDtypeStruct((nr, H), f32),
            jax.ShapeDtypeStruct((nr, H + 1), jnp.bfloat16))
    return pl.pallas_call(_pre_body, out_shape=outs)(
        h_lig, h_rec, cp_l, cp_r, w1al, w1bl, w1ar, w1br,
        wql, wkl, wvl, wq, wk, wv)



def _sc_gather_body(nblkw, ts_hbm, td_hbm, src_hbm, dst_hbm,
                    comb_out,
                    sidx, didx, srows0, drows0, srows1, drows1, sem0, sem1):
    wid = lax.axis_index("s") * NC + lax.axis_index("c")
    b0 = wid * nblkw

    pltpu.sync_copy(src_hbm.at[pl.ds(b0, nblkw)], sidx)
    pltpu.sync_copy(dst_hbm.at[pl.ds(b0, nblkw)], didx)

    def fire(i, srows, drows, sem):
        pltpu.async_copy(ts_hbm.at[sidx.at[i]], srows, sem)
        pltpu.async_copy(td_hbm.at[didx.at[i]], drows, sem)

    def wait(srows, drows, sem):
        pltpu.make_async_copy(ts_hbm.at[sidx.at[0]], srows, sem).wait()
        pltpu.make_async_copy(td_hbm.at[didx.at[0]], drows, sem).wait()

    def combine_store(i, srows, drows):
        def row(r, carry2):
            for c in range(0, H, 16):
                srows[r, pl.ds(c, 16)] = (
                    srows[r, pl.ds(c, 16)] + drows[r, pl.ds(c, 16)])
            srows[r, pl.ds(H, 16)] = (
                srows[r, pl.ds(H, 16)] - drows[r, pl.ds(H, 16)])
            return carry2

        lax.fori_loop(0, 128, row, 0)
        pltpu.sync_copy(srows, comb_out.at[b0 + i])

    fire(0, srows0, drows0, sem0)

    def pair(t, carry):
        i = 2 * t
        fire(i + 1, srows1, drows1, sem1)
        wait(srows0, drows0, sem0)
        combine_store(i, srows0, drows0)

        @pl.when(i + 2 < nblkw)
        def _():
            fire(i + 2, srows0, drows0, sem0)

        wait(srows1, drows1, sem1)
        combine_store(i + 1, srows1, drows1)
        return carry

    lax.fori_loop(0, nblkw // 2, pair, 0)


def _sc_gather(t_src, t_dst, src, dst):
    e = src.shape[0]
    nblk = e // 128
    nblkw = nblk // NW
    f32 = jnp.float32
    mesh = plsc.VectorSubcoreMesh(core_axis_name="c", subcore_axis_name="s")
    src3 = src.reshape(nblk, 128)
    dst3 = dst.reshape(nblk, 128)
    out = pl.kernel(
        functools.partial(_sc_gather_body, nblkw),
        out_type=jax.ShapeDtypeStruct((nblk, 128, ROW), f32),
        mesh=mesh,
        scratch_types=[
            pltpu.VMEM((nblkw, 128), jnp.int32),
            pltpu.VMEM((nblkw, 128), jnp.int32),
            pltpu.VMEM((128, ROW), f32),
            pltpu.VMEM((128, ROW), f32),
            pltpu.VMEM((128, ROW), f32),
            pltpu.VMEM((128, ROW), f32),
            pltpu.SemaphoreType.DMA,
            pltpu.SemaphoreType.DMA,
        ],
    )(t_src, t_dst, src3, dst3)
    return out.reshape(e, ROW)



def _edge_body(comb_ref, ef_ref, isig_ref,
               w1c_ref, w1d_ref, be1_ref, we2_ref, be2_ref,
               wc1_ref, bc1_ref, wc2_ref, bc2_ref,
               mout_ref):
    dot = functools.partial(jnp.dot, preferred_element_type=jnp.float32)
    bf = jnp.bfloat16
    dot16 = lambda a, b: dot(a.astype(bf), b.astype(bf))
    comb = comb_ref[...]
    io = lax.broadcasted_iota(jnp.int32, (ROW, 1), 0)
    sel = ((io >= H) & (io < H + CPAD)).astype(jnp.float32)
    d2 = dot(comb * comb, sel)
    dist = jnp.exp(-d2 * isig_ref[...])
    z1 = (comb[:, :H] + dot16(ef_ref[...], w1c_ref[...]) +
          dot16(dist, w1d_ref[...]) + be1_ref[...])
    msg = dot16(_lrelu(z1), we2_ref[...]) + be2_ref[...]
    cw = dot16(_lrelu(dot16(msg, wc1_ref[...]) + bc1_ref[...]), wc2_ref[...]) + bc2_ref[...]
    cnt1 = (lax.broadcasted_iota(jnp.int32, (1, ROW), 1) == H + 3).astype(jnp.float32)
    upper = comb * cw + cnt1
    mout_ref[:, :H] = msg
    mout_ref[:, H:] = upper[:, H:]


def _edge_pass(comb, efeat, isig,
               w1c, w1d, be1, we2, be2, wc1, bc1, wc2, bc2):
    e = comb.shape[0]
    blk = 8192
    grid = e // blk
    f32 = jnp.float32
    de = efeat.shape[1]
    row = lambda w: pl.BlockSpec((blk, w), lambda i: (i, 0))
    full = lambda a, b: pl.BlockSpec((a, b), lambda i: (0, 0))
    return pl.pallas_call(
        _edge_body,
        grid=(grid,),
        in_specs=[row(ROW), row(de), full(1, 15),
                  full(de, H), full(15, H), full(1, H), full(H, H), full(1, H),
                  full(H, H), full(1, H), full(H, 1), full(1, 1)],
        out_specs=row(ROW),
        out_shape=jax.ShapeDtypeStruct((e, ROW), f32),
    )(comb, efeat, isig,
      w1c, w1d, be1, we2, be2, wc1, bc1, wc2, bc2)



def _sc_scatter_body(nblkw, n_nodes, mout_hbm, dst_hbm, zero_hbm,
                     part_hbm, didx, m0, m1, acc, sem0, sem1):
    cid = lax.axis_index("c")
    sid = lax.axis_index("s")
    wid = sid * NC + cid
    b0 = wid * nblkw
    rps = n_nodes // NS
    r0 = sid * rps
    pltpu.sync_copy(zero_hbm.at[pl.ds(r0, rps)], acc.at[pl.ds(r0, rps)])
    pltpu.sync_copy(dst_hbm.at[pl.ds(b0, nblkw)], didx)
    plsc.subcore_barrier()

    def fire(i, m, sem):
        pltpu.async_copy(mout_hbm.at[b0 + i], m, sem)

    def wait(m, sem):
        pltpu.make_async_copy(mout_hbm.at[b0], m, sem).wait()

    def scat(i, m):
        pltpu.sync_copy(m, acc.at[didx.at[i]], add=True)

    fire(0, m0, sem0)

    def pair(t, carry):
        i = 2 * t
        fire(i + 1, m1, sem1)
        wait(m0, sem0)
        scat(i, m0)

        @pl.when(i + 2 < nblkw)
        def _():
            fire(i + 2, m0, sem0)

        wait(m1, sem1)
        scat(i + 1, m1)
        return carry

    lax.fori_loop(0, nblkw // 2, pair, 0)
    plsc.subcore_barrier()
    pltpu.sync_copy(acc.at[pl.ds(r0, rps)], part_hbm.at[cid, pl.ds(r0, rps)])


def _sc_scatter(mout, dst, n_nodes):
    e = dst.shape[0]
    nblk = e // 128
    nblkw = nblk // NW
    f32 = jnp.float32
    mesh = plsc.VectorSubcoreMesh(core_axis_name="c", subcore_axis_name="s")
    mout3 = mout.reshape(nblk, 128, ROW)
    dst3 = dst.reshape(nblk, 128)
    zero = jnp.zeros((n_nodes, ROW), f32)
    return pl.kernel(
        functools.partial(_sc_scatter_body, nblkw, n_nodes),
        out_type=jax.ShapeDtypeStruct((NC, n_nodes, ROW), f32),
        mesh=mesh,
        scratch_types=[
            pltpu.VMEM((nblkw, 128), jnp.int32),
            pltpu.VMEM((128, ROW), f32),
            pltpu.VMEM((128, ROW), f32),
            pltpu.VMEM_SHARED((n_nodes, ROW), f32),
            pltpu.SemaphoreType.DMA,
            pltpu.SemaphoreType.DMA,
        ],
    )(mout3, dst3, zero)



def _attn_body(q_ref, k_ref, v_ref, o_ref):
    bf = jnp.bfloat16
    q = q_ref[...].astype(bf)
    s = lax.dot_general(q, k_ref[...].astype(bf), (((1,), (1,)), ((), ())),
                        preferred_element_type=jnp.float32)
    p = jnp.exp(s)
    ov = jnp.dot(p.astype(bf), v_ref[...], preferred_element_type=jnp.float32)
    o_ref[...] = ov[:, :H] / ov[:, H:H + 1]


def _attention(q, k, v):
    nq = q.shape[0]
    nk = k.shape[0]
    blk = 512
    return pl.pallas_call(
        _attn_body,
        grid=(nq // blk,),
        in_specs=[pl.BlockSpec((blk, H), lambda i: (i, 0)),
                  pl.BlockSpec((nk, H), lambda i: (0, 0)),
                  pl.BlockSpec((nk, H + 1), lambda i: (0, 0))],
        out_specs=pl.BlockSpec((blk, H), lambda i: (i, 0)),
        out_shape=jax.ShapeDtypeStruct((nq, H), jnp.float32),
    )(q, k, v)



def _fin_body(part_ref, h_ref, oh_ref, attn_ref, cp_ref, ocp_ref,
              wn1a_ref, wn1b_ref, wn1c_ref, wn1d_ref, bn1_ref, wn2_ref, bn2_ref,
              xev_ref, hnew_ref):
    dot = functools.partial(jnp.dot, preferred_element_type=jnp.float32)
    pc = part_ref[...]
    comb = pc[0] + pc[1]
    msum = comb[:, :H]
    asum = comb[:, H:H + CPAD]
    cnt = jnp.maximum(asum[:, 3:4], 1.0)
    aggr = msum / cnt
    xev_ref[...] = (XINIT * ocp_ref[...] + (1.0 - XINIT) * cp_ref[...]
                    + asum / cnt)
    h = h_ref[...]
    z = (dot(h, wn1a_ref[...]) + dot(aggr, wn1b_ref[...]) +
         dot(attn_ref[...], wn1c_ref[...]) + dot(oh_ref[...], wn1d_ref[...]) +
         bn1_ref[...])
    upd = dot(_lrelu(z), wn2_ref[...]) + bn2_ref[...]
    hnew_ref[...] = SKIP * upd + (1.0 - SKIP) * h


def _finalize(part, h, oh, attn, cp, ocp, wn1a, wn1b, wn1c, wn1d, bn1, wn2, bn2):
    n = h.shape[0]
    f32 = jnp.float32
    return pl.pallas_call(
        _fin_body,
        out_shape=(jax.ShapeDtypeStruct((n, CPAD), f32),
                   jax.ShapeDtypeStruct((n, H), f32)),
    )(part, h, oh, attn, cp, ocp, wn1a, wn1b, wn1c, wn1d, bn1, wn2, bn2)



def _pad_coords(c):
    n = c.shape[0]
    return jnp.concatenate([c, jnp.zeros((n, CPAD - 3), jnp.float32)], axis=1)


def kernel(coords_lig, h_lig, orig_coords_lig, orig_h_lig, edge_feat_lig,
           coords_rec, h_rec, orig_coords_rec, orig_h_rec, edge_feat_rec, mask,
           We1l, be1l, We2l, be2l, We1r, be1r, We2r, be2r,
           Wc1l, bc1l, Wc2l, bc2l, Wc1r, bc1r, Wc2r, bc2r,
           Wn1l, bn1l, Wn2l, bn2l, Wn1r, bn1r, Wn2r, bn2r,
           WQl, WK, WV, WQ, WKl, WVl,
           edge_index_lig, edge_index_rec):
    isig = jnp.asarray(1.0 / SIGMAS).reshape(1, 15)
    r1 = lambda b: b.reshape(1, -1)

    cp_l = _pad_coords(coords_lig)
    cp_r = _pad_coords(coords_rec)
    ocp_l = _pad_coords(orig_coords_lig)
    ocp_r = _pad_coords(orig_coords_rec)

    tsl, tdl, tsr, tdr, q_l, k_l, v_l, q_r, k_r, v_r = _pre_pass(
        h_lig, h_rec, cp_l, cp_r,
        We1l[:H], We1l[H:2 * H], We1r[:H], We1r[H:2 * H],
        WQl, WKl, WVl, WQ, WK, WV)

    src_l = edge_index_lig[0]
    dst_l = edge_index_lig[1]
    src_r = edge_index_rec[0]
    dst_r = edge_index_rec[1]

    comb_l = _sc_gather(tsl, tdl, src_l, dst_l)
    comb_r = _sc_gather(tsr, tdr, src_r, dst_r)

    mout_l = _edge_pass(comb_l, edge_feat_lig, isig,
                        We1l[2 * H:2 * H + 15], We1l[2 * H + 15:], r1(be1l),
                        We2l, r1(be2l), Wc1l, r1(bc1l), Wc2l, r1(bc2l))
    mout_r = _edge_pass(comb_r, edge_feat_rec, isig,
                        We1r[2 * H:2 * H + 15], We1r[2 * H + 15:], r1(be1r),
                        We2r, r1(be2r), Wc1r, r1(bc1r), Wc2r, r1(bc2r))

    part_l = _sc_scatter(mout_l, dst_l, coords_lig.shape[0])
    part_r = _sc_scatter(mout_r, dst_r, coords_rec.shape[0])

    attn_l = _attention(q_l, k_r, v_r)
    attn_r = _attention(q_r, k_l, v_l)

    xev_l, hnew_l = _finalize(part_l, h_lig, orig_h_lig, attn_l,
                              cp_l, ocp_l, Wn1l[:H], Wn1l[H:2 * H],
                              Wn1l[2 * H:3 * H], Wn1l[3 * H:], r1(bn1l),
                              Wn2l, r1(bn2l))
    xev_r, hnew_r = _finalize(part_r, h_rec, orig_h_rec, attn_r,
                              cp_r, ocp_r, Wn1r[:H], Wn1r[H:2 * H],
                              Wn1r[2 * H:3 * H], Wn1r[3 * H:], r1(bn1r),
                              Wn2r, r1(bn2r))

    return (xev_l[:, :3], hnew_l, xev_r[:, :3], hnew_r)

# --- scband reference (transcript-rebuilt; emitter-appended) ---
"""Pipeline reference for scband-iegmn-23725399343542 (READ-ONLY COPY).

The authoritative reference and input builder live on the scoring server;
editing this copy changes nothing except your own understanding.
"""

import jax, jax.numpy as jnp
import numpy as np

N_LIG = 2048; N_REC = 8192; E_LIG = 32768; E_REC = 131072
H = 64; OUT = 64; D_EDGE = 15
SIGMAS = np.array([1.5 ** x for x in range(15)], dtype=np.float32)
SKIP = 0.5; XINIT = 0.25; SLOPE = 0.01


def lrelu(x):
    return jnp.where(x >= 0, x, SLOPE * x)


def mlp2(x, W1, b1, W2, b2):
    return lrelu(x @ W1 + b1) @ W2 + b2


def seg_mean(vals, idx, n):
    s = jax.ops.segment_sum(vals, idx, num_segments=n)
    c = jax.ops.segment_sum(jnp.ones((idx.shape[0], 1), jnp.float32), idx, num_segments=n)
    return s / jnp.maximum(c, 1.0)


def setup_inputs(seed: int = 0) -> dict:
    key = jax.random.key(seed)
    ks = jax.random.split(key, 40)
    def gl(k, shape):
        return jax.random.normal(k, shape, dtype=jnp.float32) / np.sqrt(shape[0])
    e_in = 2 * H + D_EDGE + 15
    n_in = 4 * H
    inp = {}
    inp['coords_lig'] = jax.random.normal(ks[0], (N_LIG, 3), dtype=jnp.float32)
    inp['h_lig'] = jax.random.normal(ks[1], (N_LIG, H), dtype=jnp.float32)
    inp['orig_coords_lig'] = jax.random.normal(ks[2], (N_LIG, 3), dtype=jnp.float32)
    inp['orig_h_lig'] = jax.random.normal(ks[3], (N_LIG, H), dtype=jnp.float32)
    inp['edge_feat_lig'] = jax.random.normal(ks[4], (E_LIG, D_EDGE), dtype=jnp.float32)
    inp['coords_rec'] = jax.random.normal(ks[5], (N_REC, 3), dtype=jnp.float32)
    inp['h_rec'] = jax.random.normal(ks[6], (N_REC, H), dtype=jnp.float32)
    inp['orig_coords_rec'] = jax.random.normal(ks[7], (N_REC, 3), dtype=jnp.float32)
    inp['orig_h_rec'] = jax.random.normal(ks[8], (N_REC, H), dtype=jnp.float32)
    inp['edge_feat_rec'] = jax.random.normal(ks[9], (E_REC, D_EDGE), dtype=jnp.float32)
    inp['mask'] = jnp.ones((N_LIG, N_REC), dtype=jnp.float32)
    inp['We1l'] = gl(ks[10], (e_in, OUT)); inp['be1l'] = jnp.zeros((OUT,), jnp.float32)
    inp['We2l'] = gl(ks[11], (OUT, OUT)); inp['be2l'] = jnp.zeros((OUT,), jnp.float32)
    inp['We1r'] = gl(ks[12], (e_in, OUT)); inp['be1r'] = jnp.zeros((OUT,), jnp.float32)
    inp['We2r'] = gl(ks[13], (OUT, OUT)); inp['be2r'] = jnp.zeros((OUT,), jnp.float32)
    inp['Wc1l'] = gl(ks[14], (OUT, OUT)); inp['bc1l'] = jnp.zeros((OUT,), jnp.float32)
    inp['Wc2l'] = gl(ks[15], (OUT, 1)); inp['bc2l'] = jnp.zeros((1,), jnp.float32)
    inp['Wc1r'] = gl(ks[16], (OUT, OUT)); inp['bc1r'] = jnp.zeros((OUT,), jnp.float32)
    inp['Wc2r'] = gl(ks[17], (OUT, 1)); inp['bc2r'] = jnp.zeros((1,), jnp.float32)
    inp['Wn1l'] = gl(ks[18], (n_in, H)); inp['bn1l'] = jnp.zeros((H,), jnp.float32)
    inp['Wn2l'] = gl(ks[19], (H, OUT)); inp['bn2l'] = jnp.zeros((OUT,), jnp.float32)
    inp['Wn1r'] = gl(ks[20], (n_in, H)); inp['bn1r'] = jnp.zeros((H,), jnp.float32)
    inp['Wn2r'] = gl(ks[21], (H, OUT)); inp['bn2r'] = jnp.zeros((OUT,), jnp.float32)
    inp['WQl'] = gl(ks[22], (H, H)); inp['WK'] = gl(ks[23], (H, H)); inp['WV'] = gl(ks[24], (H, H))
    inp['WQ'] = gl(ks[25], (H, H)); inp['WKl'] = gl(ks[26], (H, H)); inp['WVl'] = gl(ks[27], (H, H))
    inp['edge_index_lig'] = jax.random.randint(ks[28], (2, E_LIG), 0, N_LIG, dtype=jnp.int32)
    inp['edge_index_rec'] = jax.random.randint(ks[29], (2, E_REC), 0, N_REC, dtype=jnp.int32)
    return inp


def reference(coords_lig, h_lig, orig_coords_lig, orig_h_lig, edge_feat_lig,
              coords_rec, h_rec, orig_coords_rec, orig_h_rec, edge_feat_rec, mask,
              We1l, be1l, We2l, be2l, We1r, be1r, We2r, be2r,
              Wc1l, bc1l, Wc2l, bc2l, Wc1r, bc1r, Wc2r, bc2r,
              Wn1l, bn1l, Wn2l, bn2l, Wn1r, bn1r, Wn2r, bn2r,
              WQl, WK, WV, WQ, WKl, WVl,
              edge_index_lig, edge_index_rec):
    sig = jnp.asarray(SIGMAS)
    src_l = edge_index_lig[0]; dst_l = edge_index_lig[1]
    x_rel_l = coords_lig[src_l] - coords_lig[dst_l]
    d2_l = jnp.sum(x_rel_l ** 2, axis=1, keepdims=True)
    dist_l = jnp.exp(-d2_l / sig[None, :])
    msg_l = mlp2(jnp.concatenate([h_lig[src_l], h_lig[dst_l], edge_feat_lig, dist_l], axis=1), We1l, be1l, We2l, be2l)
    src_r = edge_index_rec[0]; dst_r = edge_index_rec[1]
    x_rel_r = coords_rec[src_r] - coords_rec[dst_r]
    d2_r = jnp.sum(x_rel_r ** 2, axis=1, keepdims=True)
    dist_r = jnp.exp(-d2_r / sig[None, :])
    msg_r = mlp2(jnp.concatenate([h_rec[src_r], h_rec[dst_r], edge_feat_rec, dist_r], axis=1), We1r, be1r, We2r, be2r)
    x_upd_l = seg_mean(x_rel_l * mlp2(msg_l, Wc1l, bc1l, Wc2l, bc2l), dst_l, coords_lig.shape[0])
    x_evolved_lig = XINIT * orig_coords_lig + (1.0 - XINIT) * coords_lig + x_upd_l
    x_upd_r = seg_mean(x_rel_r * mlp2(msg_r, Wc1r, bc1r, Wc2r, bc2r), dst_r, coords_rec.shape[0])
    x_evolved_rec = XINIT * orig_coords_rec + (1.0 - XINIT) * coords_rec + x_upd_r
    aggr_l = seg_mean(msg_l, dst_l, h_lig.shape[0])
    aggr_r = seg_mean(msg_r, dst_r, h_rec.shape[0])
    q_l = lrelu(h_lig @ WQl); k_r = lrelu(h_rec @ WK); v_r = lrelu(h_rec @ WV)
    a_l = mask * (q_l @ k_r.T) - 1000.0 * (1.0 - mask)
    attn_l = jax.nn.softmax(a_l, axis=1) @ v_r
    q_r = lrelu(h_rec @ WQ); k_l = lrelu(h_lig @ WKl); v_l = lrelu(h_lig @ WVl)
    a_r = mask.T * (q_r @ k_l.T) - 1000.0 * (1.0 - mask.T)
    attn_r = jax.nn.softmax(a_r, axis=1) @ v_l
    upd_l = mlp2(jnp.concatenate([h_lig, aggr_l, attn_l, orig_h_lig], axis=1), Wn1l, bn1l, Wn2l, bn2l)
    h_new_l = SKIP * upd_l + (1.0 - SKIP) * h_lig
    upd_r = mlp2(jnp.concatenate([h_rec, aggr_r, attn_r, orig_h_rec], axis=1), Wn1r, bn1r, Wn2r, bn2r)
    h_new_r = SKIP * upd_r + (1.0 - SKIP) * h_rec
    return (x_evolved_lig, h_new_l, x_evolved_rec, h_new_r)

if __name__ == "__main__":
    import jax
    _d = setup_inputs()
    print(jax.jit(kernel)(*tuple(_d.values())))

</pallas_src>

<mosaic_0001>
#map = affine_map<(d0, d1) -> (0, 0)>
#map1 = affine_map<(d0, d1) -> (0, 0, 0)>
module attributes {stable_mosaic.version = 14 : i64} {
  func.func @_sc_gather_body(%arg0: i32, %arg1: i32, %arg2: memref<2048x128xf32, #tpu.memory_space<hbm>>, %arg3: memref<2048x128xf32, #tpu.memory_space<hbm>>, %arg4: memref<256x128xi32, #tpu.memory_space<hbm>>, %arg5: memref<256x128xi32, #tpu.memory_space<hbm>>, %arg6: memref<256x128x128xf32, #tpu.memory_space<hbm>>, %arg7: memref<8x128xi32, #tpu.memory_space<vmem>>, %arg8: memref<8x128xi32, #tpu.memory_space<vmem>>, %arg9: memref<128x128xf32, #tpu.memory_space<vmem>>, %arg10: memref<128x128xf32, #tpu.memory_space<vmem>>, %arg11: memref<128x128xf32, #tpu.memory_space<vmem>>, %arg12: memref<128x128xf32, #tpu.memory_space<vmem>>, %arg13: memref<!tpu.dma_semaphore, #tpu.memory_space<semaphore_mem>>, %arg14: memref<!tpu.dma_semaphore, #tpu.memory_space<semaphore_mem>>) attributes {dimension_semantics = [#tpu.dimension_semantics<core_parallel>, #tpu.dimension_semantics<subcore_parallel>], iteration_bounds = array<i64: 2, 16>, scalar_prefetch = 0 : i64, scratch_operands = 8 : i64, tpu.core_type = #tpu.core_type<sc_vector_subcore>, window_params = [{transform_indices = #map}, {transform_indices = #map}, {transform_indices = #map}, {transform_indices = #map}, {transform_indices = #map1}]} {
    %mul3A = arith.constant 2 : i32
    %mul3A_0 = arith.muli %arg1, %mul3A : i32
    %add3A = arith.addi %mul3A_0, %arg0 : i32
    %mul3A_1 = arith.constant 8 : i32
    %mul3A_2 = arith.muli %add3A, %mul3A_1 : i32
    "tpu.region"() ({
      %run_scoped3A = tpu.sem_alloc : memref<!tpu.dma_semaphore, #tpu.memory_space<semaphore_mem>>
      %dma_start3A_21 = arith.constant 0 : i32
      %dma_start3A_22 = tpu.memref_slice %arg4[%mul3A_2, %dma_start3A_21] : memref<256x128xi32, #tpu.memory_space<hbm>> -> memref<8x128xi32, #tpu.memory_space<hbm>>
      %dma_start3A_23 = arith.constant 0 : i32
      %dma_start3A_24 = tpu.memref_slice %arg4[%mul3A_2, %dma_start3A_23] : memref<256x128xi32, #tpu.memory_space<hbm>> -> memref<8x128xi32, #tpu.memory_space<hbm>>
      tpu.enqueue_dma source(%dma_start3A_24 : memref<8x128xi32, #tpu.memory_space<hbm>>) target(%arg7 : memref<8x128xi32, #tpu.memory_space<vmem>>) target_semaphore(%run_scoped3A : memref<!tpu.dma_semaphore, #tpu.memory_space<semaphore_mem>>)
      %dma_wait3A = arith.constant 0 : i32
      %dma_wait3A_25 = tpu.memref_slice %arg4[%mul3A_2, %dma_wait3A] : memref<256x128xi32, #tpu.memory_space<hbm>> -> memref<8x128xi32, #tpu.memory_space<hbm>>
      %dma_wait3A_26 = arith.constant 0 : i32
      %dma_wait3A_27 = tpu.memref_slice %arg4[%mul3A_2, %dma_wait3A_26] : memref<256x128xi32, #tpu.memory_space<hbm>> -> memref<8x128xi32, #tpu.memory_space<hbm>>
      tpu.wait_dma2 semaphore(%run_scoped3A : memref<!tpu.dma_semaphore, #tpu.memory_space<semaphore_mem>>) src(%dma_wait3A_27 : memref<8x128xi32, #tpu.memory_space<hbm>>) dst(%arg7 : memref<8x128xi32, #tpu.memory_space<vmem>>)
      tpu.yield
    }) : () -> ()
    "tpu.region"() ({
      %run_scoped3A = tpu.sem_alloc : memref<!tpu.dma_semaphore, #tpu.memory_space<semaphore_mem>>
      %dma_start3A_21 = arith.constant 0 : i32
      %dma_start3A_22 = tpu.memref_slice %arg5[%mul3A_2, %dma_start3A_21] : memref<256x128xi32, #tpu.memory_space<hbm>> -> memref<8x128xi32, #tpu.memory_space<hbm>>
      %dma_start3A_23 = arith.constant 0 : i32
      %dma_start3A_24 = tpu.memref_slice %arg5[%mul3A_2, %dma_start3A_23] : memref<256x128xi32, #tpu.memory_space<hbm>> -> memref<8x128xi32, #tpu.memory_space<hbm>>
      tpu.enqueue_dma source(%dma_start3A_24 : memref<8x128xi32, #tpu.memory_space<hbm>>) target(%arg8 : memref<8x128xi32, #tpu.memory_space<vmem>>) target_semaphore(%run_scoped3A : memref<!tpu.dma_semaphore, #tpu.memory_space<semaphore_mem>>)
      %dma_wait3A = arith.constant 0 : i32
      %dma_wait3A_25 = tpu.memref_slice %arg5[%mul3A_2, %dma_wait3A] : memref<256x128xi32, #tpu.memory_space<hbm>> -> memref<8x128xi32, #tpu.memory_space<hbm>>
      %dma_wait3A_26 = arith.constant 0 : i32
      %dma_wait3A_27 = tpu.memref_slice %arg5[%mul3A_2, %dma_wait3A_26] : memref<256x128xi32, #tpu.memory_space<hbm>> -> memref<8x128xi32, #tpu.memory_space<hbm>>
      tpu.wait_dma2 semaphore(%run_scoped3A : memref<!tpu.dma_semaphore, #tpu.memory_space<semaphore_mem>>) src(%dma_wait3A_27 : memref<8x128xi32, #tpu.memory_space<hbm>>) dst(%arg8 : memref<8x128xi32, #tpu.memory_space<vmem>>)
      tpu.yield
    }) : () -> ()
    %dma_start3A = arith.constant 0 : i32
    %dma_start3A_3 = arith.constant 0 : i32
    %dma_start3A_4 = tpu.memref_slice %arg7[%dma_start3A, %dma_start3A_3] : memref<8x128xi32, #tpu.memory_space<vmem>> -> memref<1x128xi32, #tpu.memory_space<vmem>>
    %dma_start3A_5 = tpu.memref_squeeze %dma_start3A_4 : memref<1x128xi32, #tpu.memory_space<vmem>> -> memref<128xi32, #tpu.memory_space<vmem>>
    %dma_start3A_6 = arith.constant 0 : i32
    %dma_start3A_7 = arith.constant 0 : i32
    %dma_start3A_8 = tpu.memref_slice %arg2[%dma_start3A_6, %dma_start3A_7] : memref<2048x128xf32, #tpu.memory_space<hbm>> -> memref<2048x128xf32, #tpu.memory_space<hbm>>
    tpu.enqueue_indirect_dma source(%dma_start3A_8 : memref<2048x128xf32, #tpu.memory_space<hbm>>) target(%arg9 : memref<128x128xf32, #tpu.memory_space<vmem>>) offsets(%dma_start3A_5 : memref<128xi32, #tpu.memory_space<vmem>>) semaphore(%arg13 : memref<!tpu.dma_semaphore, #tpu.memory_space<semaphore_mem>>)
    %dma_start3A_9 = arith.constant 0 : i32
    %dma_start3A_10 = arith.constant 0 : i32
    %dma_start3A_11 = tpu.memref_slice %arg8[%dma_start3A_9, %dma_start3A_10] : memref<8x128xi32, #tpu.memory_space<vmem>> -> memref<1x128xi32, #tpu.memory_space<vmem>>
    %dma_start3A_12 = tpu.memref_squeeze %dma_start3A_11 : memref<1x128xi32, #tpu.memory_space<vmem>> -> memref<128xi32, #tpu.memory_space<vmem>>
    %dma_start3A_13 = arith.constant 0 : i32
    %dma_start3A_14 = arith.constant 0 : i32
    %dma_start3A_15 = tpu.memref_slice %arg3[%dma_start3A_13, %dma_start3A_14] : memref<2048x128xf32, #tpu.memory_space<hbm>> -> memref<2048x128xf32, #tpu.memory_space<hbm>>
    tpu.enqueue_indirect_dma source(%dma_start3A_15 : memref<2048x128xf32, #tpu.memory_space<hbm>>) target(%arg10 : memref<128x128xf32, #tpu.memory_space<vmem>>) offsets(%dma_start3A_12 : memref<128xi32, #tpu.memory_space<vmem>>) semaphore(%arg13 : memref<!tpu.dma_semaphore, #tpu.memory_space<semaphore_mem>>)
    %scan3A = arith.constant 0 : i32
    %scan3A_16 = arith.constant 0 : i32
    %scan3A_17 = arith.constant 4 : i32
    %scan3A_18 = arith.addi %scan3A_16, %scan3A_17 : i32
    %scan3A_19 = arith.constant 1 : i32
    scf.for %scan3A_21 = %scan3A_16 to %scan3A_18 step %scan3A_19  : i32 {
      %mul3A_22 = arith.constant 2 : i32
      %mul3A_23 = arith.muli %mul3A_22, %scan3A_21 : i32
      %add3A_24 = arith.constant 1 : i32
      %add3A_25 = arith.addi %mul3A_23, %add3A_24 : i32
      %dma_start3A_26 = arith.constant 0 : i32
      %dma_start3A_27 = tpu.memref_slice %arg7[%add3A_25, %dma_start3A_26] : memref<8x128xi32, #tpu.memory_space<vmem>> -> memref<1x128xi32, #tpu.memory_space<vmem>>
      %dma_start3A_28 = tpu.memref_squeeze %dma_start3A_27 : memref<1x128xi32, #tpu.memory_space<vmem>> -> memref<128xi32, #tpu.memory_space<vmem>>
      %dma_start3A_29 = arith.constant 0 : i32
      %dma_start3A_30 = arith.constant 0 : i32
      %dma_start3A_31 = tpu.memref_slice %arg2[%dma_start3A_29, %dma_start3A_30] : memref<2048x128xf32, #tpu.memory_space<hbm>> -> memref<2048x128xf32, #tpu.memory_space<hbm>>
      tpu.enqueue_indirect_dma source(%dma_start3A_31 : memref<2048x128xf32, #tpu.memory_space<hbm>>) target(%arg11 : memref<128x128xf32, #tpu.memory_space<vmem>>) offsets(%dma_start3A_28 : memref<128xi32, #tpu.memory_space<vmem>>) semaphore(%arg14 : memref<!tpu.dma_semaphore, #tpu.memory_space<semaphore_mem>>)
      %dma_start3A_32 = arith.constant 0 : i32
      %dma_start3A_33 = tpu.memref_slice %arg8[%add3A_25, %dma_start3A_32] : memref<8x128xi32, #tpu.memory_space<vmem>> -> memref<1x128xi32, #tpu.memory_space<vmem>>
      %dma_start3A_34 = tpu.memref_squeeze %dma_start3A_33 : memref<1x128xi32, #tpu.memory_space<vmem>> -> memref<128xi32, #tpu.memory_space<vmem>>
      %dma_start3A_35 = arith.constant 0 : i32
      %dma_start3A_36 = arith.constant 0 : i32
      %dma_start3A_37 = tpu.memref_slice %arg3[%dma_start3A_35, %dma_start3A_36] : memref<2048x128xf32, #tpu.memory_space<hbm>> -> memref<2048x128xf32, #tpu.memory_space<hbm>>
      tpu.enqueue_indirect_dma source(%dma_start3A_37 : memref<2048x128xf32, #tpu.memory_space<hbm>>) target(%arg12 : memref<128x128xf32, #tpu.memory_space<vmem>>) offsets(%dma_start3A_34 : memref<128xi32, #tpu.memory_space<vmem>>) semaphore(%arg14 : memref<!tpu.dma_semaphore, #tpu.memory_space<semaphore_mem>>)
      %dma_wait3A = arith.constant 0 : i32
      %dma_wait3A_38 = arith.constant 0 : i32
      %dma_wait3A_39 = tpu.memref_slice %arg7[%dma_wait3A, %dma_wait3A_38] : memref<8x128xi32, #tpu.memory_space<vmem>> -> memref<1x128xi32, #tpu.memory_space<vmem>>
      %dma_wait3A_40 = tpu.memref_squeeze %dma_wait3A_39 : memref<1x128xi32, #tpu.memory_space<vmem>> -> memref<128xi32, #tpu.memory_space<vmem>>
      %dma_wait3A_41 = arith.constant 0 : i32
      %dma_wait3A_42 = arith.constant 0 : i32
      %dma_wait3A_43 = tpu.memref_slice %arg2[%dma_wait3A_41, %dma_wait3A_42] : memref<2048x128xf32, #tpu.memory_space<hbm>> -> memref<2048x128xf32, #tpu.memory_space<hbm>>
      tpu.wait_indirect_dma semaphore(%arg13 : memref<!tpu.dma_semaphore, #tpu.memory_space<semaphore_mem>>) src(%dma_wait3A_43 : memref<2048x128xf32, #tpu.memory_space<hbm>>) dst(%arg9 : memref<128x128xf32, #tpu.memory_space<vmem>>)
      %dma_wait3A_44 = arith.constant 0 : i32
      %dma_wait3A_45 = arith.constant 0 : i32
      %dma_wait3A_46 = tpu.memref_slice %arg8[%dma_wait3A_44, %dma_wait3A_45] : memref<8x128xi32, #tpu.memory_space<vmem>> -> memref<1x128xi32, #tpu.memory_space<vmem>>
      %dma_wait3A_47 = tpu.memref_squeeze %dma_wait3A_46 : memref<1x128xi32, #tpu.memory_space<vmem>> -> memref<128xi32, #tpu.memory_space<vmem>>
      %dma_wait3A_48 = arith.constant 0 : i32
      %dma_wait3A_49 = arith.constant 0 : i32
      %dma_wait3A_50 = tpu.memref_slice %arg3[%dma_wait3A_48, %dma_wait3A_49] : memref<2048x128xf32, #tpu.memory_space<hbm>> -> memref<2048x128xf32, #tpu.memory_space<hbm>>
      tpu.wait_indirect_dma semaphore(%arg13 : memref<!tpu.dma_semaphore, #tpu.memory_space<semaphore_mem>>) src(%dma_wait3A_50 : memref<2048x128xf32, #tpu.memory_space<hbm>>) dst(%arg10 : memref<128x128xf32, #tpu.memory_space<vmem>>)
      %scan3A_51 = arith.constant 0 : i32
      %scan3A_52 = arith.constant 0 : i32
      %scan3A_53 = arith.constant 128 : i32
      %scan3A_54 = arith.addi %scan3A_52, %scan3A_53 : i32
      %scan3A_55 = arith.constant 1 : i32
      scf.for %scan3A_85 = %scan3A_52 to %scan3A_54 step %scan3A_55  : i32 {
        %get3A = arith.index_cast %scan3A_85 : i32 to index
        %get3A_86 = arith.constant 0 : index
        %get3A_87 = tpu.vector_load %arg9[%get3A, %get3A_86] {strides = array<i32>} : memref<128x128xf32, #tpu.memory_space<vmem>>, vector<1x16xf32>,
        %get3A_88 = vector.shape_cast %get3A_87 : vector<1x16xf32> to vector<16xf32>
        %get3A_89 = arith.index_cast %scan3A_85 : i32 to index
        %get3A_90 = arith.constant 0 : index
        %get3A_91 = tpu.vector_load %arg10[%get3A_89, %get3A_90] {strides = array<i32>} : memref<128x128xf32, #tpu.memory_space<vmem>>, vector<1x16xf32>,
        %get3A_92 = vector.shape_cast %get3A_91 : vector<1x16xf32> to vector<16xf32>
        %add3A_93 = arith.addf %get3A_88, %get3A_92 : vector<16xf32>
        %swap3A = arith.index_cast %scan3A_85 : i32 to index
        %swap3A_94 = arith.constant 0 : index
        %swap3A_95 = tpu.vector_load %arg9[%swap3A, %swap3A_94] {strides = array<i32>} : memref<128x128xf32, #tpu.memory_space<vmem>>, vector<1x16xf32>,
        %swap3A_96 = vector.shape_cast %swap3A_95 : vector<1x16xf32> to vector<16xf32>
        %swap3A_97 = vector.shape_cast %add3A_93 : vector<16xf32> to vector<1x16xf32>
        tpu.vector_store %arg9[%swap3A, %swap3A_94], %swap3A_97 {strides = array<i32>} : memref<128x128xf32, #tpu.memory_space<vmem>>, vector<1x16xf32>,
        %get3A_98 = arith.index_cast %scan3A_85 : i32 to index
        %get3A_99 = arith.constant 16 : index
        %get3A_100 = tpu.vector_load %arg9[%get3A_98, %get3A_99] {strides = array<i32>} : memref<128x128xf32, #tpu.memory_space<vmem>>, vector<1x16xf32>,
        %get3A_101 = vector.shape_cast %get3A_100 : vector<1x16xf32> to vector<16xf32>
        %get3A_102 = arith.index_cast %scan3A_85 : i32 to index
        %get3A_103 = arith.constant 16 : index
        %get3A_104 = tpu.vector_load %arg10[%get3A_102, %get3A_103] {strides = array<i32>} : memref<128x128xf32, #tpu.memory_space<vmem>>, vector<1x16xf32>,
        %get3A_105 = vector.shape_cast %get3A_104 : vector<1x16xf32> to vector<16xf32>
        %add3A_106 = arith.addf %get3A_101, %get3A_105 : vector<16xf32>
        %swap3A_107 = arith.index_cast %scan3A_85 : i32 to index
        %swap3A_108 = arith.constant 16 : index
        %swap3A_109 = tpu.vector_load %arg9[%swap3A_107, %swap3A_108] {strides = array<i32>} : memref<128x128xf32, #tpu.memory_space<vmem>>, vector<1x16xf32>,
        %swap3A_110 = vector.shape_cast %swap3A_109 : vector<1x16xf32> to vector<16xf32>
        %swap3A_111 = vector.shape_cast %add3A_106 : vector<16xf32> to vector<1x16xf32>
        tpu.vector_store %arg9[%swap3A_107, %swap3A_108], %swap3A_111 {strides = array<i32>} : memref<128x128xf32, #tpu.memory_space<vmem>>, vector<1x16xf32>,
        %get3A_112 = arith.index_cast %scan3A_85 : i32 to index
        %get3A_113 = arith.constant 32 : index
        %get3A_114 = tpu.vector_load %arg9[%get3A_112, %get3A_113] {strides = array<i32>} : memref<128x128xf32, #tpu.memory_space<vmem>>, vector<1x16xf32>,
        %get3A_115 = vector.shape_cast %get3A_114 : vector<1x16xf32> to vector<16xf32>
        %get3A_116 = arith.index_cast %scan3A_85 : i32 to index
        %get3A_117 = arith.constant 32 : index
        %get3A_118 = tpu.vector_load %arg10[%get3A_116, %get3A_117] {strides = array<i32>} : memref<128x128xf32, #tpu.memory_space<vmem>>, vector<1x16xf32>,
        %get3A_119 = vector.shape_cast %get3A_118 : vector<1x16xf32> to vector<16xf32>
        %add3A_120 = arith.addf %get3A_115, %get3A_119 : vector<16xf32>
        %swap3A_121 = arith.index_cast %scan3A_85 : i32 to index
        %swap3A_122 = arith.constant 32 : index
        %swap3A_123 = tpu.vector_load %arg9[%swap3A_121, %swap3A_122] {strides = array<i32>} : memref<128x128xf32, #tpu.memory_space<vmem>>, vector<1x16xf32>,
        %swap3A_124 = vector.shape_cast %swap3A_123 : vector<1x16xf32> to vector<16xf32>
        %swap3A_125 = vector.shape_cast %add3A_120 : vector<16xf32> to vector<1x16xf32>
        tpu.vector_store %arg9[%swap3A_121, %swap3A_122], %swap3A_125 {strides = array<i32>} : memref<128x128xf32, #tpu.memory_space<vmem>>, vector<1x16xf32>,
        %get3A_126 = arith.index_cast %scan3A_85 : i32 to index
        %get3A_127 = arith.constant 48 : index
        %get3A_128 = tpu.vector_load %arg9[%get3A_126, %get3A_127] {strides = array<i32>} : memref<128x128xf32, #tpu.memory_space<vmem>>, vector<1x16xf32>,
        %get3A_129 = vector.shape_cast %get3A_128 : vector<1x16xf32> to vector<16xf32>
        %get3A_130 = arith.index_cast %scan3A_85 : i32 to index
        %get3A_131 = arith.constant 48 : index
        %get3A_132 = tpu.vector_load %arg10[%get3A_130, %get3A_131] {strides = array<i32>} : memref<128x128xf32, #tpu.memory_space<vmem>>, vector<1x16xf32>,
        %get3A_133 = vector.shape_cast %get3A_132 : vector<1x16xf32> to vector<16xf32>
        %add3A_134 = arith.addf %get3A_129, %get3A_133 : vector<16xf32>
        %swap3A_135 = arith.index_cast %scan3A_85 : i32 to index
        %swap3A_136 = arith.constant 48 : index
        %swap3A_137 = tpu.vector_load %arg9[%swap3A_135, %swap3A_136] {strides = array<i32>} : memref<128x128xf32, #tpu.memory_space<vmem>>, vector<1x16xf32>,
        %swap3A_138 = vector.shape_cast %swap3A_137 : vector<1x16xf32> to vector<16xf32>
        %swap3A_139 = vector.shape_cast %add3A_134 : vector<16xf32> to vector<1x16xf32>
        tpu.vector_store %arg9[%swap3A_135, %swap3A_136], %swap3A_139 {strides = array<i32>} : memref<128x128xf32, #tpu.memory_space<vmem>>, vector<1x16xf32>,
        %get3A_140 = arith.index_cast %scan3A_85 : i32 to index
        %get3A_141 = arith.constant 64 : index
        %get3A_142 = tpu.vector_load %arg9[%get3A_140, %get3A_141] {strides = array<i32>} : memref<128x128xf32, #tpu.memory_space<vmem>>, vector<1x16xf32>,
        %get3A_143 = vector.shape_cast %get3A_142 : vector<1x16xf32> to vector<16xf32>
        %get3A_144 = arith.index_cast %scan3A_85 : i32 to index
        %get3A_145 = arith.constant 64 : index
        %get3A_146 = tpu.vector_load %arg10[%get3A_144, %get3A_145] {strides = array<i32>} : memref<128x128xf32, #tpu.memory_space<vmem>>, vector<1x16xf32>,
        %get3A_147 = vector.shape_cast %get3A_146 : vector<1x16xf32> to vector<16xf32>
        %sub3A = arith.subf %get3A_143, %get3A_147 : vector<16xf32>
        %swap3A_148 = arith.index_cast %scan3A_85 : i32 to index
        %swap3A_149 = arith.constant 64 : index
        %swap3A_150 = tpu.vector_load %arg9[%swap3A_148, %swap3A_149] {strides = array<i32>} : memref<128x128xf32, #tpu.memory_space<vmem>>, vector<1x16xf32>,
        %swap3A_151 = vector.shape_cast %swap3A_150 : vector<1x16xf32> to vector<16xf32>
        %swap3A_152 = vector.shape_cast %sub3A : vector<16xf32> to vector<1x16xf32>
        tpu.vector_store %arg9[%swap3A_148, %swap3A_149], %swap3A_152 {strides = array<i32>} : memref<128x128xf32, #tpu.memory_space<vmem>>, vector<1x16xf32>,
      }
      %scan3A_56 = arith.constant 128 : i32
      %add3A_57 = arith.addi %mul3A_2, %mul3A_23 : i32
      "tpu.region"() ({
        %run_scoped3A = tpu.sem_alloc : memref<!tpu.dma_semaphore, #tpu.memory_space<semaphore_mem>>
        %dma_start3A_85 = arith.constant 0 : i32
        %dma_start3A_86 = arith.constant 0 : i32
        %dma_start3A_87 = tpu.memref_slice %arg6[%add3A_57, %dma_start3A_85, %dma_start3A_86] : memref<256x128x128xf32, #tpu.memory_space<hbm>> -> memref<1x128x128xf32, #tpu.memory_space<hbm>>
        %dma_start3A_88 = tpu.memref_squeeze %dma_start3A_87 : memref<1x128x128xf32, #tpu.memory_space<hbm>> -> memref<128x128xf32, #tpu.memory_space<hbm>>
        %dma_start3A_89 = arith.constant 0 : i32
        %dma_start3A_90 = arith.constant 0 : i32
        %dma_start3A_91 = tpu.memref_slice %arg6[%add3A_57, %dma_start3A_89, %dma_start3A_90] : memref<256x128x128xf32, #tpu.memory_space<hbm>> -> memref<1x128x128xf32, #tpu.memory_space<hbm>>
        %dma_start3A_92 = tpu.memref_squeeze %dma_start3A_91 : memref<1x128x128xf32, #tpu.memory_space<hbm>> -> memref<128x128xf32, #tpu.memory_space<hbm>>
        tpu.enqueue_dma source(%arg9 : memref<128x128xf32, #tpu.memory_space<vmem>>) target(%dma_start3A_92 : memref<128x128xf32, #tpu.memory_space<hbm>>) target_semaphore(%run_scoped3A : memref<!tpu.dma_semaphore, #tpu.memory_space<semaphore_mem>>)
        %dma_wait3A_93 = arith.constant 0 : i32
        %dma_wait3A_94 = arith.constant 0 : i32
        %dma_wait3A_95 = tpu.memref_slice %arg6[%add3A_57, %dma_wait3A_93, %dma_wait3A_94] : memref<256x128x128xf32, #tpu.memory_space<hbm>> -> memref<1x128x128xf32, #tpu.memory_space<hbm>>
        %dma_wait3A_96 = tpu.memref_squeeze %dma_wait3A_95 : memref<1x128x128xf32, #tpu.memory_space<hbm>> -> memref<128x128xf32, #tpu.memory_space<hbm>>
        %dma_wait3A_97 = arith.constant 0 : i32
        %dma_wait3A_98 = arith.constant 0 : i32
        %dma_wait3A_99 = tpu.memref_slice %arg6[%add3A_57, %dma_wait3A_97, %dma_wait3A_98] : memref<256x128x128xf32, #tpu.memory_space<hbm>> -> memref<1x128x128xf32, #tpu.memory_space<hbm>>
        %dma_wait3A_100 = tpu.memref_squeeze %dma_wait3A_99 : memref<1x128x128xf32, #tpu.memory_space<hbm>> -> memref<128x128xf32, #tpu.memory_space<hbm>>
        tpu.wait_dma2 semaphore(%run_scoped3A : memref<!tpu.dma_semaphore, #tpu.memory_space<semaphore_mem>>) src(%arg9 : memref<128x128xf32, #tpu.memory_space<vmem>>) dst(%dma_wait3A_100 : memref<128x128xf32, #tpu.memory_space<hbm>>)
        tpu.yield
      }) : () -> ()
      %add3A_58 = arith.constant 2 : i32
      %add3A_59 = arith.addi %mul3A_23, %add3A_58 : i32
      %lt3A = arith.constant 8 : i32
      %lt3A_60 = arith.cmpi slt, %add3A_59, %lt3A : i32
      %convert_element_type3A = arith.extui %lt3A_60 : i1 to i32
      %cond3A = arith.constant 0 : i32
      %cond3A_61 = arith.cmpi ne, %convert_element_type3A, %cond3A : i32
      scf.if %cond3A_61 {
        %add3A_85 = arith.constant 2 : i32
        %add3A_86 = arith.addi %mul3A_23, %add3A_85 : i32
        %dma_start3A_87 = arith.constant 0 : i32
        %dma_start3A_88 = tpu.memref_slice %arg7[%add3A_86, %dma_start3A_87] : memref<8x128xi32, #tpu.memory_space<vmem>> -> memref<1x128xi32, #tpu.memory_space<vmem>>
        %dma_start3A_89 = tpu.memref_squeeze %dma_start3A_88 : memref<1x128xi32, #tpu.memory_space<vmem>> -> memref<128xi32, #tpu.memory_space<vmem>>
        %dma_start3A_90 = arith.constant 0 : i32
        %dma_start3A_91 = arith.constant 0 : i32
        %dma_start3A_92 = tpu.memref_slice %arg2[%dma_start3A_90, %dma_start3A_91] : memref<2048x128xf32, #tpu.memory_space<hbm>> -> memref<2048x128xf32, #tpu.memory_space<hbm>>
        tpu.enqueue_indirect_dma source(%dma_start3A_92 : memref<2048x128xf32, #tpu.memory_space<hbm>>) target(%arg9 : memref<128x128xf32, #tpu.memory_space<vmem>>) offsets(%dma_start3A_89 : memref<128xi32, #tpu.memory_space<vmem>>) semaphore(%arg13 : memref<!tpu.dma_semaphore, #tpu.memory_space<semaphore_mem>>)
        %dma_start3A_93 = arith.constant 0 : i32
        %dma_start3A_94 = tpu.memref_slice %arg8[%add3A_86, %dma_start3A_93] : memref<8x128xi32, #tpu.memory_space<vmem>> -> memref<1x128xi32, #tpu.memory_space<vmem>>
        %dma_start3A_95 = tpu.memref_squeeze %dma_start3A_94 : memref<1x128xi32, #tpu.memory_space<vmem>> -> memref<128xi32, #tpu.memory_space<vmem>>
        %dma_start3A_96 = arith.constant 0 : i32
        %dma_start3A_97 = arith.constant 0 : i32
        %dma_start3A_98 = tpu.memref_slice %arg3[%dma_start3A_96, %dma_start3A_97] : memref<2048x128xf32, #tpu.memory_space<hbm>> -> memref<2048x128xf32, #tpu.memory_space<hbm>>
        tpu.enqueue_indirect_dma source(%dma_start3A_98 : memref<2048x128xf32, #tpu.memory_space<hbm>>) target(%arg10 : memref<128x128xf32, #tpu.memory_space<vmem>>) offsets(%dma_start3A_95 : memref<128xi32, #tpu.memory_space<vmem>>) semaphore(%arg13 : memref<!tpu.dma_semaphore, #tpu.memory_space<semaphore_mem>>)
      } else {
      }
      %dma_wait3A_62 = arith.constant 0 : i32
      %dma_wait3A_63 = arith.constant 0 : i32
      %dma_wait3A_64 = tpu.memref_slice %arg7[%dma_wait3A_62, %dma_wait3A_63] : memref<8x128xi32, #tpu.memory_space<vmem>> -> memref<1x128xi32, #tpu.memory_space<vmem>>
      %dma_wait3A_65 = tpu.memref_squeeze %dma_wait3A_64 : memref<1x128xi32, #tpu.memory_space<vmem>> -> memref<128xi32, #tpu.memory_space<vmem>>
      %dma_wait3A_66 = arith.constant 0 : i32
      %dma_wait3A_67 = arith.constant 0 : i32
      %dma_wait3A_68 = tpu.memref_slice %arg2[%dma_wait3A_66, %dma_wait3A_67] : memref<2048x128xf32, #tpu.memory_space<hbm>> -> memref<2048x128xf32, #tpu.memory_space<hbm>>
      tpu.wait_indirect_dma semaphore(%arg14 : memref<!tpu.dma_semaphore, #tpu.memory_space<semaphore_mem>>) src(%dma_wait3A_68 : memref<2048x128xf32, #tpu.memory_space<hbm>>) dst(%arg11 : memref<128x128xf32, #tpu.memory_space<vmem>>)
      %dma_wait3A_69 = arith.constant 0 : i32
      %dma_wait3A_70 = arith.constant 0 : i32
      %dma_wait3A_71 = tpu.memref_slice %arg8[%dma_wait3A_69, %dma_wait3A_70] : memref<8x128xi32, #tpu.memory_space<vmem>> -> memref<1x128xi32, #tpu.memory_space<vmem>>
      %dma_wait3A_72 = tpu.memref_squeeze %dma_wait3A_71 : memref<1x128xi32, #tpu.memory_space<vmem>> -> memref<128xi32, #tpu.memory_space<vmem>>
      %dma_wait3A_73 = arith.constant 0 : i32
      %dma_wait3A_74 = arith.constant 0 : i32
      %dma_wait3A_75 = tpu.memref_slice %arg3[%dma_wait3A_73, %dma_wait3A_74] : memref<2048x128xf32, #tpu.memory_space<hbm>> -> memref<2048x128xf32, #tpu.memory_space<hbm>>
      tpu.wait_indirect_dma semaphore(%arg14 : memref<!tpu.dma_semaphore, #tpu.memory_space<semaphore_mem>>) src(%dma_wait3A_75 : memref<2048x128xf32, #tpu.memory_space<hbm>>) dst(%arg12 : memref<128x128xf32, #tpu.memory_space<vmem>>)
      %add3A_76 = arith.constant 1 : i32
      %add3A_77 = arith.addi %mul3A_23, %add3A_76 : i32
      %scan3A_78 = arith.constant 0 : i32
      %scan3A_79 = arith.constant 0 : i32
      %scan3A_80 = arith.constant 128 : i32
      %scan3A_81 = arith.addi %scan3A_79, %scan3A_80 : i32
      %scan3A_82 = arith.constant 1 : i32
      scf.for %scan3A_85 = %scan3A_79 to %scan3A_81 step %scan3A_82  : i32 {
        %get3A = arith.index_cast %scan3A_85 : i32 to index
        %get3A_86 = arith.constant 0 : index
        %get3A_87 = tpu.vector_load %arg11[%get3A, %get3A_86] {strides = array<i32>} : memref<128x128xf32, #tpu.memory_space<vmem>>, vector<1x16xf32>,
        %get3A_88 = vector.shape_cast %get3A_87 : vector<1x16xf32> to vector<16xf32>
        %get3A_89 = arith.index_cast %scan3A_85 : i32 to index
        %get3A_90 = arith.constant 0 : index
        %get3A_91 = tpu.vector_load %arg12[%get3A_89, %get3A_90] {strides = array<i32>} : memref<128x128xf32, #tpu.memory_space<vmem>>, vector<1x16xf32>,
        %get3A_92 = vector.shape_cast %get3A_91 : vector<1x16xf32> to vector<16xf32>
        %add3A_93 = arith.addf %get3A_88, %get3A_92 : vector<16xf32>
        %swap3A = arith.index_cast %scan3A_85 : i32 to index
        %swap3A_94 = arith.constant 0 : index
        %swap3A_95 = tpu.vector_load %arg11[%swap3A, %swap3A_94] {strides = array<i32>} : memref<128x128xf32, #tpu.memory_space<vmem>>, vector<1x16xf32>,
        %swap3A_96 = vector.shape_cast %swap3A_95 : vector<1x16xf32> to vector<16xf32>
        %swap3A_97 = vector.shape_cast %add3A_93 : vector<16xf32> to vector<1x16xf32>
        tpu.vector_store %arg11[%swap3A, %swap3A_94], %swap3A_97 {strides = array<i32>} : memref<128x128xf32, #tpu.memory_space<vmem>>, vector<1x16xf32>,
        %get3A_98 = arith.index_cast %scan3A_85 : i32 to index
        %get3A_99 = arith.constant 16 : index
        %get3A_100 = tpu.vector_load %arg11[%get3A_98, %get3A_99] {strides = array<i32>} : memref<128x128xf32, #tpu.memory_space<vmem>>, vector<1x16xf32>,
        %get3A_101 = vector.shape_cast %get3A_100 : vector<1x16xf32> to vector<16xf32>
        %get3A_102 = arith.index_cast %scan3A_85 : i32 to index
        %get3A_103 = arith.constant 16 : index
        %get3A_104 = tpu.vector_load %arg12[%get3A_102, %get3A_103] {strides = array<i32>} : memref<128x128xf32, #tpu.memory_space<vmem>>, vector<1x16xf32>,
        %get3A_105 = vector.shape_cast %get3A_104 : vector<1x16xf32> to vector<16xf32>
        %add3A_106 = arith.addf %get3A_101, %get3A_105 : vector<16xf32>
        %swap3A_107 = arith.index_cast %scan3A_85 : i32 to index
        %swap3A_108 = arith.constant 16 : index
        %swap3A_109 = tpu.vector_load %arg11[%swap3A_107, %swap3A_108] {strides = array<i32>} : memref<128x128xf32, #tpu.memory_space<vmem>>, vector<1x16xf32>,
        %swap3A_110 = vector.shape_cast %swap3A_109 : vector<1x16xf32> to vector<16xf32>
        %swap3A_111 = vector.shape_cast %add3A_106 : vector<16xf32> to vector<1x16xf32>
        tpu.vector_store %arg11[%swap3A_107, %swap3A_108], %swap3A_111 {strides = array<i32>} : memref<128x128xf32, #tpu.memory_space<vmem>>, vector<1x16xf32>,
        %get3A_112 = arith.index_cast %scan3A_85 : i32 to index
        %get3A_113 = arith.constant 32 : index
        %get3A_114 = tpu.vector_load %arg11[%get3A_112, %get3A_113] {strides = array<i32>} : memref<128x128xf32, #tpu.memory_space<vmem>>, vector<1x16xf32>,
        %get3A_115 = vector.shape_cast %get3A_114 : vector<1x16xf32> to vector<16xf32>
        %get3A_116 = arith.index_cast %scan3A_85 : i32 to index
        %get3A_117 = arith.constant 32 : index
        %get3A_118 = tpu.vector_load %arg12[%get3A_116, %get3A_117] {strides = array<i32>} : memref<128x128xf32, #tpu.memory_space<vmem>>, vector<1x16xf32>,
        %get3A_119 = vector.shape_cast %get3A_118 : vector<1x16xf32> to vector<16xf32>
        %add3A_120 = arith.addf %get3A_115, %get3A_119 : vector<16xf32>
        %swap3A_121 = arith.index_cast %scan3A_85 : i32 to index
        %swap3A_122 = arith.constant 32 : index
        %swap3A_123 = tpu.vector_load %arg11[%swap3A_121, %swap3A_122] {strides = array<i32>} : memref<128x128xf32, #tpu.memory_space<vmem>>, vector<1x16xf32>,
        %swap3A_124 = vector.shape_cast %swap3A_123 : vector<1x16xf32> to vector<16xf32>
        %swap3A_125 = vector.shape_cast %add3A_120 : vector<16xf32> to vector<1x16xf32>
        tpu.vector_store %arg11[%swap3A_121, %swap3A_122], %swap3A_125 {strides = array<i32>} : memref<128x128xf32, #tpu.memory_space<vmem>>, vector<1x16xf32>,
        %get3A_126 = arith.index_cast %scan3A_85 : i32 to index
        %get3A_127 = arith.constant 48 : index
        %get3A_128 = tpu.vector_load %arg11[%get3A_126, %get3A_127] {strides = array<i32>} : memref<128x128xf32, #tpu.memory_space<vmem>>, vector<1x16xf32>,
        %get3A_129 = vector.shape_cast %get3A_128 : vector<1x16xf32> to vector<16xf32>
        %get3A_130 = arith.index_cast %scan3A_85 : i32 to index
        %get3A_131 = arith.constant 48 : index
        %get3A_132 = tpu.vector_load %arg12[%get3A_130, %get3A_131] {strides = array<i32>} : memref<128x128xf32, #tpu.memory_space<vmem>>, vector<1x16xf32>,
        %get3A_133 = vector.shape_cast %get3A_132 : vector<1x16xf32> to vector<16xf32>
        %add3A_134 = arith.addf %get3A_129, %get3A_133 : vector<16xf32>
        %swap3A_135 = arith.index_cast %scan3A_85 : i32 to index
        %swap3A_136 = arith.constant 48 : index
        %swap3A_137 = tpu.vector_load %arg11[%swap3A_135, %swap3A_136] {strides = array<i32>} : memref<128x128xf32, #tpu.memory_space<vmem>>, vector<1x16xf32>,
        %swap3A_138 = vector.shape_cast %swap3A_137 : vector<1x16xf32> to vector<16xf32>
        %swap3A_139 = vector.shape_cast %add3A_134 : vector<16xf32> to vector<1x16xf32>
        tpu.vector_store %arg11[%swap3A_135, %swap3A_136], %swap3A_139 {strides = array<i32>} : memref<128x128xf32, #tpu.memory_space<vmem>>, vector<1x16xf32>,
        %get3A_140 = arith.index_cast %scan3A_85 : i32 to index
        %get3A_141 = arith.constant 64 : index
        %get3A_142 = tpu.vector_load %arg11[%get3A_140, %get3A_141] {strides = array<i32>} : memref<128x128xf32, #tpu.memory_space<vmem>>, vector<1x16xf32>,
        %get3A_143 = vector.shape_cast %get3A_142 : vector<1x16xf32> to vector<16xf32>
        %get3A_144 = arith.index_cast %scan3A_85 : i32 to index
        %get3A_145 = arith.constant 64 : index
        %get3A_146 = tpu.vector_load %arg12[%get3A_144, %get3A_145] {strides = array<i32>} : memref<128x128xf32, #tpu.memory_space<vmem>>, vector<1x16xf32>,
        %get3A_147 = vector.shape_cast %get3A_146 : vector<1x16xf32> to vector<16xf32>
        %sub3A = arith.subf %get3A_143, %get3A_147 : vector<16xf32>
        %swap3A_148 = arith.index_cast %scan3A_85 : i32 to index
        %swap3A_149 = arith.constant 64 : index
        %swap3A_150 = tpu.vector_load %arg11[%swap3A_148, %swap3A_149] {strides = array<i32>} : memref<128x128xf32, #tpu.memory_space<vmem>>, vector<1x16xf32>,
        %swap3A_151 = vector.shape_cast %swap3A_150 : vector<1x16xf32> to vector<16xf32>
        %swap3A_152 = vector.shape_cast %sub3A : vector<16xf32> to vector<1x16xf32>
        tpu.vector_store %arg11[%swap3A_148, %swap3A_149], %swap3A_152 {strides = array<i32>} : memref<128x128xf32, #tpu.memory_space<vmem>>, vector<1x16xf32>,
      }
      %scan3A_83 = arith.constant 128 : i32
      %add3A_84 = arith.addi %mul3A_2, %add3A_77 : i32
      "tpu.region"() ({
        %run_scoped3A = tpu.sem_alloc : memref<!tpu.dma_semaphore, #tpu.memory_space<semaphore_mem>>
        %dma_start3A_85 = arith.constant 0 : i32
        %dma_start3A_86 = arith.constant 0 : i32
        %dma_start3A_87 = tpu.memref_slice %arg6[%add3A_84, %dma_start3A_85, %dma_start3A_86] : memref<256x128x128xf32, #tpu.memory_space<hbm>> -> memref<1x128x128xf32, #tpu.memory_space<hbm>>
        %dma_start3A_88 = tpu.memref_squeeze %dma_start3A_87 : memref<1x128x128xf32, #tpu.memory_space<hbm>> -> memref<128x128xf32, #tpu.memory_space<hbm>>
        %dma_start3A_89 = arith.constant 0 : i32
        %dma_start3A_90 = arith.constant 0 : i32
        %dma_start3A_91 = tpu.memref_slice %arg6[%add3A_84, %dma_start3A_89, %dma_start3A_90] : memref<256x128x128xf32, #tpu.memory_space<hbm>> -> memref<1x128x128xf32, #tpu.memory_space<hbm>>
        %dma_start3A_92 = tpu.memref_squeeze %dma_start3A_91 : memref<1x128x128xf32, #tpu.memory_space<hbm>> -> memref<128x128xf32, #tpu.memory_space<hbm>>
        tpu.enqueue_dma source(%arg11 : memref<128x128xf32, #tpu.memory_space<vmem>>) target(%dma_start3A_92 : memref<128x128xf32, #tpu.memory_space<hbm>>) target_semaphore(%run_scoped3A : memref<!tpu.dma_semaphore, #tpu.memory_space<semaphore_mem>>)
        %dma_wait3A_93 = arith.constant 0 : i32
        %dma_wait3A_94 = arith.constant 0 : i32
        %dma_wait3A_95 = tpu.memref_slice %arg6[%add3A_84, %dma_wait3A_93, %dma_wait3A_94] : memref<256x128x128xf32, #tpu.memory_space<hbm>> -> memref<1x128x128xf32, #tpu.memory_space<hbm>>
        %dma_wait3A_96 = tpu.memref_squeeze %dma_wait3A_95 : memref<1x128x128xf32, #tpu.memory_space<hbm>> -> memref<128x128xf32, #tpu.memory_space<hbm>>
        %dma_wait3A_97 = arith.constant 0 : i32
        %dma_wait3A_98 = arith.constant 0 : i32
        %dma_wait3A_99 = tpu.memref_slice %arg6[%add3A_84, %dma_wait3A_97, %dma_wait3A_98] : memref<256x128x128xf32, #tpu.memory_space<hbm>> -> memref<1x128x128xf32, #tpu.memory_space<hbm>>
        %dma_wait3A_100 = tpu.memref_squeeze %dma_wait3A_99 : memref<1x128x128xf32, #tpu.memory_space<hbm>> -> memref<128x128xf32, #tpu.memory_space<hbm>>
        tpu.wait_dma2 semaphore(%run_scoped3A : memref<!tpu.dma_semaphore, #tpu.memory_space<semaphore_mem>>) src(%arg11 : memref<128x128xf32, #tpu.memory_space<vmem>>) dst(%dma_wait3A_100 : memref<128x128xf32, #tpu.memory_space<hbm>>)
        tpu.yield
      }) : () -> ()
    }
    %scan3A_20 = arith.constant 4 : i32
    return
  }
}

#map = affine_map<(d0, d1) -> (0, 0)>
#map1 = affine_map<(d0, d1) -> (0, 0, 0)>
module attributes {stable_mosaic.version = 14 : i64} {
  func.func @_sc_gather_body(%arg0: i32, %arg1: i32, %arg2: memref<8192x128xf32, #tpu.memory_space<hbm>>, %arg3: memref<8192x128xf32, #tpu.memory_space<hbm>>, %arg4: memref<1024x128xi32, #tpu.memory_space<hbm>>, %arg5: memref<1024x128xi32, #tpu.memory_space<hbm>>, %arg6: memref<1024x128x128xf32, #tpu.memory_space<hbm>>, %arg7: memref<32x128xi32, #tpu.memory_space<vmem>>, %arg8: memref<32x128xi32, #tpu.memory_space<vmem>>, %arg9: memref<128x128xf32, #tpu.memory_space<vmem>>, %arg10: memref<128x128xf32, #tpu.memory_space<vmem>>, %arg11: memref<128x128xf32, #tpu.memory_space<vmem>>, %arg12: memref<128x128xf32, #tpu.memory_space<vmem>>, %arg13: memref<!tpu.dma_semaphore, #tpu.memory_space<semaphore_mem>>, %arg14: memref<!tpu.dma_semaphore, #tpu.memory_space<semaphore_mem>>) attributes {dimension_semantics = [#tpu.dimension_semantics<core_parallel>, #tpu.dimension_semantics<subcore_parallel>], iteration_bounds = array<i64: 2, 16>, scalar_prefetch = 0 : i64, scratch_operands = 8 : i64, tpu.core_type = #tpu.core_type<sc_vector_subcore>, window_params = [{transform_indices = #map}, {transform_indices = #map}, {transform_indices = #map}, {transform_indices = #map}, {transform_indices = #map1}]} {
    %mul3A = arith.constant 2 : i32
    %mul3A_0 = arith.muli %arg1, %mul3A : i32
    %add3A = arith.addi %mul3A_0, %arg0 : i32
    %mul3A_1 = arith.constant 32 : i32
    %mul3A_2 = arith.muli %add3A, %mul3A_1 : i32
    "tpu.region"() ({
      %run_scoped3A = tpu.sem_alloc : memref<!tpu.dma_semaphore, #tpu.memory_space<semaphore_mem>>
      %dma_start3A_21 = arith.constant 0 : i32
      %dma_start3A_22 = tpu.memref_slice %arg4[%mul3A_2, %dma_start3A_21] : memref<1024x128xi32, #tpu.memory_space<hbm>> -> memref<32x128xi32, #tpu.memory_space<hbm>>
      %dma_start3A_23 = arith.constant 0 : i32
      %dma_start3A_24 = tpu.memref_slice %arg4[%mul3A_2, %dma_start3A_23] : memref<1024x128xi32, #tpu.memory_space<hbm>> -> memref<32x128xi32, #tpu.memory_space<hbm>>
      tpu.enqueue_dma source(%dma_start3A_24 : memref<32x128xi32, #tpu.memory_space<hbm>>) target(%arg7 : memref<32x128xi32, #tpu.memory_space<vmem>>) target_semaphore(%run_scoped3A : memref<!tpu.dma_semaphore, #tpu.memory_space<semaphore_mem>>)
      %dma_wait3A = arith.constant 0 : i32
      %dma_wait3A_25 = tpu.memref_slice %arg4[%mul3A_2, %dma_wait3A] : memref<1024x128xi32, #tpu.memory_space<hbm>> -> memref<32x128xi32, #tpu.memory_space<hbm>>
      %dma_wait3A_26 = arith.constant 0 : i32
      %dma_wait3A_27 = tpu.memref_slice %arg4[%mul3A_2, %dma_wait3A_26] : memref<1024x128xi32, #tpu.memory_space<hbm>> -> memref<32x128xi32, #tpu.memory_space<hbm>>
      tpu.wait_dma2 semaphore(%run_scoped3A : memref<!tpu.dma_semaphore, #tpu.memory_space<semaphore_mem>>) src(%dma_wait3A_27 : memref<32x128xi32, #tpu.memory_space<hbm>>) dst(%arg7 : memref<32x128xi32, #tpu.memory_space<vmem>>)
      tpu.yield
    }) : () -> ()
    "tpu.region"() ({
      %run_scoped3A = tpu.sem_alloc : memref<!tpu.dma_semaphore, #tpu.memory_space<semaphore_mem>>
      %dma_start3A_21 = arith.constant 0 : i32
      %dma_start3A_22 = tpu.memref_slice %arg5[%mul3A_2, %dma_start3A_21] : memref<1024x128xi32, #tpu.memory_space<hbm>> -> memref<32x128xi32, #tpu.memory_space<hbm>>
      %dma_start3A_23 = arith.constant 0 : i32
      %dma_start3A_24 = tpu.memref_slice %arg5[%mul3A_2, %dma_start3A_23] : memref<1024x128xi32, #tpu.memory_space<hbm>> -> memref<32x128xi32, #tpu.memory_space<hbm>>
      tpu.enqueue_dma source(%dma_start3A_24 : memref<32x128xi32, #tpu.memory_space<hbm>>) target(%arg8 : memref<32x128xi32, #tpu.memory_space<vmem>>) target_semaphore(%run_scoped3A : memref<!tpu.dma_semaphore, #tpu.memory_space<semaphore_mem>>)
      %dma_wait3A = arith.constant 0 : i32
      %dma_wait3A_25 = tpu.memref_slice %arg5[%mul3A_2, %dma_wait3A] : memref<1024x128xi32, #tpu.memory_space<hbm>> -> memref<32x128xi32, #tpu.memory_space<hbm>>
      %dma_wait3A_26 = arith.constant 0 : i32
      %dma_wait3A_27 = tpu.memref_slice %arg5[%mul3A_2, %dma_wait3A_26] : memref<1024x128xi32, #tpu.memory_space<hbm>> -> memref<32x128xi32, #tpu.memory_space<hbm>>
      tpu.wait_dma2 semaphore(%run_scoped3A : memref<!tpu.dma_semaphore, #tpu.memory_space<semaphore_mem>>) src(%dma_wait3A_27 : memref<32x128xi32, #tpu.memory_space<hbm>>) dst(%arg8 : memref<32x128xi32, #tpu.memory_space<vmem>>)
      tpu.yield
    }) : () -> ()
    %dma_start3A = arith.constant 0 : i32
    %dma_start3A_3 = arith.constant 0 : i32
    %dma_start3A_4 = tpu.memref_slice %arg7[%dma_start3A, %dma_start3A_3] : memref<32x128xi32, #tpu.memory_space<vmem>> -> memref<1x128xi32, #tpu.memory_space<vmem>>
    %dma_start3A_5 = tpu.memref_squeeze %dma_start3A_4 : memref<1x128xi32, #tpu.memory_space<vmem>> -> memref<128xi32, #tpu.memory_space<vmem>>
    %dma_start3A_6 = arith.constant 0 : i32
    %dma_start3A_7 = arith.constant 0 : i32
    %dma_start3A_8 = tpu.memref_slice %arg2[%dma_start3A_6, %dma_start3A_7] : memref<8192x128xf32, #tpu.memory_space<hbm>> -> memref<8192x128xf32, #tpu.memory_space<hbm>>
    tpu.enqueue_indirect_dma source(%dma_start3A_8 : memref<8192x128xf32, #tpu.memory_space<hbm>>) target(%arg9 : memref<128x128xf32, #tpu.memory_space<vmem>>) offsets(%dma_start3A_5 : memref<128xi32, #tpu.memory_space<vmem>>) semaphore(%arg13 : memref<!tpu.dma_semaphore, #tpu.memory_space<semaphore_mem>>)
    %dma_start3A_9 = arith.constant 0 : i32
    %dma_start3A_10 = arith.constant 0 : i32
    %dma_start3A_11 = tpu.memref_slice %arg8[%dma_start3A_9, %dma_start3A_10] : memref<32x128xi32, #tpu.memory_space<vmem>> -> memref<1x128xi32, #tpu.memory_space<vmem>>
    %dma_start3A_12 = tpu.memref_squeeze %dma_start3A_11 : memref<1x128xi32, #tpu.memory_space<vmem>> -> memref<128xi32, #tpu.memory_space<vmem>>
    %dma_start3A_13 = arith.constant 0 : i32
    %dma_start3A_14 = arith.constant 0 : i32
    %dma_start3A_15 = tpu.memref_slice %arg3[%dma_start3A_13, %dma_start3A_14] : memref<8192x128xf32, #tpu.memory_space<hbm>> -> memref<8192x128xf32, #tpu.memory_space<hbm>>
    tpu.enqueue_indirect_dma source(%dma_start3A_15 : memref<8192x128xf32, #tpu.memory_space<hbm>>) target(%arg10 : memref<128x128xf32, #tpu.memory_space<vmem>>) offsets(%dma_start3A_12 : memref<128xi32, #tpu.memory_space<vmem>>) semaphore(%arg13 : memref<!tpu.dma_semaphore, #tpu.memory_space<semaphore_mem>>)
    %scan3A = arith.constant 0 : i32
    %scan3A_16 = arith.constant 0 : i32
    %scan3A_17 = arith.constant 16 : i32
    %scan3A_18 = arith.addi %scan3A_16, %scan3A_17 : i32
    %scan3A_19 = arith.constant 1 : i32
    scf.for %scan3A_21 = %scan3A_16 to %scan3A_18 step %scan3A_19  : i32 {
      %mul3A_22 = arith.constant 2 : i32
      %mul3A_23 = arith.muli %mul3A_22, %scan3A_21 : i32
      %add3A_24 = arith.constant 1 : i32
      %add3A_25 = arith.addi %mul3A_23, %add3A_24 : i32
      %dma_start3A_26 = arith.constant 0 : i32
      %dma_start3A_27 = tpu.memref_slice %arg7[%add3A_25, %dma_start3A_26] : memref<32x128xi32, #tpu.memory_space<vmem>> -> memref<1x128xi32, #tpu.memory_space<vmem>>
      %dma_start3A_28 = tpu.memref_squeeze %dma_start3A_27 : memref<1x128xi32, #tpu.memory_space<vmem>> -> memref<128xi32, #tpu.memory_space<vmem>>
      %dma_start3A_29 = arith.constant 0 : i32
      %dma_start3A_30 = arith.constant 0 : i32
      %dma_start3A_31 = tpu.memref_slice %arg2[%dma_start3A_29, %dma_start3A_30] : memref<8192x128xf32, #tpu.memory_space<hbm>> -> memref<8192x128xf32, #tpu.memory_space<hbm>>
      tpu.enqueue_indirect_dma source(%dma_start3A_31 : memref<8192x128xf32, #tpu.memory_space<hbm>>) target(%arg11 : memref<128x128xf32, #tpu.memory_space<vmem>>) offsets(%dma_start3A_28 : memref<128xi32, #tpu.memory_space<vmem>>) semaphore(%arg14 : memref<!tpu.dma_semaphore, #tpu.memory_space<semaphore_mem>>)
      %dma_start3A_32 = arith.constant 0 : i32
      %dma_start3A_33 = tpu.memref_slice %arg8[%add3A_25, %dma_start3A_32] : memref<32x128xi32, #tpu.memory_space<vmem>> -> memref<1x128xi32, #tpu.memory_space<vmem>>
      %dma_start3A_34 = tpu.memref_squeeze %dma_start3A_33 : memref<1x128xi32, #tpu.memory_space<vmem>> -> memref<128xi32, #tpu.memory_space<vmem>>
      %dma_start3A_35 = arith.constant 0 : i32
      %dma_start3A_36 = arith.constant 0 : i32
      %dma_start3A_37 = tpu.memref_slice %arg3[%dma_start3A_35, %dma_start3A_36] : memref<8192x128xf32, #tpu.memory_space<hbm>> -> memref<8192x128xf32, #tpu.memory_space<hbm>>
      tpu.enqueue_indirect_dma source(%dma_start3A_37 : memref<8192x128xf32, #tpu.memory_space<hbm>>) target(%arg12 : memref<128x128xf32, #tpu.memory_space<vmem>>) offsets(%dma_start3A_34 : memref<128xi32, #tpu.memory_space<vmem>>) semaphore(%arg14 : memref<!tpu.dma_semaphore, #tpu.memory_space<semaphore_mem>>)
      %dma_wait3A = arith.constant 0 : i32
      %dma_wait3A_38 = arith.constant 0 : i32
      %dma_wait3A_39 = tpu.memref_slice %arg7[%dma_wait3A, %dma_wait3A_38] : memref<32x128xi32, #tpu.memory_space<vmem>> -> memref<1x128xi32, #tpu.memory_space<vmem>>
      %dma_wait3A_40 = tpu.memref_squeeze %dma_wait3A_39 : memref<1x128xi32, #tpu.memory_space<vmem>> -> memref<128xi32, #tpu.memory_space<vmem>>
      %dma_wait3A_41 = arith.constant 0 : i32
      %dma_wait3A_42 = arith.constant 0 : i32
      %dma_wait3A_43 = tpu.memref_slice %arg2[%dma_wait3A_41, %dma_wait3A_42] : memref<8192x128xf32, #tpu.memory_space<hbm>> -> memref<8192x128xf32, #tpu.memory_space<hbm>>
      tpu.wait_indirect_dma semaphore(%arg13 : memref<!tpu.dma_semaphore, #tpu.memory_space<semaphore_mem>>) src(%dma_wait3A_43 : memref<8192x128xf32, #tpu.memory_space<hbm>>) dst(%arg9 : memref<128x128xf32, #tpu.memory_space<vmem>>)
      %dma_wait3A_44 = arith.constant 0 : i32
      %dma_wait3A_45 = arith.constant 0 : i32
      %dma_wait3A_46 = tpu.memref_slice %arg8[%dma_wait3A_44, %dma_wait3A_45] : memref<32x128xi32, #tpu.memory_space<vmem>> -> memref<1x128xi32, #tpu.memory_space<vmem>>
      %dma_wait3A_47 = tpu.memref_squeeze %dma_wait3A_46 : memref<1x128xi32, #tpu.memory_space<vmem>> -> memref<128xi32, #tpu.memory_space<vmem>>
      %dma_wait3A_48 = arith.constant 0 : i32
      %dma_wait3A_49 = arith.constant 0 : i32
      %dma_wait3A_50 = tpu.memref_slice %arg3[%dma_wait3A_48, %dma_wait3A_49] : memref<8192x128xf32, #tpu.memory_space<hbm>> -> memref<8192x128xf32, #tpu.memory_space<hbm>>
      tpu.wait_indirect_dma semaphore(%arg13 : memref<!tpu.dma_semaphore, #tpu.memory_space<semaphore_mem>>) src(%dma_wait3A_50 : memref<8192x128xf32, #tpu.memory_space<hbm>>) dst(%arg10 : memref<128x128xf32, #tpu.memory_space<vmem>>)
      %scan3A_51 = arith.constant 0 : i32
      %scan3A_52 = arith.constant 0 : i32
      %scan3A_53 = arith.constant 128 : i32
      %scan3A_54 = arith.addi %scan3A_52, %scan3A_53 : i32
      %scan3A_55 = arith.constant 1 : i32
      scf.for %scan3A_85 = %scan3A_52 to %scan3A_54 step %scan3A_55  : i32 {
        %get3A = arith.index_cast %scan3A_85 : i32 to index
        %get3A_86 = arith.constant 0 : index
        %get3A_87 = tpu.vector_load %arg9[%get3A, %get3A_86] {strides = array<i32>} : memref<128x128xf32, #tpu.memory_space<vmem>>, vector<1x16xf32>,
        %get3A_88 = vector.shape_cast %get3A_87 : vector<1x16xf32> to vector<16xf32>
        %get3A_89 = arith.index_cast %scan3A_85 : i32 to index
        %get3A_90 = arith.constant 0 : index
        %get3A_91 = tpu.vector_load %arg10[%get3A_89, %get3A_90] {strides = array<i32>} : memref<128x128xf32, #tpu.memory_space<vmem>>, vector<1x16xf32>,
        %get3A_92 = vector.shape_cast %get3A_91 : vector<1x16xf32> to vector<16xf32>
        %add3A_93 = arith.addf %get3A_88, %get3A_92 : vector<16xf32>
        %swap3A = arith.index_cast %scan3A_85 : i32 to index
        %swap3A_94 = arith.constant 0 : index
        %swap3A_95 = tpu.vector_load %arg9[%swap3A, %swap3A_94] {strides = array<i32>} : memref<128x128xf32, #tpu.memory_space<vmem>>, vector<1x16xf32>,
        %swap3A_96 = vector.shape_cast %swap3A_95 : vector<1x16xf32> to vector<16xf32>
        %swap3A_97 = vector.shape_cast %add3A_93 : vector<16xf32> to vector<1x16xf32>
        tpu.vector_store %arg9[%swap3A, %swap3A_94], %swap3A_97 {strides = array<i32>} : memref<128x128xf32, #tpu.memory_space<vmem>>, vector<1x16xf32>,
        %get3A_98 = arith.index_cast %scan3A_85 : i32 to index
        %get3A_99 = arith.constant 16 : index
        %get3A_100 = tpu.vector_load %arg9[%get3A_98, %get3A_99] {strides = array<i32>} : memref<128x128xf32, #tpu.memory_space<vmem>>, vector<1x16xf32>,
        %get3A_101 = vector.shape_cast %get3A_100 : vector<1x16xf32> to vector<16xf32>
        %get3A_102 = arith.index_cast %scan3A_85 : i32 to index
        %get3A_103 = arith.constant 16 : index
        %get3A_104 = tpu.vector_load %arg10[%get3A_102, %get3A_103] {strides = array<i32>} : memref<128x128xf32, #tpu.memory_space<vmem>>, vector<1x16xf32>,
        %get3A_105 = vector.shape_cast %get3A_104 : vector<1x16xf32> to vector<16xf32>
        %add3A_106 = arith.addf %get3A_101, %get3A_105 : vector<16xf32>
        %swap3A_107 = arith.index_cast %scan3A_85 : i32 to index
        %swap3A_108 = arith.constant 16 : index
        %swap3A_109 = tpu.vector_load %arg9[%swap3A_107, %swap3A_108] {strides = array<i32>} : memref<128x128xf32, #tpu.memory_space<vmem>>, vector<1x16xf32>,
        %swap3A_110 = vector.shape_cast %swap3A_109 : vector<1x16xf32> to vector<16xf32>
        %swap3A_111 = vector.shape_cast %add3A_106 : vector<16xf32> to vector<1x16xf32>
        tpu.vector_store %arg9[%swap3A_107, %swap3A_108], %swap3A_111 {strides = array<i32>} : memref<128x128xf32, #tpu.memory_space<vmem>>, vector<1x16xf32>,
        %get3A_112 = arith.index_cast %scan3A_85 : i32 to index
        %get3A_113 = arith.constant 32 : index
        %get3A_114 = tpu.vector_load %arg9[%get3A_112, %get3A_113] {strides = array<i32>} : memref<128x128xf32, #tpu.memory_space<vmem>>, vector<1x16xf32>,
        %get3A_115 = vector.shape_cast %get3A_114 : vector<1x16xf32> to vector<16xf32>
        %get3A_116 = arith.index_cast %scan3A_85 : i32 to index
        %get3A_117 = arith.constant 32 : index
        %get3A_118 = tpu.vector_load %arg10[%get3A_116, %get3A_117] {strides = array<i32>} : memref<128x128xf32, #tpu.memory_space<vmem>>, vector<1x16xf32>,
        %get3A_119 = vector.shape_cast %get3A_118 : vector<1x16xf32> to vector<16xf32>
        %add3A_120 = arith.addf %get3A_115, %get3A_119 : vector<16xf32>
        %swap3A_121 = arith.index_cast %scan3A_85 : i32 to index
        %swap3A_122 = arith.constant 32 : index
        %swap3A_123 = tpu.vector_load %arg9[%swap3A_121, %swap3A_122] {strides = array<i32>} : memref<128x128xf32, #tpu.memory_space<vmem>>, vector<1x16xf32>,
        %swap3A_124 = vector.shape_cast %swap3A_123 : vector<1x16xf32> to vector<16xf32>
        %swap3A_125 = vector.shape_cast %add3A_120 : vector<16xf32> to vector<1x16xf32>
        tpu.vector_store %arg9[%swap3A_121, %swap3A_122], %swap3A_125 {strides = array<i32>} : memref<128x128xf32, #tpu.memory_space<vmem>>, vector<1x16xf32>,
        %get3A_126 = arith.index_cast %scan3A_85 : i32 to index
        %get3A_127 = arith.constant 48 : index
        %get3A_128 = tpu.vector_load %arg9[%get3A_126, %get3A_127] {strides = array<i32>} : memref<128x128xf32, #tpu.memory_space<vmem>>, vector<1x16xf32>,
        %get3A_129 = vector.shape_cast %get3A_128 : vector<1x16xf32> to vector<16xf32>
        %get3A_130 = arith.index_cast %scan3A_85 : i32 to index
        %get3A_131 = arith.constant 48 : index
        %get3A_132 = tpu.vector_load %arg10[%get3A_130, %get3A_131] {strides = array<i32>} : memref<128x128xf32, #tpu.memory_space<vmem>>, vector<1x16xf32>,
        %get3A_133 = vector.shape_cast %get3A_132 : vector<1x16xf32> to vector<16xf32>
        %add3A_134 = arith.addf %get3A_129, %get3A_133 : vector<16xf32>
        %swap3A_135 = arith.index_cast %scan3A_85 : i32 to index
        %swap3A_136 = arith.constant 48 : index
        %swap3A_137 = tpu.vector_load %arg9[%swap3A_135, %swap3A_136] {strides = array<i32>} : memref<128x128xf32, #tpu.memory_space<vmem>>, vector<1x16xf32>,
        %swap3A_138 = vector.shape_cast %swap3A_137 : vector<1x16xf32> to vector<16xf32>
        %swap3A_139 = vector.shape_cast %add3A_134 : vector<16xf32> to vector<1x16xf32>
        tpu.vector_store %arg9[%swap3A_135, %swap3A_136], %swap3A_139 {strides = array<i32>} : memref<128x128xf32, #tpu.memory_space<vmem>>, vector<1x16xf32>,
        %get3A_140 = arith.index_cast %scan3A_85 : i32 to index
        %get3A_141 = arith.constant 64 : index
        %get3A_142 = tpu.vector_load %arg9[%get3A_140, %get3A_141] {strides = array<i32>} : memref<128x128xf32, #tpu.memory_space<vmem>>, vector<1x16xf32>,
        %get3A_143 = vector.shape_cast %get3A_142 : vector<1x16xf32> to vector<16xf32>
        %get3A_144 = arith.index_cast %scan3A_85 : i32 to index
        %get3A_145 = arith.constant 64 : index
        %get3A_146 = tpu.vector_load %arg10[%get3A_144, %get3A_145] {strides = array<i32>} : memref<128x128xf32, #tpu.memory_space<vmem>>, vector<1x16xf32>,
        %get3A_147 = vector.shape_cast %get3A_146 : vector<1x16xf32> to vector<16xf32>
        %sub3A = arith.subf %get3A_143, %get3A_147 : vector<16xf32>
        %swap3A_148 = arith.index_cast %scan3A_85 : i32 to index
        %swap3A_149 = arith.constant 64 : index
        %swap3A_150 = tpu.vector_load %arg9[%swap3A_148, %swap3A_149] {strides = array<i32>} : memref<128x128xf32, #tpu.memory_space<vmem>>, vector<1x16xf32>,
        %swap3A_151 = vector.shape_cast %swap3A_150 : vector<1x16xf32> to vector<16xf32>
        %swap3A_152 = vector.shape_cast %sub3A : vector<16xf32> to vector<1x16xf32>
        tpu.vector_store %arg9[%swap3A_148, %swap3A_149], %swap3A_152 {strides = array<i32>} : memref<128x128xf32, #tpu.memory_space<vmem>>, vector<1x16xf32>,
      }
      %scan3A_56 = arith.constant 128 : i32
      %add3A_57 = arith.addi %mul3A_2, %mul3A_23 : i32
      "tpu.region"() ({
        %run_scoped3A = tpu.sem_alloc : memref<!tpu.dma_semaphore, #tpu.memory_space<semaphore_mem>>
        %dma_start3A_85 = arith.constant 0 : i32
        %dma_start3A_86 = arith.constant 0 : i32
        %dma_start3A_87 = tpu.memref_slice %arg6[%add3A_57, %dma_start3A_85, %dma_start3A_86] : memref<1024x128x128xf32, #tpu.memory_space<hbm>> -> memref<1x128x128xf32, #tpu.memory_space<hbm>>
        %dma_start3A_88 = tpu.memref_squeeze %dma_start3A_87 : memref<1x128x128xf32, #tpu.memory_space<hbm>> -> memref<128x128xf32, #tpu.memory_space<hbm>>
        %dma_start3A_89 = arith.constant 0 : i32
        %dma_start3A_90 = arith.constant 0 : i32
        %dma_start3A_91 = tpu.memref_slice %arg6[%add3A_57, %dma_start3A_89, %dma_start3A_90] : memref<1024x128x128xf32, #tpu.memory_space<hbm>> -> memref<1x128x128xf32, #tpu.memory_space<hbm>>
        %dma_start3A_92 = tpu.memref_squeeze %dma_start3A_91 : memref<1x128x128xf32, #tpu.memory_space<hbm>> -> memref<128x128xf32, #tpu.memory_space<hbm>>
        tpu.enqueue_dma source(%arg9 : memref<128x128xf32, #tpu.memory_space<vmem>>) target(%dma_start3A_92 : memref<128x128xf32, #tpu.memory_space<hbm>>) target_semaphore(%run_scoped3A : memref<!tpu.dma_semaphore, #tpu.memory_space<semaphore_mem>>)
        %dma_wait3A_93 = arith.constant 0 : i32
        %dma_wait3A_94 = arith.constant 0 : i32
        %dma_wait3A_95 = tpu.memref_slice %arg6[%add3A_57, %dma_wait3A_93, %dma_wait3A_94] : memref<1024x128x128xf32, #tpu.memory_space<hbm>> -> memref<1x128x128xf32, #tpu.memory_space<hbm>>
        %dma_wait3A_96 = tpu.memref_squeeze %dma_wait3A_95 : memref<1x128x128xf32, #tpu.memory_space<hbm>> -> memref<128x128xf32, #tpu.memory_space<hbm>>
        %dma_wait3A_97 = arith.constant 0 : i32
        %dma_wait3A_98 = arith.constant 0 : i32
        %dma_wait3A_99 = tpu.memref_slice %arg6[%add3A_57, %dma_wait3A_97, %dma_wait3A_98] : memref<1024x128x128xf32, #tpu.memory_space<hbm>> -> memref<1x128x128xf32, #tpu.memory_space<hbm>>
        %dma_wait3A_100 = tpu.memref_squeeze %dma_wait3A_99 : memref<1x128x128xf32, #tpu.memory_space<hbm>> -> memref<128x128xf32, #tpu.memory_space<hbm>>
        tpu.wait_dma2 semaphore(%run_scoped3A : memref<!tpu.dma_semaphore, #tpu.memory_space<semaphore_mem>>) src(%arg9 : memref<128x128xf32, #tpu.memory_space<vmem>>) dst(%dma_wait3A_100 : memref<128x128xf32, #tpu.memory_space<hbm>>)
        tpu.yield
      }) : () -> ()
      %add3A_58 = arith.constant 2 : i32
      %add3A_59 = arith.addi %mul3A_23, %add3A_58 : i32
      %lt3A = arith.constant 32 : i32
      %lt3A_60 = arith.cmpi slt, %add3A_59, %lt3A : i32
      %convert_element_type3A = arith.extui %lt3A_60 : i1 to i32
      %cond3A = arith.constant 0 : i32
      %cond3A_61 = arith.cmpi ne, %convert_element_type3A, %cond3A : i32
      scf.if %cond3A_61 {
        %add3A_85 = arith.constant 2 : i32
        %add3A_86 = arith.addi %mul3A_23, %add3A_85 : i32
        %dma_start3A_87 = arith.constant 0 : i32
        %dma_start3A_88 = tpu.memref_slice %arg7[%add3A_86, %dma_start3A_87] : memref<32x128xi32, #tpu.memory_space<vmem>> -> memref<1x128xi32, #tpu.memory_space<vmem>>
        %dma_start3A_89 = tpu.memref_squeeze %dma_start3A_88 : memref<1x128xi32, #tpu.memory_space<vmem>> -> memref<128xi32, #tpu.memory_space<vmem>>
        %dma_start3A_90 = arith.constant 0 : i32
        %dma_start3A_91 = arith.constant 0 : i32
        %dma_start3A_92 = tpu.memref_slice %arg2[%dma_start3A_90, %dma_start3A_91] : memref<8192x128xf32, #tpu.memory_space<hbm>> -> memref<8192x128xf32, #tpu.memory_space<hbm>>
        tpu.enqueue_indirect_dma source(%dma_start3A_92 : memref<8192x128xf32, #tpu.memory_space<hbm>>) target(%arg9 : memref<128x128xf32, #tpu.memory_space<vmem>>) offsets(%dma_start3A_89 : memref<128xi32, #tpu.memory_space<vmem>>) semaphore(%arg13 : memref<!tpu.dma_semaphore, #tpu.memory_space<semaphore_mem>>)
        %dma_start3A_93 = arith.constant 0 : i32
        %dma_start3A_94 = tpu.memref_slice %arg8[%add3A_86, %dma_start3A_93] : memref<32x128xi32, #tpu.memory_space<vmem>> -> memref<1x128xi32, #tpu.memory_space<vmem>>
        %dma_start3A_95 = tpu.memref_squeeze %dma_start3A_94 : memref<1x128xi32, #tpu.memory_space<vmem>> -> memref<128xi32, #tpu.memory_space<vmem>>
        %dma_start3A_96 = arith.constant 0 : i32
        %dma_start3A_97 = arith.constant 0 : i32
        %dma_start3A_98 = tpu.memref_slice %arg3[%dma_start3A_96, %dma_start3A_97] : memref<8192x128xf32, #tpu.memory_space<hbm>> -> memref<8192x128xf32, #tpu.memory_space<hbm>>
        tpu.enqueue_indirect_dma source(%dma_start3A_98 : memref<8192x128xf32, #tpu.memory_space<hbm>>) target(%arg10 : memref<128x128xf32, #tpu.memory_space<vmem>>) offsets(%dma_start3A_95 : memref<128xi32, #tpu.memory_space<vmem>>) semaphore(%arg13 : memref<!tpu.dma_semaphore, #tpu.memory_space<semaphore_mem>>)
      } else {
      }
      %dma_wait3A_62 = arith.constant 0 : i32
      %dma_wait3A_63 = arith.constant 0 : i32
      %dma_wait3A_64 = tpu.memref_slice %arg7[%dma_wait3A_62, %dma_wait3A_63] : memref<32x128xi32, #tpu.memory_space<vmem>> -> memref<1x128xi32, #tpu.memory_space<vmem>>
      %dma_wait3A_65 = tpu.memref_squeeze %dma_wait3A_64 : memref<1x128xi32, #tpu.memory_space<vmem>> -> memref<128xi32, #tpu.memory_space<vmem>>
      %dma_wait3A_66 = arith.constant 0 : i32
      %dma_wait3A_67 = arith.constant 0 : i32
      %dma_wait3A_68 = tpu.memref_slice %arg2[%dma_wait3A_66, %dma_wait3A_67] : memref<8192x128xf32, #tpu.memory_space<hbm>> -> memref<8192x128xf32, #tpu.memory_space<hbm>>
      tpu.wait_indirect_dma semaphore(%arg14 : memref<!tpu.dma_semaphore, #tpu.memory_space<semaphore_mem>>) src(%dma_wait3A_68 : memref<8192x128xf32, #tpu.memory_space<hbm>>) dst(%arg11 : memref<128x128xf32, #tpu.memory_space<vmem>>)
      %dma_wait3A_69 = arith.constant 0 : i32
      %dma_wait3A_70 = arith.constant 0 : i32
      %dma_wait3A_71 = tpu.memref_slice %arg8[%dma_wait3A_69, %dma_wait3A_70] : memref<32x128xi32, #tpu.memory_space<vmem>> -> memref<1x128xi32, #tpu.memory_space<vmem>>
      %dma_wait3A_72 = tpu.memref_squeeze %dma_wait3A_71 : memref<1x128xi32, #tpu.memory_space<vmem>> -> memref<128xi32, #tpu.memory_space<vmem>>
      %dma_wait3A_73 = arith.constant 0 : i32
      %dma_wait3A_74 = arith.constant 0 : i32
      %dma_wait3A_75 = tpu.memref_slice %arg3[%dma_wait3A_73, %dma_wait3A_74] : memref<8192x128xf32, #tpu.memory_space<hbm>> -> memref<8192x128xf32, #tpu.memory_space<hbm>>
      tpu.wait_indirect_dma semaphore(%arg14 : memref<!tpu.dma_semaphore, #tpu.memory_space<semaphore_mem>>) src(%dma_wait3A_75 : memref<8192x128xf32, #tpu.memory_space<hbm>>) dst(%arg12 : memref<128x128xf32, #tpu.memory_space<vmem>>)
      %add3A_76 = arith.constant 1 : i32
      %add3A_77 = arith.addi %mul3A_23, %add3A_76 : i32
      %scan3A_78 = arith.constant 0 : i32
      %scan3A_79 = arith.constant 0 : i32
      %scan3A_80 = arith.constant 128 : i32
      %scan3A_81 = arith.addi %scan3A_79, %scan3A_80 : i32
      %scan3A_82 = arith.constant 1 : i32
      scf.for %scan3A_85 = %scan3A_79 to %scan3A_81 step %scan3A_82  : i32 {
        %get3A = arith.index_cast %scan3A_85 : i32 to index
        %get3A_86 = arith.constant 0 : index
        %get3A_87 = tpu.vector_load %arg11[%get3A, %get3A_86] {strides = array<i32>} : memref<128x128xf32, #tpu.memory_space<vmem>>, vector<1x16xf32>,
        %get3A_88 = vector.shape_cast %get3A_87 : vector<1x16xf32> to vector<16xf32>
        %get3A_89 = arith.index_cast %scan3A_85 : i32 to index
        %get3A_90 = arith.constant 0 : index
        %get3A_91 = tpu.vector_load %arg12[%get3A_89, %get3A_90] {strides = array<i32>} : memref<128x128xf32, #tpu.memory_space<vmem>>, vector<1x16xf32>,
        %get3A_92 = vector.shape_cast %get3A_91 : vector<1x16xf32> to vector<16xf32>
        %add3A_93 = arith.addf %get3A_88, %get3A_92 : vector<16xf32>
        %swap3A = arith.index_cast %scan3A_85 : i32 to index
        %swap3A_94 = arith.constant 0 : index
        %swap3A_95 = tpu.vector_load %arg11[%swap3A, %swap3A_94] {strides = array<i32>} : memref<128x128xf32, #tpu.memory_space<vmem>>, vector<1x16xf32>,
        %swap3A_96 = vector.shape_cast %swap3A_95 : vector<1x16xf32> to vector<16xf32>
        %swap3A_97 = vector.shape_cast %add3A_93 : vector<16xf32> to vector<1x16xf32>
        tpu.vector_store %arg11[%swap3A, %swap3A_94], %swap3A_97 {strides = array<i32>} : memref<128x128xf32, #tpu.memory_space<vmem>>, vector<1x16xf32>,
        %get3A_98 = arith.index_cast %scan3A_85 : i32 to index
        %get3A_99 = arith.constant 16 : index
        %get3A_100 = tpu.vector_load %arg11[%get3A_98, %get3A_99] {strides = array<i32>} : memref<128x128xf32, #tpu.memory_space<vmem>>, vector<1x16xf32>,
        %get3A_101 = vector.shape_cast %get3A_100 : vector<1x16xf32> to vector<16xf32>
        %get3A_102 = arith.index_cast %scan3A_85 : i32 to index
        %get3A_103 = arith.constant 16 : index
        %get3A_104 = tpu.vector_load %arg12[%get3A_102, %get3A_103] {strides = array<i32>} : memref<128x128xf32, #tpu.memory_space<vmem>>, vector<1x16xf32>,
        %get3A_105 = vector.shape_cast %get3A_104 : vector<1x16xf32> to vector<16xf32>
        %add3A_106 = arith.addf %get3A_101, %get3A_105 : vector<16xf32>
        %swap3A_107 = arith.index_cast %scan3A_85 : i32 to index
        %swap3A_108 = arith.constant 16 : index
        %swap3A_109 = tpu.vector_load %arg11[%swap3A_107, %swap3A_108] {strides = array<i32>} : memref<128x128xf32, #tpu.memory_space<vmem>>, vector<1x16xf32>,
        %swap3A_110 = vector.shape_cast %swap3A_109 : vector<1x16xf32> to vector<16xf32>
        %swap3A_111 = vector.shape_cast %add3A_106 : vector<16xf32> to vector<1x16xf32>
        tpu.vector_store %arg11[%swap3A_107, %swap3A_108], %swap3A_111 {strides = array<i32>} : memref<128x128xf32, #tpu.memory_space<vmem>>, vector<1x16xf32>,
        %get3A_112 = arith.index_cast %scan3A_85 : i32 to index
        %get3A_113 = arith.constant 32 : index
        %get3A_114 = tpu.vector_load %arg11[%get3A_112, %get3A_113] {strides = array<i32>} : memref<128x128xf32, #tpu.memory_space<vmem>>, vector<1x16xf32>,
        %get3A_115 = vector.shape_cast %get3A_114 : vector<1x16xf32> to vector<16xf32>
        %get3A_116 = arith.index_cast %scan3A_85 : i32 to index
        %get3A_117 = arith.constant 32 : index
        %get3A_118 = tpu.vector_load %arg12[%get3A_116, %get3A_117] {strides = array<i32>} : memref<128x128xf32, #tpu.memory_space<vmem>>, vector<1x16xf32>,
        %get3A_119 = vector.shape_cast %get3A_118 : vector<1x16xf32> to vector<16xf32>
        %add3A_120 = arith.addf %get3A_115, %get3A_119 : vector<16xf32>
        %swap3A_121 = arith.index_cast %scan3A_85 : i32 to index
        %swap3A_122 = arith.constant 32 : index
        %swap3A_123 = tpu.vector_load %arg11[%swap3A_121, %swap3A_122] {strides = array<i32>} : memref<128x128xf32, #tpu.memory_space<vmem>>, vector<1x16xf32>,
        %swap3A_124 = vector.shape_cast %swap3A_123 : vector<1x16xf32> to vector<16xf32>
        %swap3A_125 = vector.shape_cast %add3A_120 : vector<16xf32> to vector<1x16xf32>
        tpu.vector_store %arg11[%swap3A_121, %swap3A_122], %swap3A_125 {strides = array<i32>} : memref<128x128xf32, #tpu.memory_space<vmem>>, vector<1x16xf32>,
        %get3A_126 = arith.index_cast %scan3A_85 : i32 to index
        %get3A_127 = arith.constant 48 : index
        %get3A_128 = tpu.vector_load %arg11[%get3A_126, %get3A_127] {strides = array<i32>} : memref<128x128xf32, #tpu.memory_space<vmem>>, vector<1x16xf32>,
        %get3A_129 = vector.shape_cast %get3A_128 : vector<1x16xf32> to vector<16xf32>
        %get3A_130 = arith.index_cast %scan3A_85 : i32 to index
        %get3A_131 = arith.constant 48 : index
        %get3A_132 = tpu.vector_load %arg12[%get3A_130, %get3A_131] {strides = array<i32>} : memref<128x128xf32, #tpu.memory_space<vmem>>, vector<1x16xf32>,
        %get3A_133 = vector.shape_cast %get3A_132 : vector<1x16xf32> to vector<16xf32>
        %add3A_134 = arith.addf %get3A_129, %get3A_133 : vector<16xf32>
        %swap3A_135 = arith.index_cast %scan3A_85 : i32 to index
        %swap3A_136 = arith.constant 48 : index
        %swap3A_137 = tpu.vector_load %arg11[%swap3A_135, %swap3A_136] {strides = array<i32>} : memref<128x128xf32, #tpu.memory_space<vmem>>, vector<1x16xf32>,
        %swap3A_138 = vector.shape_cast %swap3A_137 : vector<1x16xf32> to vector<16xf32>
        %swap3A_139 = vector.shape_cast %add3A_134 : vector<16xf32> to vector<1x16xf32>
        tpu.vector_store %arg11[%swap3A_135, %swap3A_136], %swap3A_139 {strides = array<i32>} : memref<128x128xf32, #tpu.memory_space<vmem>>, vector<1x16xf32>,
        %get3A_140 = arith.index_cast %scan3A_85 : i32 to index
        %get3A_141 = arith.constant 64 : index
        %get3A_142 = tpu.vector_load %arg11[%get3A_140, %get3A_141] {strides = array<i32>} : memref<128x128xf32, #tpu.memory_space<vmem>>, vector<1x16xf32>,
        %get3A_143 = vector.shape_cast %get3A_142 : vector<1x16xf32> to vector<16xf32>
        %get3A_144 = arith.index_cast %scan3A_85 : i32 to index
        %get3A_145 = arith.constant 64 : index
        %get3A_146 = tpu.vector_load %arg12[%get3A_144, %get3A_145] {strides = array<i32>} : memref<128x128xf32, #tpu.memory_space<vmem>>, vector<1x16xf32>,
        %get3A_147 = vector.shape_cast %get3A_146 : vector<1x16xf32> to vector<16xf32>
        %sub3A = arith.subf %get3A_143, %get3A_147 : vector<16xf32>
        %swap3A_148 = arith.index_cast %scan3A_85 : i32 to index
        %swap3A_149 = arith.constant 64 : index
        %swap3A_150 = tpu.vector_load %arg11[%swap3A_148, %swap3A_149] {strides = array<i32>} : memref<128x128xf32, #tpu.memory_space<vmem>>, vector<1x16xf32>,
        %swap3A_151 = vector.shape_cast %swap3A_150 : vector<1x16xf32> to vector<16xf32>
        %swap3A_152 = vector.shape_cast %sub3A : vector<16xf32> to vector<1x16xf32>
        tpu.vector_store %arg11[%swap3A_148, %swap3A_149], %swap3A_152 {strides = array<i32>} : memref<128x128xf32, #tpu.memory_space<vmem>>, vector<1x16xf32>,
      }
      %scan3A_83 = arith.constant 128 : i32
      %add3A_84 = arith.addi %mul3A_2, %add3A_77 : i32
      "tpu.region"() ({
        %run_scoped3A = tpu.sem_alloc : memref<!tpu.dma_semaphore, #tpu.memory_space<semaphore_mem>>
        %dma_start3A_85 = arith.constant 0 : i32
        %dma_start3A_86 = arith.constant 0 : i32
        %dma_start3A_87 = tpu.memref_slice %arg6[%add3A_84, %dma_start3A_85, %dma_start3A_86] : memref<1024x128x128xf32, #tpu.memory_space<hbm>> -> memref<1x128x128xf32, #tpu.memory_space<hbm>>
        %dma_start3A_88 = tpu.memref_squeeze %dma_start3A_87 : memref<1x128x128xf32, #tpu.memory_space<hbm>> -> memref<128x128xf32, #tpu.memory_space<hbm>>
        %dma_start3A_89 = arith.constant 0 : i32
        %dma_start3A_90 = arith.constant 0 : i32
        %dma_start3A_91 = tpu.memref_slice %arg6[%add3A_84, %dma_start3A_89, %dma_start3A_90] : memref<1024x128x128xf32, #tpu.memory_space<hbm>> -> memref<1x128x128xf32, #tpu.memory_space<hbm>>
        %dma_start3A_92 = tpu.memref_squeeze %dma_start3A_91 : memref<1x128x128xf32, #tpu.memory_space<hbm>> -> memref<128x128xf32, #tpu.memory_space<hbm>>
        tpu.enqueue_dma source(%arg11 : memref<128x128xf32, #tpu.memory_space<vmem>>) target(%dma_start3A_92 : memref<128x128xf32, #tpu.memory_space<hbm>>) target_semaphore(%run_scoped3A : memref<!tpu.dma_semaphore, #tpu.memory_space<semaphore_mem>>)
        %dma_wait3A_93 = arith.constant 0 : i32
        %dma_wait3A_94 = arith.constant 0 : i32
        %dma_wait3A_95 = tpu.memref_slice %arg6[%add3A_84, %dma_wait3A_93, %dma_wait3A_94] : memref<1024x128x128xf32, #tpu.memory_space<hbm>> -> memref<1x128x128xf32, #tpu.memory_space<hbm>>
        %dma_wait3A_96 = tpu.memref_squeeze %dma_wait3A_95 : memref<1x128x128xf32, #tpu.memory_space<hbm>> -> memref<128x128xf32, #tpu.memory_space<hbm>>
        %dma_wait3A_97 = arith.constant 0 : i32
        %dma_wait3A_98 = arith.constant 0 : i32
        %dma_wait3A_99 = tpu.memref_slice %arg6[%add3A_84, %dma_wait3A_97, %dma_wait3A_98] : memref<1024x128x128xf32, #tpu.memory_space<hbm>> -> memref<1x128x128xf32, #tpu.memory_space<hbm>>
        %dma_wait3A_100 = tpu.memref_squeeze %dma_wait3A_99 : memref<1x128x128xf32, #tpu.memory_space<hbm>> -> memref<128x128xf32, #tpu.memory_space<hbm>>
        tpu.wait_dma2 semaphore(%run_scoped3A : memref<!tpu.dma_semaphore, #tpu.memory_space<semaphore_mem>>) src(%arg11 : memref<128x128xf32, #tpu.memory_space<vmem>>) dst(%dma_wait3A_100 : memref<128x128xf32, #tpu.memory_space<hbm>>)
        tpu.yield
      }) : () -> ()
    }
    %scan3A_20 = arith.constant 16 : i32
    return
  }
}

#map = affine_map<(d0, d1) -> (0, 0, 0)>
#map1 = affine_map<(d0, d1) -> (0, 0)>
module attributes {stable_mosaic.version = 14 : i64} {
  func.func @_sc_scatter_body(%arg0: i32, %arg1: i32, %arg2: memref<256x128x128xf32, #tpu.memory_space<hbm>>, %arg3: memref<256x128xi32, #tpu.memory_space<hbm>>, %arg4: memref<2048x128xf32, #tpu.memory_space<hbm>>, %arg5: memref<2x2048x128xf32, #tpu.memory_space<hbm>>, %arg6: memref<8x128xi32, #tpu.memory_space<vmem>>, %arg7: memref<128x128xf32, #tpu.memory_space<vmem>>, %arg8: memref<128x128xf32, #tpu.memory_space<vmem>>, %arg9: memref<2048x128xf32, #tpu.memory_space<vmem_shared>>, %arg10: memref<!tpu.dma_semaphore, #tpu.memory_space<semaphore_mem>>, %arg11: memref<!tpu.dma_semaphore, #tpu.memory_space<semaphore_mem>>) attributes {dimension_semantics = [#tpu.dimension_semantics<core_parallel>, #tpu.dimension_semantics<subcore_parallel>], iteration_bounds = array<i64: 2, 16>, scalar_prefetch = 0 : i64, scratch_operands = 6 : i64, tpu.core_type = #tpu.core_type<sc_vector_subcore>, window_params = [{transform_indices = #map}, {transform_indices = #map1}, {transform_indices = #map1}, {transform_indices = #map}]} {
    %mul3A = arith.constant 2 : i32
    %mul3A_0 = arith.muli %arg1, %mul3A : i32
    %add3A = arith.addi %mul3A_0, %arg0 : i32
    %mul3A_1 = arith.constant 8 : i32
    %mul3A_2 = arith.muli %add3A, %mul3A_1 : i32
    %mul3A_3 = arith.constant 128 : i32
    %mul3A_4 = arith.muli %arg1, %mul3A_3 : i32
    "tpu.region"() ({
      %run_scoped3A = tpu.sem_alloc : memref<!tpu.dma_semaphore, #tpu.memory_space<semaphore_mem>>
      %dma_start3A_20 = arith.constant 0 : i32
      %dma_start3A_21 = tpu.memref_slice %arg9[%mul3A_4, %dma_start3A_20] : memref<2048x128xf32, #tpu.memory_space<vmem_shared>> -> memref<128x128xf32, #tpu.memory_space<vmem_shared>>
      %dma_start3A_22 = arith.constant 0 : i32
      %dma_start3A_23 = tpu.memref_slice %arg4[%mul3A_4, %dma_start3A_22] : memref<2048x128xf32, #tpu.memory_space<hbm>> -> memref<128x128xf32, #tpu.memory_space<hbm>>
      tpu.enqueue_dma source(%dma_start3A_23 : memref<128x128xf32, #tpu.memory_space<hbm>>) target(%dma_start3A_21 : memref<128x128xf32, #tpu.memory_space<vmem_shared>>) target_semaphore(%run_scoped3A : memref<!tpu.dma_semaphore, #tpu.memory_space<semaphore_mem>>)
      %dma_wait3A = arith.constant 0 : i32
      %dma_wait3A_24 = tpu.memref_slice %arg9[%mul3A_4, %dma_wait3A] : memref<2048x128xf32, #tpu.memory_space<vmem_shared>> -> memref<128x128xf32, #tpu.memory_space<vmem_shared>>
      %dma_wait3A_25 = arith.constant 0 : i32
      %dma_wait3A_26 = tpu.memref_slice %arg4[%mul3A_4, %dma_wait3A_25] : memref<2048x128xf32, #tpu.memory_space<hbm>> -> memref<128x128xf32, #tpu.memory_space<hbm>>
      tpu.wait_dma2 semaphore(%run_scoped3A : memref<!tpu.dma_semaphore, #tpu.memory_space<semaphore_mem>>) src(%dma_wait3A_26 : memref<128x128xf32, #tpu.memory_space<hbm>>) dst(%dma_wait3A_24 : memref<128x128xf32, #tpu.memory_space<vmem_shared>>)
      tpu.yield
    }) : () -> ()
    "tpu.region"() ({
      %run_scoped3A = tpu.sem_alloc : memref<!tpu.dma_semaphore, #tpu.memory_space<semaphore_mem>>
      %dma_start3A_20 = arith.constant 0 : i32
      %dma_start3A_21 = tpu.memref_slice %arg3[%mul3A_2, %dma_start3A_20] : memref<256x128xi32, #tpu.memory_space<hbm>> -> memref<8x128xi32, #tpu.memory_space<hbm>>
      %dma_start3A_22 = arith.constant 0 : i32
      %dma_start3A_23 = tpu.memref_slice %arg3[%mul3A_2, %dma_start3A_22] : memref<256x128xi32, #tpu.memory_space<hbm>> -> memref<8x128xi32, #tpu.memory_space<hbm>>
      tpu.enqueue_dma source(%dma_start3A_23 : memref<8x128xi32, #tpu.memory_space<hbm>>) target(%arg6 : memref<8x128xi32, #tpu.memory_space<vmem>>) target_semaphore(%run_scoped3A : memref<!tpu.dma_semaphore, #tpu.memory_space<semaphore_mem>>)
      %dma_wait3A = arith.constant 0 : i32
      %dma_wait3A_24 = tpu.memref_slice %arg3[%mul3A_2, %dma_wait3A] : memref<256x128xi32, #tpu.memory_space<hbm>> -> memref<8x128xi32, #tpu.memory_space<hbm>>
      %dma_wait3A_25 = arith.constant 0 : i32
      %dma_wait3A_26 = tpu.memref_slice %arg3[%mul3A_2, %dma_wait3A_25] : memref<256x128xi32, #tpu.memory_space<hbm>> -> memref<8x128xi32, #tpu.memory_space<hbm>>
      tpu.wait_dma2 semaphore(%run_scoped3A : memref<!tpu.dma_semaphore, #tpu.memory_space<semaphore_mem>>) src(%dma_wait3A_26 : memref<8x128xi32, #tpu.memory_space<hbm>>) dst(%arg6 : memref<8x128xi32, #tpu.memory_space<vmem>>)
      tpu.yield
    }) : () -> ()
    %barrier3A = arith.constant 0 : index
    tpu.barrier barrier_id(%barrier3A)
    %add3A_5 = arith.constant 0 : i32
    %add3A_6 = arith.addi %mul3A_2, %add3A_5 : i32
    %dma_start3A = arith.constant 0 : i32
    %dma_start3A_7 = arith.constant 0 : i32
    %dma_start3A_8 = tpu.memref_slice %arg2[%add3A_6, %dma_start3A, %dma_start3A_7] : memref<256x128x128xf32, #tpu.memory_space<hbm>> -> memref<1x128x128xf32, #tpu.memory_space<hbm>>
    %dma_start3A_9 = tpu.memref_squeeze %dma_start3A_8 : memref<1x128x128xf32, #tpu.memory_space<hbm>> -> memref<128x128xf32, #tpu.memory_space<hbm>>
    %dma_start3A_10 = arith.constant 0 : i32
    %dma_start3A_11 = arith.constant 0 : i32
    %dma_start3A_12 = tpu.memref_slice %arg2[%add3A_6, %dma_start3A_10, %dma_start3A_11] : memref<256x128x128xf32, #tpu.memory_space<hbm>> -> memref<1x128x128xf32, #tpu.memory_space<hbm>>
    %dma_start3A_13 = tpu.memref_squeeze %dma_start3A_12 : memref<1x128x128xf32, #tpu.memory_space<hbm>> -> memref<128x128xf32, #tpu.memory_space<hbm>>
    tpu.enqueue_dma source(%dma_start3A_13 : memref<128x128xf32, #tpu.memory_space<hbm>>) target(%arg7 : memref<128x128xf32, #tpu.memory_space<vmem>>) target_semaphore(%arg10 : memref<!tpu.dma_semaphore, #tpu.memory_space<semaphore_mem>>)
    %scan3A = arith.constant 0 : i32
    %scan3A_14 = arith.constant 0 : i32
    %scan3A_15 = arith.constant 4 : i32
    %scan3A_16 = arith.addi %scan3A_14, %scan3A_15 : i32
    %scan3A_17 = arith.constant 1 : i32
    scf.for %scan3A_20 = %scan3A_14 to %scan3A_16 step %scan3A_17  : i32 {
      %mul3A_21 = arith.constant 2 : i32
      %mul3A_22 = arith.muli %mul3A_21, %scan3A_20 : i32
      %add3A_23 = arith.constant 1 : i32
      %add3A_24 = arith.addi %mul3A_22, %add3A_23 : i32
      %add3A_25 = arith.addi %mul3A_2, %add3A_24 : i32
      %dma_start3A_26 = arith.constant 0 : i32
      %dma_start3A_27 = arith.constant 0 : i32
      %dma_start3A_28 = tpu.memref_slice %arg2[%add3A_25, %dma_start3A_26, %dma_start3A_27] : memref<256x128x128xf32, #tpu.memory_space<hbm>> -> memref<1x128x128xf32, #tpu.memory_space<hbm>>
      %dma_start3A_29 = tpu.memref_squeeze %dma_start3A_28 : memref<1x128x128xf32, #tpu.memory_space<hbm>> -> memref<128x128xf32, #tpu.memory_space<hbm>>
      %dma_start3A_30 = arith.constant 0 : i32
      %dma_start3A_31 = arith.constant 0 : i32
      %dma_start3A_32 = tpu.memref_slice %arg2[%add3A_25, %dma_start3A_30, %dma_start3A_31] : memref<256x128x128xf32, #tpu.memory_space<hbm>> -> memref<1x128x128xf32, #tpu.memory_space<hbm>>
      %dma_start3A_33 = tpu.memref_squeeze %dma_start3A_32 : memref<1x128x128xf32, #tpu.memory_space<hbm>> -> memref<128x128xf32, #tpu.memory_space<hbm>>
      tpu.enqueue_dma source(%dma_start3A_33 : memref<128x128xf32, #tpu.memory_space<hbm>>) target(%arg8 : memref<128x128xf32, #tpu.memory_space<vmem>>) target_semaphore(%arg11 : memref<!tpu.dma_semaphore, #tpu.memory_space<semaphore_mem>>)
      %dma_wait3A = arith.constant 0 : i32
      %dma_wait3A_34 = arith.constant 0 : i32
      %dma_wait3A_35 = tpu.memref_slice %arg2[%mul3A_2, %dma_wait3A, %dma_wait3A_34] : memref<256x128x128xf32, #tpu.memory_space<hbm>> -> memref<1x128x128xf32, #tpu.memory_space<hbm>>
      %dma_wait3A_36 = tpu.memref_squeeze %dma_wait3A_35 : memref<1x128x128xf32, #tpu.memory_space<hbm>> -> memref<128x128xf32, #tpu.memory_space<hbm>>
      %dma_wait3A_37 = arith.constant 0 : i32
      %dma_wait3A_38 = arith.constant 0 : i32
      %dma_wait3A_39 = tpu.memref_slice %arg2[%mul3A_2, %dma_wait3A_37, %dma_wait3A_38] : memref<256x128x128xf32, #tpu.memory_space<hbm>> -> memref<1x128x128xf32, #tpu.memory_space<hbm>>
      %dma_wait3A_40 = tpu.memref_squeeze %dma_wait3A_39 : memref<1x128x128xf32, #tpu.memory_space<hbm>> -> memref<128x128xf32, #tpu.memory_space<hbm>>
      tpu.wait_dma2 semaphore(%arg10 : memref<!tpu.dma_semaphore, #tpu.memory_space<semaphore_mem>>) src(%dma_wait3A_40 : memref<128x128xf32, #tpu.memory_space<hbm>>) dst(%arg7 : memref<128x128xf32, #tpu.memory_space<vmem>>)
      "tpu.region"() ({
        %run_scoped3A = tpu.sem_alloc : memref<!tpu.dma_semaphore, #tpu.memory_space<semaphore_mem>>
        %dma_start3A_55 = arith.constant 0 : i32
        %dma_start3A_56 = tpu.memref_slice %arg6[%mul3A_22, %dma_start3A_55] : memref<8x128xi32, #tpu.memory_space<vmem>> -> memref<1x128xi32, #tpu.memory_space<vmem>>
        %dma_start3A_57 = tpu.memref_squeeze %dma_start3A_56 : memref<1x128xi32, #tpu.memory_space<vmem>> -> memref<128xi32, #tpu.memory_space<vmem>>
        %dma_start3A_58 = arith.constant 0 : i32
        %dma_start3A_59 = arith.constant 0 : i32
        %dma_start3A_60 = tpu.memref_slice %arg9[%dma_start3A_58, %dma_start3A_59] : memref<2048x128xf32, #tpu.memory_space<vmem_shared>> -> memref<2048x128xf32, #tpu.memory_space<vmem_shared>>
        tpu.enqueue_indirect_dma source(%arg7 : memref<128x128xf32, #tpu.memory_space<vmem>>) target(%dma_start3A_60 : memref<2048x128xf32, #tpu.memory_space<vmem_shared>>) offsets(%dma_start3A_57 : memref<128xi32, #tpu.memory_space<vmem>>) semaphore(%run_scoped3A : memref<!tpu.dma_semaphore, #tpu.memory_space<semaphore_mem>>) {add = true}
        %dma_wait3A_61 = arith.constant 0 : i32
        %dma_wait3A_62 = tpu.memref_slice %arg6[%mul3A_22, %dma_wait3A_61] : memref<8x128xi32, #tpu.memory_space<vmem>> -> memref<1x128xi32, #tpu.memory_space<vmem>>
        %dma_wait3A_63 = tpu.memref_squeeze %dma_wait3A_62 : memref<1x128xi32, #tpu.memory_space<vmem>> -> memref<128xi32, #tpu.memory_space<vmem>>
        %dma_wait3A_64 = arith.constant 0 : i32
        %dma_wait3A_65 = arith.constant 0 : i32
        %dma_wait3A_66 = tpu.memref_slice %arg9[%dma_wait3A_64, %dma_wait3A_65] : memref<2048x128xf32, #tpu.memory_space<vmem_shared>> -> memref<2048x128xf32, #tpu.memory_space<vmem_shared>>
        tpu.wait_indirect_dma semaphore(%run_scoped3A : memref<!tpu.dma_semaphore, #tpu.memory_space<semaphore_mem>>) src(%arg7 : memref<128x128xf32, #tpu.memory_space<vmem>>) dst(%dma_wait3A_66 : memref<2048x128xf32, #tpu.memory_space<vmem_shared>>)
        tpu.yield
      }) : () -> ()
      %add3A_41 = arith.constant 2 : i32
      %add3A_42 = arith.addi %mul3A_22, %add3A_41 : i32
      %lt3A = arith.constant 8 : i32
      %lt3A_43 = arith.cmpi slt, %add3A_42, %lt3A : i32
      %convert_element_type3A = arith.extui %lt3A_43 : i1 to i32
      %cond3A = arith.constant 0 : i32
      %cond3A_44 = arith.cmpi ne, %convert_element_type3A, %cond3A : i32
      scf.if %cond3A_44 {
        %add3A_55 = arith.constant 2 : i32
        %add3A_56 = arith.addi %mul3A_22, %add3A_55 : i32
        %add3A_57 = arith.addi %mul3A_2, %add3A_56 : i32
        %dma_start3A_58 = arith.constant 0 : i32
        %dma_start3A_59 = arith.constant 0 : i32
        %dma_start3A_60 = tpu.memref_slice %arg2[%add3A_57, %dma_start3A_58, %dma_start3A_59] : memref<256x128x128xf32, #tpu.memory_space<hbm>> -> memref<1x128x128xf32, #tpu.memory_space<hbm>>
        %dma_start3A_61 = tpu.memref_squeeze %dma_start3A_60 : memref<1x128x128xf32, #tpu.memory_space<hbm>> -> memref<128x128xf32, #tpu.memory_space<hbm>>
        %dma_start3A_62 = arith.constant 0 : i32
        %dma_start3A_63 = arith.constant 0 : i32
        %dma_start3A_64 = tpu.memref_slice %arg2[%add3A_57, %dma_start3A_62, %dma_start3A_63] : memref<256x128x128xf32, #tpu.memory_space<hbm>> -> memref<1x128x128xf32, #tpu.memory_space<hbm>>
        %dma_start3A_65 = tpu.memref_squeeze %dma_start3A_64 : memref<1x128x128xf32, #tpu.memory_space<hbm>> -> memref<128x128xf32, #tpu.memory_space<hbm>>
        tpu.enqueue_dma source(%dma_start3A_65 : memref<128x128xf32, #tpu.memory_space<hbm>>) target(%arg7 : memref<128x128xf32, #tpu.memory_space<vmem>>) target_semaphore(%arg10 : memref<!tpu.dma_semaphore, #tpu.memory_space<semaphore_mem>>)
      } else {
      }
      %dma_wait3A_45 = arith.constant 0 : i32
      %dma_wait3A_46 = arith.constant 0 : i32
      %dma_wait3A_47 = tpu.memref_slice %arg2[%mul3A_2, %dma_wait3A_45, %dma_wait3A_46] : memref<256x128x128xf32, #tpu.memory_space<hbm>> -> memref<1x128x128xf32, #tpu.memory_space<hbm>>
      %dma_wait3A_48 = tpu.memref_squeeze %dma_wait3A_47 : memref<1x128x128xf32, #tpu.memory_space<hbm>> -> memref<128x128xf32, #tpu.memory_space<hbm>>
      %dma_wait3A_49 = arith.constant 0 : i32
      %dma_wait3A_50 = arith.constant 0 : i32
      %dma_wait3A_51 = tpu.memref_slice %arg2[%mul3A_2, %dma_wait3A_49, %dma_wait3A_50] : memref<256x128x128xf32, #tpu.memory_space<hbm>> -> memref<1x128x128xf32, #tpu.memory_space<hbm>>
      %dma_wait3A_52 = tpu.memref_squeeze %dma_wait3A_51 : memref<1x128x128xf32, #tpu.memory_space<hbm>> -> memref<128x128xf32, #tpu.memory_space<hbm>>
      tpu.wait_dma2 semaphore(%arg11 : memref<!tpu.dma_semaphore, #tpu.memory_space<semaphore_mem>>) src(%dma_wait3A_52 : memref<128x128xf32, #tpu.memory_space<hbm>>) dst(%arg8 : memref<128x128xf32, #tpu.memory_space<vmem>>)
      %add3A_53 = arith.constant 1 : i32
      %add3A_54 = arith.addi %mul3A_22, %add3A_53 : i32
      "tpu.region"() ({
        %run_scoped3A = tpu.sem_alloc : memref<!tpu.dma_semaphore, #tpu.memory_space<semaphore_mem>>
        %dma_start3A_55 = arith.constant 0 : i32
        %dma_start3A_56 = tpu.memref_slice %arg6[%add3A_54, %dma_start3A_55] : memref<8x128xi32, #tpu.memory_space<vmem>> -> memref<1x128xi32, #tpu.memory_space<vmem>>
        %dma_start3A_57 = tpu.memref_squeeze %dma_start3A_56 : memref<1x128xi32, #tpu.memory_space<vmem>> -> memref<128xi32, #tpu.memory_space<vmem>>
        %dma_start3A_58 = arith.constant 0 : i32
        %dma_start3A_59 = arith.constant 0 : i32
        %dma_start3A_60 = tpu.memref_slice %arg9[%dma_start3A_58, %dma_start3A_59] : memref<2048x128xf32, #tpu.memory_space<vmem_shared>> -> memref<2048x128xf32, #tpu.memory_space<vmem_shared>>
        tpu.enqueue_indirect_dma source(%arg8 : memref<128x128xf32, #tpu.memory_space<vmem>>) target(%dma_start3A_60 : memref<2048x128xf32, #tpu.memory_space<vmem_shared>>) offsets(%dma_start3A_57 : memref<128xi32, #tpu.memory_space<vmem>>) semaphore(%run_scoped3A : memref<!tpu.dma_semaphore, #tpu.memory_space<semaphore_mem>>) {add = true}
        %dma_wait3A_61 = arith.constant 0 : i32
        %dma_wait3A_62 = tpu.memref_slice %arg6[%add3A_54, %dma_wait3A_61] : memref<8x128xi32, #tpu.memory_space<vmem>> -> memref<1x128xi32, #tpu.memory_space<vmem>>
        %dma_wait3A_63 = tpu.memref_squeeze %dma_wait3A_62 : memref<1x128xi32, #tpu.memory_space<vmem>> -> memref<128xi32, #tpu.memory_space<vmem>>
        %dma_wait3A_64 = arith.constant 0 : i32
        %dma_wait3A_65 = arith.constant 0 : i32
        %dma_wait3A_66 = tpu.memref_slice %arg9[%dma_wait3A_64, %dma_wait3A_65] : memref<2048x128xf32, #tpu.memory_space<vmem_shared>> -> memref<2048x128xf32, #tpu.memory_space<vmem_shared>>
        tpu.wait_indirect_dma semaphore(%run_scoped3A : memref<!tpu.dma_semaphore, #tpu.memory_space<semaphore_mem>>) src(%arg8 : memref<128x128xf32, #tpu.memory_space<vmem>>) dst(%dma_wait3A_66 : memref<2048x128xf32, #tpu.memory_space<vmem_shared>>)
        tpu.yield
      }) : () -> ()
    }
    %scan3A_18 = arith.constant 4 : i32
    %barrier3A_19 = arith.constant 0 : index
    tpu.barrier barrier_id(%barrier3A_19)
    "tpu.region"() ({
      %run_scoped3A = tpu.sem_alloc : memref<!tpu.dma_semaphore, #tpu.memory_space<semaphore_mem>>
      %dma_start3A_20 = arith.constant 0 : i32
      %dma_start3A_21 = tpu.memref_slice %arg5[%arg0, %mul3A_4, %dma_start3A_20] : memref<2x2048x128xf32, #tpu.memory_space<hbm>> -> memref<1x128x128xf32, #tpu.memory_space<hbm>>
      %dma_start3A_22 = tpu.memref_squeeze %dma_start3A_21 : memref<1x128x128xf32, #tpu.memory_space<hbm>> -> memref<128x128xf32, #tpu.memory_space<hbm>>
      %dma_start3A_23 = arith.constant 0 : i32
      %dma_start3A_24 = tpu.memref_slice %arg9[%mul3A_4, %dma_start3A_23] : memref<2048x128xf32, #tpu.memory_space<vmem_shared>> -> memref<128x128xf32, #tpu.memory_space<vmem_shared>>
      tpu.enqueue_dma source(%dma_start3A_24 : memref<128x128xf32, #tpu.memory_space<vmem_shared>>) target(%dma_start3A_22 : memref<128x128xf32, #tpu.memory_space<hbm>>) target_semaphore(%run_scoped3A : memref<!tpu.dma_semaphore, #tpu.memory_space<semaphore_mem>>)
      %dma_wait3A = arith.constant 0 : i32
      %dma_wait3A_25 = tpu.memref_slice %arg5[%arg0, %mul3A_4, %dma_wait3A] : memref<2x2048x128xf32, #tpu.memory_space<hbm>> -> memref<1x128x128xf32, #tpu.memory_space<hbm>>
      %dma_wait3A_26 = tpu.memref_squeeze %dma_wait3A_25 : memref<1x128x128xf32, #tpu.memory_space<hbm>> -> memref<128x128xf32, #tpu.memory_space<hbm>>
      %dma_wait3A_27 = arith.constant 0 : i32
      %dma_wait3A_28 = tpu.memref_slice %arg9[%mul3A_4, %dma_wait3A_27] : memref<2048x128xf32, #tpu.memory_space<vmem_shared>> -> memref<128x128xf32, #tpu.memory_space<vmem_shared>>
      tpu.wait_dma2 semaphore(%run_scoped3A : memref<!tpu.dma_semaphore, #tpu.memory_space<semaphore_mem>>) src(%dma_wait3A_28 : memref<128x128xf32, #tpu.memory_space<vmem_shared>>) dst(%dma_wait3A_26 : memref<128x128xf32, #tpu.memory_space<hbm>>)
      tpu.yield
    }) : () -> ()
    return
  }
}

#map = affine_map<(d0, d1) -> (0, 0, 0)>
#map1 = affine_map<(d0, d1) -> (0, 0)>
module attributes {stable_mosaic.version = 14 : i64} {
  func.func @_sc_scatter_body(%arg0: i32, %arg1: i32, %arg2: memref<1024x128x128xf32, #tpu.memory_space<hbm>>, %arg3: memref<1024x128xi32, #tpu.memory_space<hbm>>, %arg4: memref<8192x128xf32, #tpu.memory_space<hbm>>, %arg5: memref<2x8192x128xf32, #tpu.memory_space<hbm>>, %arg6: memref<32x128xi32, #tpu.memory_space<vmem>>, %arg7: memref<128x128xf32, #tpu.memory_space<vmem>>, %arg8: memref<128x128xf32, #tpu.memory_space<vmem>>, %arg9: memref<8192x128xf32, #tpu.memory_space<vmem_shared>>, %arg10: memref<!tpu.dma_semaphore, #tpu.memory_space<semaphore_mem>>, %arg11: memref<!tpu.dma_semaphore, #tpu.memory_space<semaphore_mem>>) attributes {dimension_semantics = [#tpu.dimension_semantics<core_parallel>, #tpu.dimension_semantics<subcore_parallel>], iteration_bounds = array<i64: 2, 16>, scalar_prefetch = 0 : i64, scratch_operands = 6 : i64, tpu.core_type = #tpu.core_type<sc_vector_subcore>, window_params = [{transform_indices = #map}, {transform_indices = #map1}, {transform_indices = #map1}, {transform_indices = #map}]} {
    %mul3A = arith.constant 2 : i32
    %mul3A_0 = arith.muli %arg1, %mul3A : i32
    %add3A = arith.addi %mul3A_0, %arg0 : i32
    %mul3A_1 = arith.constant 32 : i32
    %mul3A_2 = arith.muli %add3A, %mul3A_1 : i32
    %mul3A_3 = arith.constant 512 : i32
    %mul3A_4 = arith.muli %arg1, %mul3A_3 : i32
    "tpu.region"() ({
      %run_scoped3A = tpu.sem_alloc : memref<!tpu.dma_semaphore, #tpu.memory_space<semaphore_mem>>
      %dma_start3A_20 = arith.constant 0 : i32
      %dma_start3A_21 = tpu.memref_slice %arg9[%mul3A_4, %dma_start3A_20] : memref<8192x128xf32, #tpu.memory_space<vmem_shared>> -> memref<512x128xf32, #tpu.memory_space<vmem_shared>>
      %dma_start3A_22 = arith.constant 0 : i32
      %dma_start3A_23 = tpu.memref_slice %arg4[%mul3A_4, %dma_start3A_22] : memref<8192x128xf32, #tpu.memory_space<hbm>> -> memref<512x128xf32, #tpu.memory_space<hbm>>
      tpu.enqueue_dma source(%dma_start3A_23 : memref<512x128xf32, #tpu.memory_space<hbm>>) target(%dma_start3A_21 : memref<512x128xf32, #tpu.memory_space<vmem_shared>>) target_semaphore(%run_scoped3A : memref<!tpu.dma_semaphore, #tpu.memory_space<semaphore_mem>>)
      %dma_wait3A = arith.constant 0 : i32
      %dma_wait3A_24 = tpu.memref_slice %arg9[%mul3A_4, %dma_wait3A] : memref<8192x128xf32, #tpu.memory_space<vmem_shared>> -> memref<512x128xf32, #tpu.memory_space<vmem_shared>>
      %dma_wait3A_25 = arith.constant 0 : i32
      %dma_wait3A_26 = tpu.memref_slice %arg4[%mul3A_4, %dma_wait3A_25] : memref<8192x128xf32, #tpu.memory_space<hbm>> -> memref<512x128xf32, #tpu.memory_space<hbm>>
      tpu.wait_dma2 semaphore(%run_scoped3A : memref<!tpu.dma_semaphore, #tpu.memory_space<semaphore_mem>>) src(%dma_wait3A_26 : memref<512x128xf32, #tpu.memory_space<hbm>>) dst(%dma_wait3A_24 : memref<512x128xf32, #tpu.memory_space<vmem_shared>>)
      tpu.yield
    }) : () -> ()
    "tpu.region"() ({
      %run_scoped3A = tpu.sem_alloc : memref<!tpu.dma_semaphore, #tpu.memory_space<semaphore_mem>>
      %dma_start3A_20 = arith.constant 0 : i32
      %dma_start3A_21 = tpu.memref_slice %arg3[%mul3A_2, %dma_start3A_20] : memref<1024x128xi32, #tpu.memory_space<hbm>> -> memref<32x128xi32, #tpu.memory_space<hbm>>
      %dma_start3A_22 = arith.constant 0 : i32
      %dma_start3A_23 = tpu.memref_slice %arg3[%mul3A_2, %dma_start3A_22] : memref<1024x128xi32, #tpu.memory_space<hbm>> -> memref<32x128xi32, #tpu.memory_space<hbm>>
      tpu.enqueue_dma source(%dma_start3A_23 : memref<32x128xi32, #tpu.memory_space<hbm>>) target(%arg6 : memref<32x128xi32, #tpu.memory_space<vmem>>) target_semaphore(%run_scoped3A : memref<!tpu.dma_semaphore, #tpu.memory_space<semaphore_mem>>)
      %dma_wait3A = arith.constant 0 : i32
      %dma_wait3A_24 = tpu.memref_slice %arg3[%mul3A_2, %dma_wait3A] : memref<1024x128xi32, #tpu.memory_space<hbm>> -> memref<32x128xi32, #tpu.memory_space<hbm>>
      %dma_wait3A_25 = arith.constant 0 : i32
      %dma_wait3A_26 = tpu.memref_slice %arg3[%mul3A_2, %dma_wait3A_25] : memref<1024x128xi32, #tpu.memory_space<hbm>> -> memref<32x128xi32, #tpu.memory_space<hbm>>
      tpu.wait_dma2 semaphore(%run_scoped3A : memref<!tpu.dma_semaphore, #tpu.memory_space<semaphore_mem>>) src(%dma_wait3A_26 : memref<32x128xi32, #tpu.memory_space<hbm>>) dst(%arg6 : memref<32x128xi32, #tpu.memory_space<vmem>>)
      tpu.yield
    }) : () -> ()
    %barrier3A = arith.constant 0 : index
    tpu.barrier barrier_id(%barrier3A)
    %add3A_5 = arith.constant 0 : i32
    %add3A_6 = arith.addi %mul3A_2, %add3A_5 : i32
    %dma_start3A = arith.constant 0 : i32
    %dma_start3A_7 = arith.constant 0 : i32
    %dma_start3A_8 = tpu.memref_slice %arg2[%add3A_6, %dma_start3A, %dma_start3A_7] : memref<1024x128x128xf32, #tpu.memory_space<hbm>> -> memref<1x128x128xf32, #tpu.memory_space<hbm>>
    %dma_start3A_9 = tpu.memref_squeeze %dma_start3A_8 : memref<1x128x128xf32, #tpu.memory_space<hbm>> -> memref<128x128xf32, #tpu.memory_space<hbm>>
    %dma_start3A_10 = arith.constant 0 : i32
    %dma_start3A_11 = arith.constant 0 : i32
    %dma_start3A_12 = tpu.memref_slice %arg2[%add3A_6, %dma_start3A_10, %dma_start3A_11] : memref<1024x128x128xf32, #tpu.memory_space<hbm>> -> memref<1x128x128xf32, #tpu.memory_space<hbm>>
    %dma_start3A_13 = tpu.memref_squeeze %dma_start3A_12 : memref<1x128x128xf32, #tpu.memory_space<hbm>> -> memref<128x128xf32, #tpu.memory_space<hbm>>
    tpu.enqueue_dma source(%dma_start3A_13 : memref<128x128xf32, #tpu.memory_space<hbm>>) target(%arg7 : memref<128x128xf32, #tpu.memory_space<vmem>>) target_semaphore(%arg10 : memref<!tpu.dma_semaphore, #tpu.memory_space<semaphore_mem>>)
    %scan3A = arith.constant 0 : i32
    %scan3A_14 = arith.constant 0 : i32
    %scan3A_15 = arith.constant 16 : i32
    %scan3A_16 = arith.addi %scan3A_14, %scan3A_15 : i32
    %scan3A_17 = arith.constant 1 : i32
    scf.for %scan3A_20 = %scan3A_14 to %scan3A_16 step %scan3A_17  : i32 {
      %mul3A_21 = arith.constant 2 : i32
      %mul3A_22 = arith.muli %mul3A_21, %scan3A_20 : i32
      %add3A_23 = arith.constant 1 : i32
      %add3A_24 = arith.addi %mul3A_22, %add3A_23 : i32
      %add3A_25 = arith.addi %mul3A_2, %add3A_24 : i32
      %dma_start3A_26 = arith.constant 0 : i32
      %dma_start3A_27 = arith.constant 0 : i32
      %dma_start3A_28 = tpu.memref_slice %arg2[%add3A_25, %dma_start3A_26, %dma_start3A_27] : memref<1024x128x128xf32, #tpu.memory_space<hbm>> -> memref<1x128x128xf32, #tpu.memory_space<hbm>>
      %dma_start3A_29 = tpu.memref_squeeze %dma_start3A_28 : memref<1x128x128xf32, #tpu.memory_space<hbm>> -> memref<128x128xf32, #tpu.memory_space<hbm>>
      %dma_start3A_30 = arith.constant 0 : i32
      %dma_start3A_31 = arith.constant 0 : i32
      %dma_start3A_32 = tpu.memref_slice %arg2[%add3A_25, %dma_start3A_30, %dma_start3A_31] : memref<1024x128x128xf32, #tpu.memory_space<hbm>> -> memref<1x128x128xf32, #tpu.memory_space<hbm>>
      %dma_start3A_33 = tpu.memref_squeeze %dma_start3A_32 : memref<1x128x128xf32, #tpu.memory_space<hbm>> -> memref<128x128xf32, #tpu.memory_space<hbm>>
      tpu.enqueue_dma source(%dma_start3A_33 : memref<128x128xf32, #tpu.memory_space<hbm>>) target(%arg8 : memref<128x128xf32, #tpu.memory_space<vmem>>) target_semaphore(%arg11 : memref<!tpu.dma_semaphore, #tpu.memory_space<semaphore_mem>>)
      %dma_wait3A = arith.constant 0 : i32
      %dma_wait3A_34 = arith.constant 0 : i32
      %dma_wait3A_35 = tpu.memref_slice %arg2[%mul3A_2, %dma_wait3A, %dma_wait3A_34] : memref<1024x128x128xf32, #tpu.memory_space<hbm>> -> memref<1x128x128xf32, #tpu.memory_space<hbm>>
      %dma_wait3A_36 = tpu.memref_squeeze %dma_wait3A_35 : memref<1x128x128xf32, #tpu.memory_space<hbm>> -> memref<128x128xf32, #tpu.memory_space<hbm>>
      %dma_wait3A_37 = arith.constant 0 : i32
      %dma_wait3A_38 = arith.constant 0 : i32
      %dma_wait3A_39 = tpu.memref_slice %arg2[%mul3A_2, %dma_wait3A_37, %dma_wait3A_38] : memref<1024x128x128xf32, #tpu.memory_space<hbm>> -> memref<1x128x128xf32, #tpu.memory_space<hbm>>
      %dma_wait3A_40 = tpu.memref_squeeze %dma_wait3A_39 : memref<1x128x128xf32, #tpu.memory_space<hbm>> -> memref<128x128xf32, #tpu.memory_space<hbm>>
      tpu.wait_dma2 semaphore(%arg10 : memref<!tpu.dma_semaphore, #tpu.memory_space<semaphore_mem>>) src(%dma_wait3A_40 : memref<128x128xf32, #tpu.memory_space<hbm>>) dst(%arg7 : memref<128x128xf32, #tpu.memory_space<vmem>>)
      "tpu.region"() ({
        %run_scoped3A = tpu.sem_alloc : memref<!tpu.dma_semaphore, #tpu.memory_space<semaphore_mem>>
        %dma_start3A_55 = arith.constant 0 : i32
        %dma_start3A_56 = tpu.memref_slice %arg6[%mul3A_22, %dma_start3A_55] : memref<32x128xi32, #tpu.memory_space<vmem>> -> memref<1x128xi32, #tpu.memory_space<vmem>>
        %dma_start3A_57 = tpu.memref_squeeze %dma_start3A_56 : memref<1x128xi32, #tpu.memory_space<vmem>> -> memref<128xi32, #tpu.memory_space<vmem>>
        %dma_start3A_58 = arith.constant 0 : i32
        %dma_start3A_59 = arith.constant 0 : i32
        %dma_start3A_60 = tpu.memref_slice %arg9[%dma_start3A_58, %dma_start3A_59] : memref<8192x128xf32, #tpu.memory_space<vmem_shared>> -> memref<8192x128xf32, #tpu.memory_space<vmem_shared>>
        tpu.enqueue_indirect_dma source(%arg7 : memref<128x128xf32, #tpu.memory_space<vmem>>) target(%dma_start3A_60 : memref<8192x128xf32, #tpu.memory_space<vmem_shared>>) offsets(%dma_start3A_57 : memref<128xi32, #tpu.memory_space<vmem>>) semaphore(%run_scoped3A : memref<!tpu.dma_semaphore, #tpu.memory_space<semaphore_mem>>) {add = true}
        %dma_wait3A_61 = arith.constant 0 : i32
        %dma_wait3A_62 = tpu.memref_slice %arg6[%mul3A_22, %dma_wait3A_61] : memref<32x128xi32, #tpu.memory_space<vmem>> -> memref<1x128xi32, #tpu.memory_space<vmem>>
        %dma_wait3A_63 = tpu.memref_squeeze %dma_wait3A_62 : memref<1x128xi32, #tpu.memory_space<vmem>> -> memref<128xi32, #tpu.memory_space<vmem>>
        %dma_wait3A_64 = arith.constant 0 : i32
        %dma_wait3A_65 = arith.constant 0 : i32
        %dma_wait3A_66 = tpu.memref_slice %arg9[%dma_wait3A_64, %dma_wait3A_65] : memref<8192x128xf32, #tpu.memory_space<vmem_shared>> -> memref<8192x128xf32, #tpu.memory_space<vmem_shared>>
        tpu.wait_indirect_dma semaphore(%run_scoped3A : memref<!tpu.dma_semaphore, #tpu.memory_space<semaphore_mem>>) src(%arg7 : memref<128x128xf32, #tpu.memory_space<vmem>>) dst(%dma_wait3A_66 : memref<8192x128xf32, #tpu.memory_space<vmem_shared>>)
        tpu.yield
      }) : () -> ()
      %add3A_41 = arith.constant 2 : i32
      %add3A_42 = arith.addi %mul3A_22, %add3A_41 : i32
      %lt3A = arith.constant 32 : i32
      %lt3A_43 = arith.cmpi slt, %add3A_42, %lt3A : i32
      %convert_element_type3A = arith.extui %lt3A_43 : i1 to i32
      %cond3A = arith.constant 0 : i32
      %cond3A_44 = arith.cmpi ne, %convert_element_type3A, %cond3A : i32
      scf.if %cond3A_44 {
        %add3A_55 = arith.constant 2 : i32
        %add3A_56 = arith.addi %mul3A_22, %add3A_55 : i32
        %add3A_57 = arith.addi %mul3A_2, %add3A_56 : i32
        %dma_start3A_58 = arith.constant 0 : i32
        %dma_start3A_59 = arith.constant 0 : i32
        %dma_start3A_60 = tpu.memref_slice %arg2[%add3A_57, %dma_start3A_58, %dma_start3A_59] : memref<1024x128x128xf32, #tpu.memory_space<hbm>> -> memref<1x128x128xf32, #tpu.memory_space<hbm>>
        %dma_start3A_61 = tpu.memref_squeeze %dma_start3A_60 : memref<1x128x128xf32, #tpu.memory_space<hbm>> -> memref<128x128xf32, #tpu.memory_space<hbm>>
        %dma_start3A_62 = arith.constant 0 : i32
        %dma_start3A_63 = arith.constant 0 : i32
        %dma_start3A_64 = tpu.memref_slice %arg2[%add3A_57, %dma_start3A_62, %dma_start3A_63] : memref<1024x128x128xf32, #tpu.memory_space<hbm>> -> memref<1x128x128xf32, #tpu.memory_space<hbm>>
        %dma_start3A_65 = tpu.memref_squeeze %dma_start3A_64 : memref<1x128x128xf32, #tpu.memory_space<hbm>> -> memref<128x128xf32, #tpu.memory_space<hbm>>
        tpu.enqueue_dma source(%dma_start3A_65 : memref<128x128xf32, #tpu.memory_space<hbm>>) target(%arg7 : memref<128x128xf32, #tpu.memory_space<vmem>>) target_semaphore(%arg10 : memref<!tpu.dma_semaphore, #tpu.memory_space<semaphore_mem>>)
      } else {
      }
      %dma_wait3A_45 = arith.constant 0 : i32
      %dma_wait3A_46 = arith.constant 0 : i32
      %dma_wait3A_47 = tpu.memref_slice %arg2[%mul3A_2, %dma_wait3A_45, %dma_wait3A_46] : memref<1024x128x128xf32, #tpu.memory_space<hbm>> -> memref<1x128x128xf32, #tpu.memory_space<hbm>>
      %dma_wait3A_48 = tpu.memref_squeeze %dma_wait3A_47 : memref<1x128x128xf32, #tpu.memory_space<hbm>> -> memref<128x128xf32, #tpu.memory_space<hbm>>
      %dma_wait3A_49 = arith.constant 0 : i32
      %dma_wait3A_50 = arith.constant 0 : i32
      %dma_wait3A_51 = tpu.memref_slice %arg2[%mul3A_2, %dma_wait3A_49, %dma_wait3A_50] : memref<1024x128x128xf32, #tpu.memory_space<hbm>> -> memref<1x128x128xf32, #tpu.memory_space<hbm>>
      %dma_wait3A_52 = tpu.memref_squeeze %dma_wait3A_51 : memref<1x128x128xf32, #tpu.memory_space<hbm>> -> memref<128x128xf32, #tpu.memory_space<hbm>>
      tpu.wait_dma2 semaphore(%arg11 : memref<!tpu.dma_semaphore, #tpu.memory_space<semaphore_mem>>) src(%dma_wait3A_52 : memref<128x128xf32, #tpu.memory_space<hbm>>) dst(%arg8 : memref<128x128xf32, #tpu.memory_space<vmem>>)
      %add3A_53 = arith.constant 1 : i32
      %add3A_54 = arith.addi %mul3A_22, %add3A_53 : i32
      "tpu.region"() ({
        %run_scoped3A = tpu.sem_alloc : memref<!tpu.dma_semaphore, #tpu.memory_space<semaphore_mem>>
        %dma_start3A_55 = arith.constant 0 : i32
        %dma_start3A_56 = tpu.memref_slice %arg6[%add3A_54, %dma_start3A_55] : memref<32x128xi32, #tpu.memory_space<vmem>> -> memref<1x128xi32, #tpu.memory_space<vmem>>
        %dma_start3A_57 = tpu.memref_squeeze %dma_start3A_56 : memref<1x128xi32, #tpu.memory_space<vmem>> -> memref<128xi32, #tpu.memory_space<vmem>>
        %dma_start3A_58 = arith.constant 0 : i32
        %dma_start3A_59 = arith.constant 0 : i32
        %dma_start3A_60 = tpu.memref_slice %arg9[%dma_start3A_58, %dma_start3A_59] : memref<8192x128xf32, #tpu.memory_space<vmem_shared>> -> memref<8192x128xf32, #tpu.memory_space<vmem_shared>>
        tpu.enqueue_indirect_dma source(%arg8 : memref<128x128xf32, #tpu.memory_space<vmem>>) target(%dma_start3A_60 : memref<8192x128xf32, #tpu.memory_space<vmem_shared>>) offsets(%dma_start3A_57 : memref<128xi32, #tpu.memory_space<vmem>>) semaphore(%run_scoped3A : memref<!tpu.dma_semaphore, #tpu.memory_space<semaphore_mem>>) {add = true}
        %dma_wait3A_61 = arith.constant 0 : i32
        %dma_wait3A_62 = tpu.memref_slice %arg6[%add3A_54, %dma_wait3A_61] : memref<32x128xi32, #tpu.memory_space<vmem>> -> memref<1x128xi32, #tpu.memory_space<vmem>>
        %dma_wait3A_63 = tpu.memref_squeeze %dma_wait3A_62 : memref<1x128xi32, #tpu.memory_space<vmem>> -> memref<128xi32, #tpu.memory_space<vmem>>
        %dma_wait3A_64 = arith.constant 0 : i32
        %dma_wait3A_65 = arith.constant 0 : i32
        %dma_wait3A_66 = tpu.memref_slice %arg9[%dma_wait3A_64, %dma_wait3A_65] : memref<8192x128xf32, #tpu.memory_space<vmem_shared>> -> memref<8192x128xf32, #tpu.memory_space<vmem_shared>>
        tpu.wait_indirect_dma semaphore(%run_scoped3A : memref<!tpu.dma_semaphore, #tpu.memory_space<semaphore_mem>>) src(%arg8 : memref<128x128xf32, #tpu.memory_space<vmem>>) dst(%dma_wait3A_66 : memref<8192x128xf32, #tpu.memory_space<vmem_shared>>)
        tpu.yield
      }) : () -> ()
    }
    %scan3A_18 = arith.constant 16 : i32
    %barrier3A_19 = arith.constant 0 : index
    tpu.barrier barrier_id(%barrier3A_19)
    "tpu.region"() ({
      %run_scoped3A = tpu.sem_alloc : memref<!tpu.dma_semaphore, #tpu.memory_space<semaphore_mem>>
      %dma_start3A_20 = arith.constant 0 : i32
      %dma_start3A_21 = tpu.memref_slice %arg5[%arg0, %mul3A_4, %dma_start3A_20] : memref<2x8192x128xf32, #tpu.memory_space<hbm>> -> memref<1x512x128xf32, #tpu.memory_space<hbm>>
      %dma_start3A_22 = tpu.memref_squeeze %dma_start3A_21 : memref<1x512x128xf32, #tpu.memory_space<hbm>> -> memref<512x128xf32, #tpu.memory_space<hbm>>
      %dma_start3A_23 = arith.constant 0 : i32
      %dma_start3A_24 = tpu.memref_slice %arg9[%mul3A_4, %dma_start3A_23] : memref<8192x128xf32, #tpu.memory_space<vmem_shared>> -> memref<512x128xf32, #tpu.memory_space<vmem_shared>>
      tpu.enqueue_dma source(%dma_start3A_24 : memref<512x128xf32, #tpu.memory_space<vmem_shared>>) target(%dma_start3A_22 : memref<512x128xf32, #tpu.memory_space<hbm>>) target_semaphore(%run_scoped3A : memref<!tpu.dma_semaphore, #tpu.memory_space<semaphore_mem>>)
      %dma_wait3A = arith.constant 0 : i32
      %dma_wait3A_25 = tpu.memref_slice %arg5[%arg0, %mul3A_4, %dma_wait3A] : memref<2x8192x128xf32, #tpu.memory_space<hbm>> -> memref<1x512x128xf32, #tpu.memory_space<hbm>>
      %dma_wait3A_26 = tpu.memref_squeeze %dma_wait3A_25 : memref<1x512x128xf32, #tpu.memory_space<hbm>> -> memref<512x128xf32, #tpu.memory_space<hbm>>
      %dma_wait3A_27 = arith.constant 0 : i32
      %dma_wait3A_28 = tpu.memref_slice %arg9[%mul3A_4, %dma_wait3A_27] : memref<8192x128xf32, #tpu.memory_space<vmem_shared>> -> memref<512x128xf32, #tpu.memory_space<vmem_shared>>
      tpu.wait_dma2 semaphore(%run_scoped3A : memref<!tpu.dma_semaphore, #tpu.memory_space<semaphore_mem>>) src(%dma_wait3A_28 : memref<512x128xf32, #tpu.memory_space<vmem_shared>>) dst(%dma_wait3A_26 : memref<512x128xf32, #tpu.memory_space<hbm>>)
      tpu.yield
    }) : () -> ()
    return
  }
}

module attributes {stable_mosaic.version = 14 : i64} {
  func.func @_pre_body(%arg0: memref<2048x64xf32, #tpu.memory_space<vmem>>, %arg1: memref<8192x64xf32, #tpu.memory_space<vmem>>, %arg2: memref<2048x16xf32, #tpu.memory_space<vmem>>, %arg3: memref<8192x16xf32, #tpu.memory_space<vmem>>, %arg4: memref<64x64xf32, #tpu.memory_space<vmem>>, %arg5: memref<64x64xf32, #tpu.memory_space<vmem>>, %arg6: memref<64x64xf32, #tpu.memory_space<vmem>>, %arg7: memref<64x64xf32, #tpu.memory_space<vmem>>, %arg8: memref<64x64xf32, #tpu.memory_space<vmem>>, %arg9: memref<64x64xf32, #tpu.memory_space<vmem>>, %arg10: memref<64x64xf32, #tpu.memory_space<vmem>>, %arg11: memref<64x64xf32, #tpu.memory_space<vmem>>, %arg12: memref<64x64xf32, #tpu.memory_space<vmem>>, %arg13: memref<64x64xf32, #tpu.memory_space<vmem>>, %arg14: memref<2048x128xf32, #tpu.memory_space<vmem>>, %arg15: memref<2048x128xf32, #tpu.memory_space<vmem>>, %arg16: memref<8192x128xf32, #tpu.memory_space<vmem>>, %arg17: memref<8192x128xf32, #tpu.memory_space<vmem>>, %arg18: memref<2048x64xf32, #tpu.memory_space<vmem>>, %arg19: memref<2048x64xf32, #tpu.memory_space<vmem>>, %arg20: memref<2048x65xbf16, #tpu.memory_space<vmem>>, %arg21: memref<8192x64xf32, #tpu.memory_space<vmem>>, %arg22: memref<8192x64xf32, #tpu.memory_space<vmem>>, %arg23: memref<8192x65xbf16, #tpu.memory_space<vmem>>) attributes {dimension_semantics = [], scalar_prefetch = 0 : i64, scratch_operands = 0 : i64, tpu.core_type = #tpu.core_type<tc>} {
    %get3A = arith.constant 0 : index
    %get3A_0 = arith.constant 0 : index
    %get3A_1 = vector.load %arg0[%get3A, %get3A_0] : memref<2048x64xf32, #tpu.memory_space<vmem>>, vector<2048x64xf32>
    %get3A_2 = arith.constant 0 : index
    %get3A_3 = arith.constant 0 : index
    %get3A_4 = vector.load %arg1[%get3A_2, %get3A_3] : memref<8192x64xf32, #tpu.memory_space<vmem>>, vector<8192x64xf32>
    %get3A_5 = arith.constant 0 : index
    %get3A_6 = arith.constant 0 : index
    %get3A_7 = vector.load %arg2[%get3A_5, %get3A_6] : memref<2048x16xf32, #tpu.memory_space<vmem>>, vector<2048x16xf32>
    %get3A_8 = arith.constant 0 : index
    %get3A_9 = arith.constant 0 : index
    %get3A_10 = vector.load %arg3[%get3A_8, %get3A_9] : memref<8192x16xf32, #tpu.memory_space<vmem>>, vector<8192x16xf32>
    %get3A_11 = arith.constant 0 : index
    %get3A_12 = arith.constant 0 : index
    %get3A_13 = vector.load %arg4[%get3A_11, %get3A_12] : memref<64x64xf32, #tpu.memory_space<vmem>>, vector<64x64xf32>
    %broadcast_in_dim3A = arith.constant 0.000000e+00 : f32
    %broadcast_in_dim3A_14 = vector.broadcast %broadcast_in_dim3A : f32 to vector<2048x48xf32>
    %dot_general3A = arith.constant dense<0.000000e+00> : vector<2048x64xf32>
    %dot_general3A_15 = tpu.matmul %get3A_1, %get3A_13, %dot_general3A {dimension_numbers = #tpu.dot_dimension_numbers<[1], [0], [0], [1], [0, 0, 1, 1], [], []>, transpose_lhs_hint = false} : vector<2048x64xf32>, vector<64x64xf32>, vector<2048x64xf32> -> vector<2048x64xf32>
    %concatenate3A = tpu.concatenate %dot_general3A_15, %get3A_7, %broadcast_in_dim3A_14 in 1 : vector<2048x64xf32>, vector<2048x16xf32>, vector<2048x48xf32> -> vector<2048x128xf32>
    %swap3A = arith.constant 0 : index
    %swap3A_16 = arith.constant 0 : index
    %swap3A_17 = vector.load %arg14[%swap3A, %swap3A_16] : memref<2048x128xf32, #tpu.memory_space<vmem>>, vector<2048x128xf32>
    tpu.vector_store %arg14[%swap3A, %swap3A_16], %concatenate3A {strides = array<i32>} : memref<2048x128xf32, #tpu.memory_space<vmem>>, vector<2048x128xf32>,
    %get3A_18 = arith.constant 0 : index
    %get3A_19 = arith.constant 0 : index
    %get3A_20 = vector.load %arg5[%get3A_18, %get3A_19] : memref<64x64xf32, #tpu.memory_space<vmem>>, vector<64x64xf32>
    %broadcast_in_dim3A_21 = arith.constant 0.000000e+00 : f32
    %broadcast_in_dim3A_22 = vector.broadcast %broadcast_in_dim3A_21 : f32 to vector<2048x48xf32>
    %dot_general3A_23 = arith.constant dense<0.000000e+00> : vector<2048x64xf32>
    %dot_general3A_24 = tpu.matmul %get3A_1, %get3A_20, %dot_general3A_23 {dimension_numbers = #tpu.dot_dimension_numbers<[1], [0], [0], [1], [0, 0, 1, 1], [], []>, transpose_lhs_hint = false} : vector<2048x64xf32>, vector<64x64xf32>, vector<2048x64xf32> -> vector<2048x64xf32>
    %concatenate3A_25 = tpu.concatenate %dot_general3A_24, %get3A_7, %broadcast_in_dim3A_22 in 1 : vector<2048x64xf32>, vector<2048x16xf32>, vector<2048x48xf32> -> vector<2048x128xf32>
    %swap3A_26 = arith.constant 0 : index
    %swap3A_27 = arith.constant 0 : index
    %swap3A_28 = vector.load %arg15[%swap3A_26, %swap3A_27] : memref<2048x128xf32, #tpu.memory_space<vmem>>, vector<2048x128xf32>
    tpu.vector_store %arg15[%swap3A_26, %swap3A_27], %concatenate3A_25 {strides = array<i32>} : memref<2048x128xf32, #tpu.memory_space<vmem>>, vector<2048x128xf32>,
    %get3A_29 = arith.constant 0 : index
    %get3A_30 = arith.constant 0 : index
    %get3A_31 = vector.load %arg6[%get3A_29, %get3A_30] : memref<64x64xf32, #tpu.memory_space<vmem>>, vector<64x64xf32>
    %broadcast_in_dim3A_32 = arith.constant 0.000000e+00 : f32
    %broadcast_in_dim3A_33 = vector.broadcast %broadcast_in_dim3A_32 : f32 to vector<8192x48xf32>
    %dot_general3A_34 = arith.constant dense<0.000000e+00> : vector<8192x64xf32>
    %dot_general3A_35 = tpu.matmul %get3A_4, %get3A_31, %dot_general3A_34 {dimension_numbers = #tpu.dot_dimension_numbers<[1], [0], [0], [1], [0, 0, 1, 1], [], []>, transpose_lhs_hint = false} : vector<8192x64xf32>, vector<64x64xf32>, vector<8192x64xf32> -> vector<8192x64xf32>
    %concatenate3A_36 = tpu.concatenate %dot_general3A_35, %get3A_10, %broadcast_in_dim3A_33 in 1 : vector<8192x64xf32>, vector<8192x16xf32>, vector<8192x48xf32> -> vector<8192x128xf32>
    %swap3A_37 = arith.constant 0 : index
    %swap3A_38 = arith.constant 0 : index
    %swap3A_39 = vector.load %arg16[%swap3A_37, %swap3A_38] : memref<8192x128xf32, #tpu.memory_space<vmem>>, vector<8192x128xf32>
    tpu.vector_store %arg16[%swap3A_37, %swap3A_38], %concatenate3A_36 {strides = array<i32>} : memref<8192x128xf32, #tpu.memory_space<vmem>>, vector<8192x128xf32>,
    %get3A_40 = arith.constant 0 : index
    %get3A_41 = arith.constant 0 : index
    %get3A_42 = vector.load %arg7[%get3A_40, %get3A_41] : memref<64x64xf32, #tpu.memory_space<vmem>>, vector<64x64xf32>
    %broadcast_in_dim3A_43 = arith.constant 0.000000e+00 : f32
    %broadcast_in_dim3A_44 = vector.broadcast %broadcast_in_dim3A_43 : f32 to vector<8192x48xf32>
    %dot_general3A_45 = arith.constant dense<0.000000e+00> : vector<8192x64xf32>
    %dot_general3A_46 = tpu.matmul %get3A_4, %get3A_42, %dot_general3A_45 {dimension_numbers = #tpu.dot_dimension_numbers<[1], [0], [0], [1], [0, 0, 1, 1], [], []>, transpose_lhs_hint = false} : vector<8192x64xf32>, vector<64x64xf32>, vector<8192x64xf32> -> vector<8192x64xf32>
    %concatenate3A_47 = tpu.concatenate %dot_general3A_46, %get3A_10, %broadcast_in_dim3A_44 in 1 : vector<8192x64xf32>, vector<8192x16xf32>, vector<8192x48xf32> -> vector<8192x128xf32>
    %swap3A_48 = arith.constant 0 : index
    %swap3A_49 = arith.constant 0 : index
    %swap3A_50 = vector.load %arg17[%swap3A_48, %swap3A_49] : memref<8192x128xf32, #tpu.memory_space<vmem>>, vector<8192x128xf32>
    tpu.vector_store %arg17[%swap3A_48, %swap3A_49], %concatenate3A_47 {strides = array<i32>} : memref<8192x128xf32, #tpu.memory_space<vmem>>, vector<8192x128xf32>,
    %get3A_51 = arith.constant 0 : index
    %get3A_52 = arith.constant 0 : index
    %get3A_53 = vector.load %arg8[%get3A_51, %get3A_52] : memref<64x64xf32, #tpu.memory_space<vmem>>, vector<64x64xf32>
    %dot_general3A_54 = arith.constant dense<0.000000e+00> : vector<2048x64xf32>
    %dot_general3A_55 = tpu.matmul %get3A_1, %get3A_53, %dot_general3A_54 {dimension_numbers = #tpu.dot_dimension_numbers<[1], [0], [0], [1], [0, 0, 1, 1], [], []>, transpose_lhs_hint = false} : vector<2048x64xf32>, vector<64x64xf32>, vector<2048x64xf32> -> vector<2048x64xf32>
    %mul3A = arith.constant 0.00999999977 : f32
    %mul3A_56 = vector.broadcast %mul3A : f32 to vector<2048x64xf32>
    %mul3A_57 = arith.mulf %mul3A_56, %dot_general3A_55 : vector<2048x64xf32>
    %max3A = arith.maximumf %dot_general3A_55, %mul3A_57 : vector<2048x64xf32>
    %swap3A_58 = arith.constant 0 : index
    %swap3A_59 = arith.constant 0 : index
    %swap3A_60 = vector.load %arg18[%swap3A_58, %swap3A_59] : memref<2048x64xf32, #tpu.memory_space<vmem>>, vector<2048x64xf32>
    tpu.vector_store %arg18[%swap3A_58, %swap3A_59], %max3A {strides = array<i32>} : memref<2048x64xf32, #tpu.memory_space<vmem>>, vector<2048x64xf32>,
    %get3A_61 = arith.constant 0 : index
    %get3A_62 = arith.constant 0 : index
    %get3A_63 = vector.load %arg9[%get3A_61, %get3A_62] : memref<64x64xf32, #tpu.memory_space<vmem>>, vector<64x64xf32>
    %dot_general3A_64 = arith.constant dense<0.000000e+00> : vector<2048x64xf32>
    %dot_general3A_65 = tpu.matmul %get3A_1, %get3A_63, %dot_general3A_64 {dimension_numbers = #tpu.dot_dimension_numbers<[1], [0], [0], [1], [0, 0, 1, 1], [], []>, transpose_lhs_hint = false} : vector<2048x64xf32>, vector<64x64xf32>, vector<2048x64xf32> -> vector<2048x64xf32>
    %mul3A_66 = arith.constant 0.00999999977 : f32
    %mul3A_67 = vector.broadcast %mul3A_66 : f32 to vector<2048x64xf32>
    %mul3A_68 = arith.mulf %mul3A_67, %dot_general3A_65 : vector<2048x64xf32>
    %max3A_69 = arith.maximumf %dot_general3A_65, %mul3A_68 : vector<2048x64xf32>
    %swap3A_70 = arith.constant 0 : index
    %swap3A_71 = arith.constant 0 : index
    %swap3A_72 = vector.load %arg19[%swap3A_70, %swap3A_71] : memref<2048x64xf32, #tpu.memory_space<vmem>>, vector<2048x64xf32>
    tpu.vector_store %arg19[%swap3A_70, %swap3A_71], %max3A_69 {strides = array<i32>} : memref<2048x64xf32, #tpu.memory_space<vmem>>, vector<2048x64xf32>,
    %get3A_73 = arith.constant 0 : index
    %get3A_74 = arith.constant 0 : index
    %get3A_75 = vector.load %arg10[%get3A_73, %get3A_74] : memref<64x64xf32, #tpu.memory_space<vmem>>, vector<64x64xf32>
    %dot_general3A_76 = arith.constant dense<0.000000e+00> : vector<2048x64xf32>
    %dot_general3A_77 = tpu.matmul %get3A_1, %get3A_75, %dot_general3A_76 {dimension_numbers = #tpu.dot_dimension_numbers<[1], [0], [0], [1], [0, 0, 1, 1], [], []>, transpose_lhs_hint = false} : vector<2048x64xf32>, vector<64x64xf32>, vector<2048x64xf32> -> vector<2048x64xf32>
    %mul3A_78 = arith.constant 0.00999999977 : f32
    %mul3A_79 = vector.broadcast %mul3A_78 : f32 to vector<2048x64xf32>
    %mul3A_80 = arith.mulf %mul3A_79, %dot_general3A_77 : vector<2048x64xf32>
    %max3A_81 = arith.maximumf %dot_general3A_77, %mul3A_80 : vector<2048x64xf32>
    %broadcast_in_dim3A_82 = arith.constant 1.000000e+00 : f32
    %broadcast_in_dim3A_83 = vector.broadcast %broadcast_in_dim3A_82 : f32 to vector<2048x1xf32>
    %concatenate3A_84 = tpu.concatenate %max3A_81, %broadcast_in_dim3A_83 in 1 : vector<2048x64xf32>, vector<2048x1xf32> -> vector<2048x65xf32>
    %convert_element_type3A = arith.truncf %concatenate3A_84 : vector<2048x65xf32> to vector<2048x65xbf16>
    %swap3A_85 = arith.constant 0 : index
    %swap3A_86 = arith.constant 0 : index
    %swap3A_87 = vector.load %arg20[%swap3A_85, %swap3A_86] : memref<2048x65xbf16, #tpu.memory_space<vmem>>, vector<2048x65xbf16>
    tpu.vector_store %arg20[%swap3A_85, %swap3A_86], %convert_element_type3A {strides = array<i32>} : memref<2048x65xbf16, #tpu.memory_space<vmem>>, vector<2048x65xbf16>,
    %get3A_88 = arith.constant 0 : index
    %get3A_89 = arith.constant 0 : index
    %get3A_90 = vector.load %arg11[%get3A_88, %get3A_89] : memref<64x64xf32, #tpu.memory_space<vmem>>, vector<64x64xf32>
    %dot_general3A_91 = arith.constant dense<0.000000e+00> : vector<8192x64xf32>
    %dot_general3A_92 = tpu.matmul %get3A_4, %get3A_90, %dot_general3A_91 {dimension_numbers = #tpu.dot_dimension_numbers<[1], [0], [0], [1], [0, 0, 1, 1], [], []>, transpose_lhs_hint = false} : vector<8192x64xf32>, vector<64x64xf32>, vector<8192x64xf32> -> vector<8192x64xf32>
    %mul3A_93 = arith.constant 0.00999999977 : f32
    %mul3A_94 = vector.broadcast %mul3A_93 : f32 to vector<8192x64xf32>
    %mul3A_95 = arith.mulf %mul3A_94, %dot_general3A_92 : vector<8192x64xf32>
    %max3A_96 = arith.maximumf %dot_general3A_92, %mul3A_95 : vector<8192x64xf32>
    %swap3A_97 = arith.constant 0 : index
    %swap3A_98 = arith.constant 0 : index
    %swap3A_99 = vector.load %arg21[%swap3A_97, %swap3A_98] : memref<8192x64xf32, #tpu.memory_space<vmem>>, vector<8192x64xf32>
    tpu.vector_store %arg21[%swap3A_97, %swap3A_98], %max3A_96 {strides = array<i32>} : memref<8192x64xf32, #tpu.memory_space<vmem>>, vector<8192x64xf32>,
    %get3A_100 = arith.constant 0 : index
    %get3A_101 = arith.constant 0 : index
    %get3A_102 = vector.load %arg12[%get3A_100, %get3A_101] : memref<64x64xf32, #tpu.memory_space<vmem>>, vector<64x64xf32>
    %dot_general3A_103 = arith.constant dense<0.000000e+00> : vector<8192x64xf32>
    %dot_general3A_104 = tpu.matmul %get3A_4, %get3A_102, %dot_general3A_103 {dimension_numbers = #tpu.dot_dimension_numbers<[1], [0], [0], [1], [0, 0, 1, 1], [], []>, transpose_lhs_hint = false} : vector<8192x64xf32>, vector<64x64xf32>, vector<8192x64xf32> -> vector<8192x64xf32>
    %mul3A_105 = arith.constant 0.00999999977 : f32
    %mul3A_106 = vector.broadcast %mul3A_105 : f32 to vector<8192x64xf32>
    %mul3A_107 = arith.mulf %mul3A_106, %dot_general3A_104 : vector<8192x64xf32>
    %max3A_108 = arith.maximumf %dot_general3A_104, %mul3A_107 : vector<8192x64xf32>
    %swap3A_109 = arith.constant 0 : index
    %swap3A_110 = arith.constant 0 : index
    %swap3A_111 = vector.load %arg22[%swap3A_109, %swap3A_110] : memref<8192x64xf32, #tpu.memory_space<vmem>>, vector<8192x64xf32>
    tpu.vector_store %arg22[%swap3A_109, %swap3A_110], %max3A_108 {strides = array<i32>} : memref<8192x64xf32, #tpu.memory_space<vmem>>, vector<8192x64xf32>,
    %get3A_112 = arith.constant 0 : index
    %get3A_113 = arith.constant 0 : index
    %get3A_114 = vector.load %arg13[%get3A_112, %get3A_113] : memref<64x64xf32, #tpu.memory_space<vmem>>, vector<64x64xf32>
    %dot_general3A_115 = arith.constant dense<0.000000e+00> : vector<8192x64xf32>
    %dot_general3A_116 = tpu.matmul %get3A_4, %get3A_114, %dot_general3A_115 {dimension_numbers = #tpu.dot_dimension_numbers<[1], [0], [0], [1], [0, 0, 1, 1], [], []>, transpose_lhs_hint = false} : vector<8192x64xf32>, vector<64x64xf32>, vector<8192x64xf32> -> vector<8192x64xf32>
    %mul3A_117 = arith.constant 0.00999999977 : f32
    %mul3A_118 = vector.broadcast %mul3A_117 : f32 to vector<8192x64xf32>
    %mul3A_119 = arith.mulf %mul3A_118, %dot_general3A_116 : vector<8192x64xf32>
    %max3A_120 = arith.maximumf %dot_general3A_116, %mul3A_119 : vector<8192x64xf32>
    %broadcast_in_dim3A_121 = arith.constant 1.000000e+00 : f32
    %broadcast_in_dim3A_122 = vector.broadcast %broadcast_in_dim3A_121 : f32 to vector<8192x1xf32>
    %concatenate3A_123 = tpu.concatenate %max3A_120, %broadcast_in_dim3A_122 in 1 : vector<8192x64xf32>, vector<8192x1xf32> -> vector<8192x65xf32>
    %convert_element_type3A_124 = arith.truncf %concatenate3A_123 : vector<8192x65xf32> to vector<8192x65xbf16>
    %swap3A_125 = arith.constant 0 : index
    %swap3A_126 = arith.constant 0 : index
    %swap3A_127 = vector.load %arg23[%swap3A_125, %swap3A_126] : memref<8192x65xbf16, #tpu.memory_space<vmem>>, vector<8192x65xbf16>
    tpu.vector_store %arg23[%swap3A_125, %swap3A_126], %convert_element_type3A_124 {strides = array<i32>} : memref<8192x65xbf16, #tpu.memory_space<vmem>>, vector<8192x65xbf16>,
    return
  }
}

module attributes {stable_mosaic.version = 14 : i64} {
  func.func @_edge_body(%arg0: i32, %arg1: memref<8192x128xf32, #tpu.memory_space<vmem>>, %arg2: memref<8192x15xf32, #tpu.memory_space<vmem>>, %arg3: memref<1x15xf32, #tpu.memory_space<vmem>>, %arg4: memref<15x64xf32, #tpu.memory_space<vmem>>, %arg5: memref<15x64xf32, #tpu.memory_space<vmem>>, %arg6: memref<1x64xf32, #tpu.memory_space<vmem>>, %arg7: memref<64x64xf32, #tpu.memory_space<vmem>>, %arg8: memref<1x64xf32, #tpu.memory_space<vmem>>, %arg9: memref<64x64xf32, #tpu.memory_space<vmem>>, %arg10: memref<1x64xf32, #tpu.memory_space<vmem>>, %arg11: memref<64x1xf32, #tpu.memory_space<vmem>>, %arg12: memref<1x1xf32, #tpu.memory_space<vmem>>, %arg13: memref<8192x128xf32, #tpu.memory_space<vmem>>) attributes {dimension_semantics = [#tpu.dimension_semantics<arbitrary>], iteration_bounds = array<i64: 4>, scalar_prefetch = 0 : i64, scratch_operands = 0 : i64, tpu.core_type = #tpu.core_type<tc>, window_params = [{transform_indices = @transform_0, window_bounds = array<i64: 8192, 128>}, {transform_indices = @transform_1, window_bounds = array<i64: 8192, 15>}, {pipeline_mode = #tpu.pipeline_mode<synchronous>, transform_indices = @transform_2, window_bounds = array<i64: 1, 15>}, {pipeline_mode = #tpu.pipeline_mode<synchronous>, transform_indices = @transform_3, window_bounds = array<i64: 15, 64>}, {pipeline_mode = #tpu.pipeline_mode<synchronous>, transform_indices = @transform_4, window_bounds = array<i64: 15, 64>}, {pipeline_mode = #tpu.pipeline_mode<synchronous>, transform_indices = @transform_5, window_bounds = array<i64: 1, 64>}, {pipeline_mode = #tpu.pipeline_mode<synchronous>, transform_indices = @transform_6, window_bounds = array<i64: 64, 64>}, {pipeline_mode = #tpu.pipeline_mode<synchronous>, transform_indices = @transform_7, window_bounds = array<i64: 1, 64>}, {pipeline_mode = #tpu.pipeline_mode<synchronous>, transform_indices = @transform_8, window_bounds = array<i64: 64, 64>}, {pipeline_mode = #tpu.pipeline_mode<synchronous>, transform_indices = @transform_9, window_bounds = array<i64: 1, 64>}, {pipeline_mode = #tpu.pipeline_mode<synchronous>, transform_indices = @transform_10, window_bounds = array<i64: 64, 1>}, {pipeline_mode = #tpu.pipeline_mode<synchronous>, transform_indices = @transform_11, window_bounds = array<i64: 1, 1>}, {transform_indices = @transform_12, window_bounds = array<i64: 8192, 128>}]} {
    %get3A = arith.constant 0 : index
    %get3A_0 = arith.constant 0 : index
    %get3A_1 = vector.load %arg1[%get3A, %get3A_0] : memref<8192x128xf32, #tpu.memory_space<vmem>>, vector<8192x128xf32>
    %iota3A = tpu.iota {dimensions = array<i32: 0>} : vector<128x1xi32>
    %ge3A = arith.constant 64 : i32
    %ge3A_2 = vector.broadcast %ge3A : i32 to vector<128x1xi32>
    %ge3A_3 = arith.cmpi sge, %iota3A, %ge3A_2 : vector<128x1xi32>
    %lt3A = arith.constant 80 : i32
    %lt3A_4 = vector.broadcast %lt3A : i32 to vector<128x1xi32>
    %lt3A_5 = arith.cmpi slt, %iota3A, %lt3A_4 : vector<128x1xi32>
    %and3A = arith.andi %ge3A_3, %lt3A_5 : vector<128x1xi1>
    %convert_element_type3A = arith.extui %and3A : vector<128x1xi1> to vector<128x1xi32>
    %convert_element_type3A_6 = arith.sitofp %convert_element_type3A : vector<128x1xi32> to vector<128x1xf32>
    %mul3A = arith.mulf %get3A_1, %get3A_1 : vector<8192x128xf32>
    %dot_general3A = arith.constant dense<0.000000e+00> : vector<8192x1xf32>
    %dot_general3A_7 = tpu.matmul %mul3A, %convert_element_type3A_6, %dot_general3A {dimension_numbers = #tpu.dot_dimension_numbers<[1], [0], [0], [1], [0, 0, 1, 1], [], []>, transpose_lhs_hint = false} : vector<8192x128xf32>, vector<128x1xf32>, vector<8192x1xf32> -> vector<8192x1xf32>
    %neg3A = arith.constant 0.000000e+00 : f32
    %neg3A_8 = vector.broadcast %neg3A : f32 to vector<8192x1xf32>
    %neg3A_9 = arith.subf %neg3A_8, %dot_general3A_7 : vector<8192x1xf32>
    %get3A_10 = arith.constant 0 : index
    %get3A_11 = arith.constant 0 : index
    %get3A_12 = vector.load %arg3[%get3A_10, %get3A_11] : memref<1x15xf32, #tpu.memory_space<vmem>>, vector<1x15xf32>
    %mul3A_13 = vector.broadcast %neg3A_9 : vector<8192x1xf32> to vector<8192x15xf32>
    %mul3A_14 = vector.broadcast %get3A_12 : vector<1x15xf32> to vector<8192x15xf32>
    %mul3A_15 = arith.mulf %mul3A_13, %mul3A_14 : vector<8192x15xf32>
    %exp3A = math.exp %mul3A_15 : vector<8192x15xf32>
    %slice3A = vector.extract_strided_slice %get3A_1 {offsets = [0, 0], sizes = [8192, 64], strides = [1, 1]} : vector<8192x128xf32> to vector<8192x64xf32>
    %get3A_16 = arith.constant 0 : index
    %get3A_17 = arith.constant 0 : index
    %get3A_18 = vector.load %arg2[%get3A_16, %get3A_17] : memref<8192x15xf32, #tpu.memory_space<vmem>>, vector<8192x15xf32>
    %get3A_19 = arith.constant 0 : index
    %get3A_20 = arith.constant 0 : index
    %get3A_21 = vector.load %arg4[%get3A_19, %get3A_20] : memref<15x64xf32, #tpu.memory_space<vmem>>, vector<15x64xf32>
    %convert_element_type3A_22 = arith.truncf %get3A_18 : vector<8192x15xf32> to vector<8192x15xbf16>
    %convert_element_type3A_23 = arith.truncf %get3A_21 : vector<15x64xf32> to vector<15x64xbf16>
    %dot_general3A_24 = arith.constant dense<0.000000e+00> : vector<8192x64xf32>
    %dot_general3A_25 = tpu.matmul %convert_element_type3A_22, %convert_element_type3A_23, %dot_general3A_24 {dimension_numbers = #tpu.dot_dimension_numbers<[1], [0], [0], [1], [0, 0, 1, 1], [], []>, transpose_lhs_hint = false} : vector<8192x15xbf16>, vector<15x64xbf16>, vector<8192x64xf32> -> vector<8192x64xf32>
    %add3A = arith.addf %slice3A, %dot_general3A_25 : vector<8192x64xf32>
    %get3A_26 = arith.constant 0 : index
    %get3A_27 = arith.constant 0 : index
    %get3A_28 = vector.load %arg5[%get3A_26, %get3A_27] : memref<15x64xf32, #tpu.memory_space<vmem>>, vector<15x64xf32>
    %convert_element_type3A_29 = arith.truncf %exp3A : vector<8192x15xf32> to vector<8192x15xbf16>
    %convert_element_type3A_30 = arith.truncf %get3A_28 : vector<15x64xf32> to vector<15x64xbf16>
    %dot_general3A_31 = arith.constant dense<0.000000e+00> : vector<8192x64xf32>
    %dot_general3A_32 = tpu.matmul %convert_element_type3A_29, %convert_element_type3A_30, %dot_general3A_31 {dimension_numbers = #tpu.dot_dimension_numbers<[1], [0], [0], [1], [0, 0, 1, 1], [], []>, transpose_lhs_hint = false} : vector<8192x15xbf16>, vector<15x64xbf16>, vector<8192x64xf32> -> vector<8192x64xf32>
    %add3A_33 = arith.addf %add3A, %dot_general3A_32 : vector<8192x64xf32>
    %get3A_34 = arith.constant 0 : index
    %get3A_35 = arith.constant 0 : index
    %get3A_36 = vector.load %arg6[%get3A_34, %get3A_35] : memref<1x64xf32, #tpu.memory_space<vmem>>, vector<1x64xf32>
    %add3A_37 = vector.broadcast %get3A_36 : vector<1x64xf32> to vector<8192x64xf32>
    %add3A_38 = arith.addf %add3A_33, %add3A_37 : vector<8192x64xf32>
    %mul3A_39 = arith.constant 0.00999999977 : f32
    %mul3A_40 = vector.broadcast %mul3A_39 : f32 to vector<8192x64xf32>
    %mul3A_41 = arith.mulf %mul3A_40, %add3A_38 : vector<8192x64xf32>
    %max3A = arith.maximumf %add3A_38, %mul3A_41 : vector<8192x64xf32>
    %get3A_42 = arith.constant 0 : index
    %get3A_43 = arith.constant 0 : index
    %get3A_44 = vector.load %arg7[%get3A_42, %get3A_43] : memref<64x64xf32, #tpu.memory_space<vmem>>, vector<64x64xf32>
    %convert_element_type3A_45 = arith.truncf %max3A : vector<8192x64xf32> to vector<8192x64xbf16>
    %convert_element_type3A_46 = arith.truncf %get3A_44 : vector<64x64xf32> to vector<64x64xbf16>
    %dot_general3A_47 = arith.constant dense<0.000000e+00> : vector<8192x64xf32>
    %dot_general3A_48 = tpu.matmul %convert_element_type3A_45, %convert_element_type3A_46, %dot_general3A_47 {dimension_numbers = #tpu.dot_dimension_numbers<[1], [0], [0], [1], [0, 0, 1, 1], [], []>, transpose_lhs_hint = false} : vector<8192x64xbf16>, vector<64x64xbf16>, vector<8192x64xf32> -> vector<8192x64xf32>
    %get3A_49 = arith.constant 0 : index
    %get3A_50 = arith.constant 0 : index
    %get3A_51 = vector.load %arg8[%get3A_49, %get3A_50] : memref<1x64xf32, #tpu.memory_space<vmem>>, vector<1x64xf32>
    %add3A_52 = vector.broadcast %get3A_51 : vector<1x64xf32> to vector<8192x64xf32>
    %add3A_53 = arith.addf %dot_general3A_48, %add3A_52 : vector<8192x64xf32>
    %get3A_54 = arith.constant 0 : index
    %get3A_55 = arith.constant 0 : index
    %get3A_56 = vector.load %arg9[%get3A_54, %get3A_55] : memref<64x64xf32, #tpu.memory_space<vmem>>, vector<64x64xf32>
    %convert_element_type3A_57 = arith.truncf %add3A_53 : vector<8192x64xf32> to vector<8192x64xbf16>
    %convert_element_type3A_58 = arith.truncf %get3A_56 : vector<64x64xf32> to vector<64x64xbf16>
    %dot_general3A_59 = arith.constant dense<0.000000e+00> : vector<8192x64xf32>
    %dot_general3A_60 = tpu.matmul %convert_element_type3A_57, %convert_element_type3A_58, %dot_general3A_59 {dimension_numbers = #tpu.dot_dimension_numbers<[1], [0], [0], [1], [0, 0, 1, 1], [], []>, transpose_lhs_hint = false} : vector<8192x64xbf16>, vector<64x64xbf16>, vector<8192x64xf32> -> vector<8192x64xf32>
    %get3A_61 = arith.constant 0 : index
    %get3A_62 = arith.constant 0 : index
    %get3A_63 = vector.load %arg10[%get3A_61, %get3A_62] : memref<1x64xf32, #tpu.memory_space<vmem>>, vector<1x64xf32>
    %add3A_64 = vector.broadcast %get3A_63 : vector<1x64xf32> to vector<8192x64xf32>
    %add3A_65 = arith.addf %dot_general3A_60, %add3A_64 : vector<8192x64xf32>
    %mul3A_66 = arith.constant 0.00999999977 : f32
    %mul3A_67 = vector.broadcast %mul3A_66 : f32 to vector<8192x64xf32>
    %mul3A_68 = arith.mulf %mul3A_67, %add3A_65 : vector<8192x64xf32>
    %max3A_69 = arith.maximumf %add3A_65, %mul3A_68 : vector<8192x64xf32>
    %get3A_70 = arith.constant 0 : index
    %get3A_71 = arith.constant 0 : index
    %get3A_72 = vector.load %arg11[%get3A_70, %get3A_71] : memref<64x1xf32, #tpu.memory_space<vmem>>, vector<64x1xf32>
    %convert_element_type3A_73 = arith.truncf %max3A_69 : vector<8192x64xf32> to vector<8192x64xbf16>
    %convert_element_type3A_74 = arith.truncf %get3A_72 : vector<64x1xf32> to vector<64x1xbf16>
    %dot_general3A_75 = arith.constant dense<0.000000e+00> : vector<8192x1xf32>
    %dot_general3A_76 = tpu.matmul %convert_element_type3A_73, %convert_element_type3A_74, %dot_general3A_75 {dimension_numbers = #tpu.dot_dimension_numbers<[1], [0], [0], [1], [0, 0, 1, 1], [], []>, transpose_lhs_hint = false} : vector<8192x64xbf16>, vector<64x1xbf16>, vector<8192x1xf32> -> vector<8192x1xf32>
    %get3A_77 = arith.constant 0 : index
    %get3A_78 = arith.constant 0 : index
    %get3A_79 = vector.load %arg12[%get3A_77, %get3A_78] : memref<1x1xf32, #tpu.memory_space<vmem>>, vector<1x1xf32>
    %add3A_80 = vector.broadcast %get3A_79 : vector<1x1xf32> to vector<8192x1xf32>
    %add3A_81 = arith.addf %dot_general3A_76, %add3A_80 : vector<8192x1xf32>
    %iota3A_82 = tpu.iota {dimensions = array<i32: 1>} : vector<1x128xi32>
    %eq3A = arith.constant 67 : i32
    %eq3A_83 = vector.broadcast %eq3A : i32 to vector<1x128xi32>
    %eq3A_84 = arith.cmpi eq, %iota3A_82, %eq3A_83 : vector<1x128xi32>
    %convert_element_type3A_85 = arith.extui %eq3A_84 : vector<1x128xi1> to vector<1x128xi32>
    %convert_element_type3A_86 = arith.sitofp %convert_element_type3A_85 : vector<1x128xi32> to vector<1x128xf32>
    %mul3A_87 = vector.broadcast %add3A_81 : vector<8192x1xf32> to vector<8192x128xf32>
    %mul3A_88 = arith.mulf %get3A_1, %mul3A_87 : vector<8192x128xf32>
    %add3A_89 = vector.broadcast %convert_element_type3A_86 : vector<1x128xf32> to vector<8192x128xf32>
    %add3A_90 = arith.addf %mul3A_88, %add3A_89 : vector<8192x128xf32>
    %swap3A = arith.constant 0 : index
    %swap3A_91 = arith.constant 0 : index
    %swap3A_92 = vector.load %arg13[%swap3A, %swap3A_91] : memref<8192x128xf32, #tpu.memory_space<vmem>>, vector<8192x64xf32>
    tpu.vector_store %arg13[%swap3A, %swap3A_91], %add3A_53 {strides = array<i32>} : memref<8192x128xf32, #tpu.memory_space<vmem>>, vector<8192x64xf32>,
    %slice3A_93 = vector.extract_strided_slice %add3A_90 {offsets = [0, 64], sizes = [8192, 64], strides = [1, 1]} : vector<8192x128xf32> to vector<8192x64xf32>
    %swap3A_94 = arith.constant 0 : index
    %swap3A_95 = arith.constant 64 : index
    %swap3A_96 = vector.load %arg13[%swap3A_94, %swap3A_95] : memref<8192x128xf32, #tpu.memory_space<vmem>>, vector<8192x64xf32>
    tpu.vector_store %arg13[%swap3A_94, %swap3A_95], %slice3A_93 {strides = array<i32>} : memref<8192x128xf32, #tpu.memory_space<vmem>>, vector<8192x64xf32>,
    return
  }
  func.func @transform_0(%arg0: i32) -> (i32, i32) {
    %c0_i32 = arith.constant 0 : i32
    %c0_i32_0 = arith.constant 0 : i32
    return %arg0, %c0_i32 : i32, i32
  }
  func.func @transform_1(%arg0: i32) -> (i32, i32) {
    %c0_i32 = arith.constant 0 : i32
    %c0_i32_0 = arith.constant 0 : i32
    return %arg0, %c0_i32 : i32, i32
  }
  func.func @transform_2(%arg0: i32) -> (i32, i32) {
    %c0_i32 = arith.constant 0 : i32
    %c0_i32_0 = arith.constant 0 : i32
    %c0_i32_1 = arith.constant 0 : i32
    return %c0_i32, %c0_i32_0 : i32, i32
  }
  func.func @transform_3(%arg0: i32) -> (i32, i32) {
    %c0_i32 = arith.constant 0 : i32
    %c0_i32_0 = arith.constant 0 : i32
    %c0_i32_1 = arith.constant 0 : i32
    return %c0_i32, %c0_i32_0 : i32, i32
  }
  func.func @transform_4(%arg0: i32) -> (i32, i32) {
    %c0_i32 = arith.constant 0 : i32
    %c0_i32_0 = arith.constant 0 : i32
    %c0_i32_1 = arith.constant 0 : i32
    return %c0_i32, %c0_i32_0 : i32, i32
  }
  func.func @transform_5(%arg0: i32) -> (i32, i32) {
    %c0_i32 = arith.constant 0 : i32
    %c0_i32_0 = arith.constant 0 : i32
    %c0_i32_1 = arith.constant 0 : i32
    return %c0_i32, %c0_i32_0 : i32, i32
  }
  func.func @transform_6(%arg0: i32) -> (i32, i32) {
    %c0_i32 = arith.constant 0 : i32
    %c0_i32_0 = arith.constant 0 : i32
    %c0_i32_1 = arith.constant 0 : i32
    return %c0_i32, %c0_i32_0 : i32, i32
  }
  func.func @transform_7(%arg0: i32) -> (i32, i32) {
    %c0_i32 = arith.constant 0 : i32
    %c0_i32_0 = arith.constant 0 : i32
    %c0_i32_1 = arith.constant 0 : i32
    return %c0_i32, %c0_i32_0 : i32, i32
  }
  func.func @transform_8(%arg0: i32) -> (i32, i32) {
    %c0_i32 = arith.constant 0 : i32
    %c0_i32_0 = arith.constant 0 : i32
    %c0_i32_1 = arith.constant 0 : i32
    return %c0_i32, %c0_i32_0 : i32, i32
  }
  func.func @transform_9(%arg0: i32) -> (i32, i32) {
    %c0_i32 = arith.constant 0 : i32
    %c0_i32_0 = arith.constant 0 : i32
    %c0_i32_1 = arith.constant 0 : i32
    return %c0_i32, %c0_i32_0 : i32, i32
  }
  func.func @transform_10(%arg0: i32) -> (i32, i32) {
    %c0_i32 = arith.constant 0 : i32
    %c0_i32_0 = arith.constant 0 : i32
    %c0_i32_1 = arith.constant 0 : i32
    return %c0_i32, %c0_i32_0 : i32, i32
  }
  func.func @transform_11(%arg0: i32) -> (i32, i32) {
    %c0_i32 = arith.constant 0 : i32
    %c0_i32_0 = arith.constant 0 : i32
    %c0_i32_1 = arith.constant 0 : i32
    return %c0_i32, %c0_i32_0 : i32, i32
  }
  func.func @transform_12(%arg0: i32) -> (i32, i32) {
    %c0_i32 = arith.constant 0 : i32
    %c0_i32_0 = arith.constant 0 : i32
    return %arg0, %c0_i32 : i32, i32
  }
}

module attributes {stable_mosaic.version = 14 : i64} {
  func.func @_edge_body(%arg0: i32, %arg1: memref<8192x128xf32, #tpu.memory_space<vmem>>, %arg2: memref<8192x15xf32, #tpu.memory_space<vmem>>, %arg3: memref<1x15xf32, #tpu.memory_space<vmem>>, %arg4: memref<15x64xf32, #tpu.memory_space<vmem>>, %arg5: memref<15x64xf32, #tpu.memory_space<vmem>>, %arg6: memref<1x64xf32, #tpu.memory_space<vmem>>, %arg7: memref<64x64xf32, #tpu.memory_space<vmem>>, %arg8: memref<1x64xf32, #tpu.memory_space<vmem>>, %arg9: memref<64x64xf32, #tpu.memory_space<vmem>>, %arg10: memref<1x64xf32, #tpu.memory_space<vmem>>, %arg11: memref<64x1xf32, #tpu.memory_space<vmem>>, %arg12: memref<1x1xf32, #tpu.memory_space<vmem>>, %arg13: memref<8192x128xf32, #tpu.memory_space<vmem>>) attributes {dimension_semantics = [#tpu.dimension_semantics<arbitrary>], iteration_bounds = array<i64: 16>, scalar_prefetch = 0 : i64, scratch_operands = 0 : i64, tpu.core_type = #tpu.core_type<tc>, window_params = [{transform_indices = @transform_0, window_bounds = array<i64: 8192, 128>}, {transform_indices = @transform_1, window_bounds = array<i64: 8192, 15>}, {pipeline_mode = #tpu.pipeline_mode<synchronous>, transform_indices = @transform_2, window_bounds = array<i64: 1, 15>}, {pipeline_mode = #tpu.pipeline_mode<synchronous>, transform_indices = @transform_3, window_bounds = array<i64: 15, 64>}, {pipeline_mode = #tpu.pipeline_mode<synchronous>, transform_indices = @transform_4, window_bounds = array<i64: 15, 64>}, {pipeline_mode = #tpu.pipeline_mode<synchronous>, transform_indices = @transform_5, window_bounds = array<i64: 1, 64>}, {pipeline_mode = #tpu.pipeline_mode<synchronous>, transform_indices = @transform_6, window_bounds = array<i64: 64, 64>}, {pipeline_mode = #tpu.pipeline_mode<synchronous>, transform_indices = @transform_7, window_bounds = array<i64: 1, 64>}, {pipeline_mode = #tpu.pipeline_mode<synchronous>, transform_indices = @transform_8, window_bounds = array<i64: 64, 64>}, {pipeline_mode = #tpu.pipeline_mode<synchronous>, transform_indices = @transform_9, window_bounds = array<i64: 1, 64>}, {pipeline_mode = #tpu.pipeline_mode<synchronous>, transform_indices = @transform_10, window_bounds = array<i64: 64, 1>}, {pipeline_mode = #tpu.pipeline_mode<synchronous>, transform_indices = @transform_11, window_bounds = array<i64: 1, 1>}, {transform_indices = @transform_12, window_bounds = array<i64: 8192, 128>}]} {
    %get3A = arith.constant 0 : index
    %get3A_0 = arith.constant 0 : index
    %get3A_1 = vector.load %arg1[%get3A, %get3A_0] : memref<8192x128xf32, #tpu.memory_space<vmem>>, vector<8192x128xf32>
    %iota3A = tpu.iota {dimensions = array<i32: 0>} : vector<128x1xi32>
    %ge3A = arith.constant 64 : i32
    %ge3A_2 = vector.broadcast %ge3A : i32 to vector<128x1xi32>
    %ge3A_3 = arith.cmpi sge, %iota3A, %ge3A_2 : vector<128x1xi32>
    %lt3A = arith.constant 80 : i32
    %lt3A_4 = vector.broadcast %lt3A : i32 to vector<128x1xi32>
    %lt3A_5 = arith.cmpi slt, %iota3A, %lt3A_4 : vector<128x1xi32>
    %and3A = arith.andi %ge3A_3, %lt3A_5 : vector<128x1xi1>
    %convert_element_type3A = arith.extui %and3A : vector<128x1xi1> to vector<128x1xi32>
    %convert_element_type3A_6 = arith.sitofp %convert_element_type3A : vector<128x1xi32> to vector<128x1xf32>
    %mul3A = arith.mulf %get3A_1, %get3A_1 : vector<8192x128xf32>
    %dot_general3A = arith.constant dense<0.000000e+00> : vector<8192x1xf32>
    %dot_general3A_7 = tpu.matmul %mul3A, %convert_element_type3A_6, %dot_general3A {dimension_numbers = #tpu.dot_dimension_numbers<[1], [0], [0], [1], [0, 0, 1, 1], [], []>, transpose_lhs_hint = false} : vector<8192x128xf32>, vector<128x1xf32>, vector<8192x1xf32> -> vector<8192x1xf32>
    %neg3A = arith.constant 0.000000e+00 : f32
    %neg3A_8 = vector.broadcast %neg3A : f32 to vector<8192x1xf32>
    %neg3A_9 = arith.subf %neg3A_8, %dot_general3A_7 : vector<8192x1xf32>
    %get3A_10 = arith.constant 0 : index
    %get3A_11 = arith.constant 0 : index
    %get3A_12 = vector.load %arg3[%get3A_10, %get3A_11] : memref<1x15xf32, #tpu.memory_space<vmem>>, vector<1x15xf32>
    %mul3A_13 = vector.broadcast %neg3A_9 : vector<8192x1xf32> to vector<8192x15xf32>
    %mul3A_14 = vector.broadcast %get3A_12 : vector<1x15xf32> to vector<8192x15xf32>
    %mul3A_15 = arith.mulf %mul3A_13, %mul3A_14 : vector<8192x15xf32>
    %exp3A = math.exp %mul3A_15 : vector<8192x15xf32>
    %slice3A = vector.extract_strided_slice %get3A_1 {offsets = [0, 0], sizes = [8192, 64], strides = [1, 1]} : vector<8192x128xf32> to vector<8192x64xf32>
    %get3A_16 = arith.constant 0 : index
    %get3A_17 = arith.constant 0 : index
    %get3A_18 = vector.load %arg2[%get3A_16, %get3A_17] : memref<8192x15xf32, #tpu.memory_space<vmem>>, vector<8192x15xf32>
    %get3A_19 = arith.constant 0 : index
    %get3A_20 = arith.constant 0 : index
    %get3A_21 = vector.load %arg4[%get3A_19, %get3A_20] : memref<15x64xf32, #tpu.memory_space<vmem>>, vector<15x64xf32>
    %convert_element_type3A_22 = arith.truncf %get3A_18 : vector<8192x15xf32> to vector<8192x15xbf16>
    %convert_element_type3A_23 = arith.truncf %get3A_21 : vector<15x64xf32> to vector<15x64xbf16>
    %dot_general3A_24 = arith.constant dense<0.000000e+00> : vector<8192x64xf32>
    %dot_general3A_25 = tpu.matmul %convert_element_type3A_22, %convert_element_type3A_23, %dot_general3A_24 {dimension_numbers = #tpu.dot_dimension_numbers<[1], [0], [0], [1], [0, 0, 1, 1], [], []>, transpose_lhs_hint = false} : vector<8192x15xbf16>, vector<15x64xbf16>, vector<8192x64xf32> -> vector<8192x64xf32>
    %add3A = arith.addf %slice3A, %dot_general3A_25 : vector<8192x64xf32>
    %get3A_26 = arith.constant 0 : index
    %get3A_27 = arith.constant 0 : index
    %get3A_28 = vector.load %arg5[%get3A_26, %get3A_27] : memref<15x64xf32, #tpu.memory_space<vmem>>, vector<15x64xf32>
    %convert_element_type3A_29 = arith.truncf %exp3A : vector<8192x15xf32> to vector<8192x15xbf16>
    %convert_element_type3A_30 = arith.truncf %get3A_28 : vector<15x64xf32> to vector<15x64xbf16>
    %dot_general3A_31 = arith.constant dense<0.000000e+00> : vector<8192x64xf32>
    %dot_general3A_32 = tpu.matmul %convert_element_type3A_29, %convert_element_type3A_30, %dot_general3A_31 {dimension_numbers = #tpu.dot_dimension_numbers<[1], [0], [0], [1], [0, 0, 1, 1], [], []>, transpose_lhs_hint = false} : vector<8192x15xbf16>, vector<15x64xbf16>, vector<8192x64xf32> -> vector<8192x64xf32>
    %add3A_33 = arith.addf %add3A, %dot_general3A_32 : vector<8192x64xf32>
    %get3A_34 = arith.constant 0 : index
    %get3A_35 = arith.constant 0 : index
    %get3A_36 = vector.load %arg6[%get3A_34, %get3A_35] : memref<1x64xf32, #tpu.memory_space<vmem>>, vector<1x64xf32>
    %add3A_37 = vector.broadcast %get3A_36 : vector<1x64xf32> to vector<8192x64xf32>
    %add3A_38 = arith.addf %add3A_33, %add3A_37 : vector<8192x64xf32>
    %mul3A_39 = arith.constant 0.00999999977 : f32
    %mul3A_40 = vector.broadcast %mul3A_39 : f32 to vector<8192x64xf32>
    %mul3A_41 = arith.mulf %mul3A_40, %add3A_38 : vector<8192x64xf32>
    %max3A = arith.maximumf %add3A_38, %mul3A_41 : vector<8192x64xf32>
    %get3A_42 = arith.constant 0 : index
    %get3A_43 = arith.constant 0 : index
    %get3A_44 = vector.load %arg7[%get3A_42, %get3A_43] : memref<64x64xf32, #tpu.memory_space<vmem>>, vector<64x64xf32>
    %convert_element_type3A_45 = arith.truncf %max3A : vector<8192x64xf32> to vector<8192x64xbf16>
    %convert_element_type3A_46 = arith.truncf %get3A_44 : vector<64x64xf32> to vector<64x64xbf16>
    %dot_general3A_47 = arith.constant dense<0.000000e+00> : vector<8192x64xf32>
    %dot_general3A_48 = tpu.matmul %convert_element_type3A_45, %convert_element_type3A_46, %dot_general3A_47 {dimension_numbers = #tpu.dot_dimension_numbers<[1], [0], [0], [1], [0, 0, 1, 1], [], []>, transpose_lhs_hint = false} : vector<8192x64xbf16>, vector<64x64xbf16>, vector<8192x64xf32> -> vector<8192x64xf32>
    %get3A_49 = arith.constant 0 : index
    %get3A_50 = arith.constant 0 : index
    %get3A_51 = vector.load %arg8[%get3A_49, %get3A_50] : memref<1x64xf32, #tpu.memory_space<vmem>>, vector<1x64xf32>
    %add3A_52 = vector.broadcast %get3A_51 : vector<1x64xf32> to vector<8192x64xf32>
    %add3A_53 = arith.addf %dot_general3A_48, %add3A_52 : vector<8192x64xf32>
    %get3A_54 = arith.constant 0 : index
    %get3A_55 = arith.constant 0 : index
    %get3A_56 = vector.load %arg9[%get3A_54, %get3A_55] : memref<64x64xf32, #tpu.memory_space<vmem>>, vector<64x64xf32>
    %convert_element_type3A_57 = arith.truncf %add3A_53 : vector<8192x64xf32> to vector<8192x64xbf16>
    %convert_element_type3A_58 = arith.truncf %get3A_56 : vector<64x64xf32> to vector<64x64xbf16>
    %dot_general3A_59 = arith.constant dense<0.000000e+00> : vector<8192x64xf32>
    %dot_general3A_60 = tpu.matmul %convert_element_type3A_57, %convert_element_type3A_58, %dot_general3A_59 {dimension_numbers = #tpu.dot_dimension_numbers<[1], [0], [0], [1], [0, 0, 1, 1], [], []>, transpose_lhs_hint = false} : vector<8192x64xbf16>, vector<64x64xbf16>, vector<8192x64xf32> -> vector<8192x64xf32>
    %get3A_61 = arith.constant 0 : index
    %get3A_62 = arith.constant 0 : index
    %get3A_63 = vector.load %arg10[%get3A_61, %get3A_62] : memref<1x64xf32, #tpu.memory_space<vmem>>, vector<1x64xf32>
    %add3A_64 = vector.broadcast %get3A_63 : vector<1x64xf32> to vector<8192x64xf32>
    %add3A_65 = arith.addf %dot_general3A_60, %add3A_64 : vector<8192x64xf32>
    %mul3A_66 = arith.constant 0.00999999977 : f32
    %mul3A_67 = vector.broadcast %mul3A_66 : f32 to vector<8192x64xf32>
    %mul3A_68 = arith.mulf %mul3A_67, %add3A_65 : vector<8192x64xf32>
    %max3A_69 = arith.maximumf %add3A_65, %mul3A_68 : vector<8192x64xf32>
    %get3A_70 = arith.constant 0 : index
    %get3A_71 = arith.constant 0 : index
    %get3A_72 = vector.load %arg11[%get3A_70, %get3A_71] : memref<64x1xf32, #tpu.memory_space<vmem>>, vector<64x1xf32>
    %convert_element_type3A_73 = arith.truncf %max3A_69 : vector<8192x64xf32> to vector<8192x64xbf16>
    %convert_element_type3A_74 = arith.truncf %get3A_72 : vector<64x1xf32> to vector<64x1xbf16>
    %dot_general3A_75 = arith.constant dense<0.000000e+00> : vector<8192x1xf32>
    %dot_general3A_76 = tpu.matmul %convert_element_type3A_73, %convert_element_type3A_74, %dot_general3A_75 {dimension_numbers = #tpu.dot_dimension_numbers<[1], [0], [0], [1], [0, 0, 1, 1], [], []>, transpose_lhs_hint = false} : vector<8192x64xbf16>, vector<64x1xbf16>, vector<8192x1xf32> -> vector<8192x1xf32>
    %get3A_77 = arith.constant 0 : index
    %get3A_78 = arith.constant 0 : index
    %get3A_79 = vector.load %arg12[%get3A_77, %get3A_78] : memref<1x1xf32, #tpu.memory_space<vmem>>, vector<1x1xf32>
    %add3A_80 = vector.broadcast %get3A_79 : vector<1x1xf32> to vector<8192x1xf32>
    %add3A_81 = arith.addf %dot_general3A_76, %add3A_80 : vector<8192x1xf32>
    %iota3A_82 = tpu.iota {dimensions = array<i32: 1>} : vector<1x128xi32>
    %eq3A = arith.constant 67 : i32
    %eq3A_83 = vector.broadcast %eq3A : i32 to vector<1x128xi32>
    %eq3A_84 = arith.cmpi eq, %iota3A_82, %eq3A_83 : vector<1x128xi32>
    %convert_element_type3A_85 = arith.extui %eq3A_84 : vector<1x128xi1> to vector<1x128xi32>
    %convert_element_type3A_86 = arith.sitofp %convert_element_type3A_85 : vector<1x128xi32> to vector<1x128xf32>
    %mul3A_87 = vector.broadcast %add3A_81 : vector<8192x1xf32> to vector<8192x128xf32>
    %mul3A_88 = arith.mulf %get3A_1, %mul3A_87 : vector<8192x128xf32>
    %add3A_89 = vector.broadcast %convert_element_type3A_86 : vector<1x128xf32> to vector<8192x128xf32>
    %add3A_90 = arith.addf %mul3A_88, %add3A_89 : vector<8192x128xf32>
    %swap3A = arith.constant 0 : index
    %swap3A_91 = arith.constant 0 : index
    %swap3A_92 = vector.load %arg13[%swap3A, %swap3A_91] : memref<8192x128xf32, #tpu.memory_space<vmem>>, vector<8192x64xf32>
    tpu.vector_store %arg13[%swap3A, %swap3A_91], %add3A_53 {strides = array<i32>} : memref<8192x128xf32, #tpu.memory_space<vmem>>, vector<8192x64xf32>,
    %slice3A_93 = vector.extract_strided_slice %add3A_90 {offsets = [0, 64], sizes = [8192, 64], strides = [1, 1]} : vector<8192x128xf32> to vector<8192x64xf32>
    %swap3A_94 = arith.constant 0 : index
    %swap3A_95 = arith.constant 64 : index
    %swap3A_96 = vector.load %arg13[%swap3A_94, %swap3A_95] : memref<8192x128xf32, #tpu.memory_space<vmem>>, vector<8192x64xf32>
    tpu.vector_store %arg13[%swap3A_94, %swap3A_95], %slice3A_93 {strides = array<i32>} : memref<8192x128xf32, #tpu.memory_space<vmem>>, vector<8192x64xf32>,
    return
  }
  func.func @transform_0(%arg0: i32) -> (i32, i32) {
    %c0_i32 = arith.constant 0 : i32
    %c0_i32_0 = arith.constant 0 : i32
    return %arg0, %c0_i32 : i32, i32
  }
  func.func @transform_1(%arg0: i32) -> (i32, i32) {
    %c0_i32 = arith.constant 0 : i32
    %c0_i32_0 = arith.constant 0 : i32
    return %arg0, %c0_i32 : i32, i32
  }
  func.func @transform_2(%arg0: i32) -> (i32, i32) {
    %c0_i32 = arith.constant 0 : i32
    %c0_i32_0 = arith.constant 0 : i32
    %c0_i32_1 = arith.constant 0 : i32
    return %c0_i32, %c0_i32_0 : i32, i32
  }
  func.func @transform_3(%arg0: i32) -> (i32, i32) {
    %c0_i32 = arith.constant 0 : i32
    %c0_i32_0 = arith.constant 0 : i32
    %c0_i32_1 = arith.constant 0 : i32
    return %c0_i32, %c0_i32_0 : i32, i32
  }
  func.func @transform_4(%arg0: i32) -> (i32, i32) {
    %c0_i32 = arith.constant 0 : i32
    %c0_i32_0 = arith.constant 0 : i32
    %c0_i32_1 = arith.constant 0 : i32
    return %c0_i32, %c0_i32_0 : i32, i32
  }
  func.func @transform_5(%arg0: i32) -> (i32, i32) {
    %c0_i32 = arith.constant 0 : i32
    %c0_i32_0 = arith.constant 0 : i32
    %c0_i32_1 = arith.constant 0 : i32
    return %c0_i32, %c0_i32_0 : i32, i32
  }
  func.func @transform_6(%arg0: i32) -> (i32, i32) {
    %c0_i32 = arith.constant 0 : i32
    %c0_i32_0 = arith.constant 0 : i32
    %c0_i32_1 = arith.constant 0 : i32
    return %c0_i32, %c0_i32_0 : i32, i32
  }
  func.func @transform_7(%arg0: i32) -> (i32, i32) {
    %c0_i32 = arith.constant 0 : i32
    %c0_i32_0 = arith.constant 0 : i32
    %c0_i32_1 = arith.constant 0 : i32
    return %c0_i32, %c0_i32_0 : i32, i32
  }
  func.func @transform_8(%arg0: i32) -> (i32, i32) {
    %c0_i32 = arith.constant 0 : i32
    %c0_i32_0 = arith.constant 0 : i32
    %c0_i32_1 = arith.constant 0 : i32
    return %c0_i32, %c0_i32_0 : i32, i32
  }
  func.func @transform_9(%arg0: i32) -> (i32, i32) {
    %c0_i32 = arith.constant 0 : i32
    %c0_i32_0 = arith.constant 0 : i32
    %c0_i32_1 = arith.constant 0 : i32
    return %c0_i32, %c0_i32_0 : i32, i32
  }
  func.func @transform_10(%arg0: i32) -> (i32, i32) {
    %c0_i32 = arith.constant 0 : i32
    %c0_i32_0 = arith.constant 0 : i32
    %c0_i32_1 = arith.constant 0 : i32
    return %c0_i32, %c0_i32_0 : i32, i32
  }
  func.func @transform_11(%arg0: i32) -> (i32, i32) {
    %c0_i32 = arith.constant 0 : i32
    %c0_i32_0 = arith.constant 0 : i32
    %c0_i32_1 = arith.constant 0 : i32
    return %c0_i32, %c0_i32_0 : i32, i32
  }
  func.func @transform_12(%arg0: i32) -> (i32, i32) {
    %c0_i32 = arith.constant 0 : i32
    %c0_i32_0 = arith.constant 0 : i32
    return %arg0, %c0_i32 : i32, i32
  }
}

module attributes {stable_mosaic.version = 14 : i64} {
  func.func @_attn_body(%arg0: i32, %arg1: memref<512x64xf32, #tpu.memory_space<vmem>>, %arg2: memref<8192x64xf32, #tpu.memory_space<vmem>>, %arg3: memref<8192x65xbf16, #tpu.memory_space<vmem>>, %arg4: memref<512x64xf32, #tpu.memory_space<vmem>>) attributes {dimension_semantics = [#tpu.dimension_semantics<arbitrary>], iteration_bounds = array<i64: 4>, scalar_prefetch = 0 : i64, scratch_operands = 0 : i64, tpu.core_type = #tpu.core_type<tc>, window_params = [{transform_indices = @transform_0, window_bounds = array<i64: 512, 64>}, {pipeline_mode = #tpu.pipeline_mode<synchronous>, transform_indices = @transform_1, window_bounds = array<i64: 8192, 64>}, {pipeline_mode = #tpu.pipeline_mode<synchronous>, transform_indices = @transform_2, window_bounds = array<i64: 8192, 65>}, {transform_indices = @transform_3, window_bounds = array<i64: 512, 64>}]} {
    %get3A = arith.constant 0 : index
    %get3A_0 = arith.constant 0 : index
    %get3A_1 = vector.load %arg1[%get3A, %get3A_0] : memref<512x64xf32, #tpu.memory_space<vmem>>, vector<512x64xf32>
    %convert_element_type3A = arith.truncf %get3A_1 : vector<512x64xf32> to vector<512x64xbf16>
    %get3A_2 = arith.constant 0 : index
    %get3A_3 = arith.constant 0 : index
    %get3A_4 = vector.load %arg2[%get3A_2, %get3A_3] : memref<8192x64xf32, #tpu.memory_space<vmem>>, vector<8192x64xf32>
    %convert_element_type3A_5 = arith.truncf %get3A_4 : vector<8192x64xf32> to vector<8192x64xbf16>
    %dot_general3A = arith.constant dense<0.000000e+00> : vector<512x8192xf32>
    %dot_general3A_6 = tpu.matmul %convert_element_type3A, %convert_element_type3A_5, %dot_general3A {dimension_numbers = #tpu.dot_dimension_numbers<[1], [1], [0], [0], [0, 0, 1, 0], [], []>, transpose_lhs_hint = false} : vector<512x64xbf16>, vector<8192x64xbf16>, vector<512x8192xf32> -> vector<512x8192xf32>
    %exp3A = math.exp %dot_general3A_6 : vector<512x8192xf32>
    %convert_element_type3A_7 = arith.truncf %exp3A : vector<512x8192xf32> to vector<512x8192xbf16>
    %get3A_8 = arith.constant 0 : index
    %get3A_9 = arith.constant 0 : index
    %get3A_10 = vector.load %arg3[%get3A_8, %get3A_9] : memref<8192x65xbf16, #tpu.memory_space<vmem>>, vector<8192x65xbf16>
    %dot_general3A_11 = arith.constant dense<0.000000e+00> : vector<512x65xf32>
    %dot_general3A_12 = tpu.matmul %convert_element_type3A_7, %get3A_10, %dot_general3A_11 {dimension_numbers = #tpu.dot_dimension_numbers<[1], [0], [0], [1], [0, 0, 1, 1], [], []>, transpose_lhs_hint = false} : vector<512x8192xbf16>, vector<8192x65xbf16>, vector<512x65xf32> -> vector<512x65xf32>
    %slice3A = vector.extract_strided_slice %dot_general3A_12 {offsets = [0, 0], sizes = [512, 64], strides = [1, 1]} : vector<512x65xf32> to vector<512x64xf32>
    %slice3A_13 = vector.extract_strided_slice %dot_general3A_12 {offsets = [0, 64], sizes = [512, 1], strides = [1, 1]} : vector<512x65xf32> to vector<512x1xf32>
    %div3A = vector.broadcast %slice3A_13 : vector<512x1xf32> to vector<512x64xf32>
    %div3A_14 = arith.divf %slice3A, %div3A : vector<512x64xf32>
    %swap3A = arith.constant 0 : index
    %swap3A_15 = arith.constant 0 : index
    %swap3A_16 = vector.load %arg4[%swap3A, %swap3A_15] : memref<512x64xf32, #tpu.memory_space<vmem>>, vector<512x64xf32>
    tpu.vector_store %arg4[%swap3A, %swap3A_15], %div3A_14 {strides = array<i32>} : memref<512x64xf32, #tpu.memory_space<vmem>>, vector<512x64xf32>,
    return
  }
  func.func @transform_0(%arg0: i32) -> (i32, i32) {
    %c0_i32 = arith.constant 0 : i32
    %c0_i32_0 = arith.constant 0 : i32
    return %arg0, %c0_i32 : i32, i32
  }
  func.func @transform_1(%arg0: i32) -> (i32, i32) {
    %c0_i32 = arith.constant 0 : i32
    %c0_i32_0 = arith.constant 0 : i32
    %c0_i32_1 = arith.constant 0 : i32
    return %c0_i32, %c0_i32_0 : i32, i32
  }
  func.func @transform_2(%arg0: i32) -> (i32, i32) {
    %c0_i32 = arith.constant 0 : i32
    %c0_i32_0 = arith.constant 0 : i32
    %c0_i32_1 = arith.constant 0 : i32
    return %c0_i32, %c0_i32_0 : i32, i32
  }
  func.func @transform_3(%arg0: i32) -> (i32, i32) {
    %c0_i32 = arith.constant 0 : i32
    %c0_i32_0 = arith.constant 0 : i32
    return %arg0, %c0_i32 : i32, i32
  }
}

module attributes {stable_mosaic.version = 14 : i64} {
  func.func @_attn_body(%arg0: i32, %arg1: memref<512x64xf32, #tpu.memory_space<vmem>>, %arg2: memref<2048x64xf32, #tpu.memory_space<vmem>>, %arg3: memref<2048x65xbf16, #tpu.memory_space<vmem>>, %arg4: memref<512x64xf32, #tpu.memory_space<vmem>>) attributes {dimension_semantics = [#tpu.dimension_semantics<arbitrary>], iteration_bounds = array<i64: 16>, scalar_prefetch = 0 : i64, scratch_operands = 0 : i64, tpu.core_type = #tpu.core_type<tc>, window_params = [{transform_indices = @transform_0, window_bounds = array<i64: 512, 64>}, {pipeline_mode = #tpu.pipeline_mode<synchronous>, transform_indices = @transform_1, window_bounds = array<i64: 2048, 64>}, {pipeline_mode = #tpu.pipeline_mode<synchronous>, transform_indices = @transform_2, window_bounds = array<i64: 2048, 65>}, {transform_indices = @transform_3, window_bounds = array<i64: 512, 64>}]} {
    %get3A = arith.constant 0 : index
    %get3A_0 = arith.constant 0 : index
    %get3A_1 = vector.load %arg1[%get3A, %get3A_0] : memref<512x64xf32, #tpu.memory_space<vmem>>, vector<512x64xf32>
    %convert_element_type3A = arith.truncf %get3A_1 : vector<512x64xf32> to vector<512x64xbf16>
    %get3A_2 = arith.constant 0 : index
    %get3A_3 = arith.constant 0 : index
    %get3A_4 = vector.load %arg2[%get3A_2, %get3A_3] : memref<2048x64xf32, #tpu.memory_space<vmem>>, vector<2048x64xf32>
    %convert_element_type3A_5 = arith.truncf %get3A_4 : vector<2048x64xf32> to vector<2048x64xbf16>
    %dot_general3A = arith.constant dense<0.000000e+00> : vector<512x2048xf32>
    %dot_general3A_6 = tpu.matmul %convert_element_type3A, %convert_element_type3A_5, %dot_general3A {dimension_numbers = #tpu.dot_dimension_numbers<[1], [1], [0], [0], [0, 0, 1, 0], [], []>, transpose_lhs_hint = false} : vector<512x64xbf16>, vector<2048x64xbf16>, vector<512x2048xf32> -> vector<512x2048xf32>
    %exp3A = math.exp %dot_general3A_6 : vector<512x2048xf32>
    %convert_element_type3A_7 = arith.truncf %exp3A : vector<512x2048xf32> to vector<512x2048xbf16>
    %get3A_8 = arith.constant 0 : index
    %get3A_9 = arith.constant 0 : index
    %get3A_10 = vector.load %arg3[%get3A_8, %get3A_9] : memref<2048x65xbf16, #tpu.memory_space<vmem>>, vector<2048x65xbf16>
    %dot_general3A_11 = arith.constant dense<0.000000e+00> : vector<512x65xf32>
    %dot_general3A_12 = tpu.matmul %convert_element_type3A_7, %get3A_10, %dot_general3A_11 {dimension_numbers = #tpu.dot_dimension_numbers<[1], [0], [0], [1], [0, 0, 1, 1], [], []>, transpose_lhs_hint = false} : vector<512x2048xbf16>, vector<2048x65xbf16>, vector<512x65xf32> -> vector<512x65xf32>
    %slice3A = vector.extract_strided_slice %dot_general3A_12 {offsets = [0, 0], sizes = [512, 64], strides = [1, 1]} : vector<512x65xf32> to vector<512x64xf32>
    %slice3A_13 = vector.extract_strided_slice %dot_general3A_12 {offsets = [0, 64], sizes = [512, 1], strides = [1, 1]} : vector<512x65xf32> to vector<512x1xf32>
    %div3A = vector.broadcast %slice3A_13 : vector<512x1xf32> to vector<512x64xf32>
    %div3A_14 = arith.divf %slice3A, %div3A : vector<512x64xf32>
    %swap3A = arith.constant 0 : index
    %swap3A_15 = arith.constant 0 : index
    %swap3A_16 = vector.load %arg4[%swap3A, %swap3A_15] : memref<512x64xf32, #tpu.memory_space<vmem>>, vector<512x64xf32>
    tpu.vector_store %arg4[%swap3A, %swap3A_15], %div3A_14 {strides = array<i32>} : memref<512x64xf32, #tpu.memory_space<vmem>>, vector<512x64xf32>,
    return
  }
  func.func @transform_0(%arg0: i32) -> (i32, i32) {
    %c0_i32 = arith.constant 0 : i32
    %c0_i32_0 = arith.constant 0 : i32
    return %arg0, %c0_i32 : i32, i32
  }
  func.func @transform_1(%arg0: i32) -> (i32, i32) {
    %c0_i32 = arith.constant 0 : i32
    %c0_i32_0 = arith.constant 0 : i32
    %c0_i32_1 = arith.constant 0 : i32
    return %c0_i32, %c0_i32_0 : i32, i32
  }
  func.func @transform_2(%arg0: i32) -> (i32, i32) {
    %c0_i32 = arith.constant 0 : i32
    %c0_i32_0 = arith.constant 0 : i32
    %c0_i32_1 = arith.constant 0 : i32
    return %c0_i32, %c0_i32_0 : i32, i32
  }
  func.func @transform_3(%arg0: i32) -> (i32, i32) {
    %c0_i32 = arith.constant 0 : i32
    %c0_i32_0 = arith.constant 0 : i32
    return %arg0, %c0_i32 : i32, i32
  }
}

module attributes {stable_mosaic.version = 14 : i64} {
  func.func @_fin_body(%arg0: memref<2x2048x128xf32, #tpu.memory_space<vmem>>, %arg1: memref<2048x64xf32, #tpu.memory_space<vmem>>, %arg2: memref<2048x64xf32, #tpu.memory_space<vmem>>, %arg3: memref<2048x64xf32, #tpu.memory_space<vmem>>, %arg4: memref<2048x16xf32, #tpu.memory_space<vmem>>, %arg5: memref<2048x16xf32, #tpu.memory_space<vmem>>, %arg6: memref<64x64xf32, #tpu.memory_space<vmem>>, %arg7: memref<64x64xf32, #tpu.memory_space<vmem>>, %arg8: memref<64x64xf32, #tpu.memory_space<vmem>>, %arg9: memref<64x64xf32, #tpu.memory_space<vmem>>, %arg10: memref<1x64xf32, #tpu.memory_space<vmem>>, %arg11: memref<64x64xf32, #tpu.memory_space<vmem>>, %arg12: memref<1x64xf32, #tpu.memory_space<vmem>>, %arg13: memref<2048x16xf32, #tpu.memory_space<vmem>>, %arg14: memref<2048x64xf32, #tpu.memory_space<vmem>>) attributes {dimension_semantics = [], scalar_prefetch = 0 : i64, scratch_operands = 0 : i64, tpu.core_type = #tpu.core_type<tc>} {
    %get3A = arith.constant 0 : index
    %get3A_0 = arith.constant 0 : index
    %get3A_1 = arith.constant 0 : index
    %get3A_2 = vector.load %arg0[%get3A, %get3A_0, %get3A_1] : memref<2x2048x128xf32, #tpu.memory_space<vmem>>, vector<2x2048x128xf32>
    %slice3A = vector.extract_strided_slice %get3A_2 {offsets = [0, 0, 0], sizes = [1, 2048, 128], strides = [1, 1, 1]} : vector<2x2048x128xf32> to vector<1x2048x128xf32>
    %squeeze3A = vector.shape_cast %slice3A : vector<1x2048x128xf32> to vector<2048x128xf32>
    %slice3A_3 = vector.extract_strided_slice %get3A_2 {offsets = [1, 0, 0], sizes = [1, 2048, 128], strides = [1, 1, 1]} : vector<2x2048x128xf32> to vector<1x2048x128xf32>
    %squeeze3A_4 = vector.shape_cast %slice3A_3 : vector<1x2048x128xf32> to vector<2048x128xf32>
    %add3A = arith.addf %squeeze3A, %squeeze3A_4 : vector<2048x128xf32>
    %slice3A_5 = vector.extract_strided_slice %add3A {offsets = [0, 0], sizes = [2048, 64], strides = [1, 1]} : vector<2048x128xf32> to vector<2048x64xf32>
    %slice3A_6 = vector.extract_strided_slice %add3A {offsets = [0, 64], sizes = [2048, 16], strides = [1, 1]} : vector<2048x128xf32> to vector<2048x16xf32>
    %slice3A_7 = vector.extract_strided_slice %slice3A_6 {offsets = [0, 3], sizes = [2048, 1], strides = [1, 1]} : vector<2048x16xf32> to vector<2048x1xf32>
    %max3A = arith.constant 1.000000e+00 : f32
    %max3A_8 = vector.broadcast %max3A : f32 to vector<2048x1xf32>
    %max3A_9 = arith.maximumf %slice3A_7, %max3A_8 : vector<2048x1xf32>
    %div3A = vector.broadcast %max3A_9 : vector<2048x1xf32> to vector<2048x64xf32>
    %div3A_10 = arith.divf %slice3A_5, %div3A : vector<2048x64xf32>
    %get3A_11 = arith.constant 0 : index
    %get3A_12 = arith.constant 0 : index
    %get3A_13 = vector.load %arg5[%get3A_11, %get3A_12] : memref<2048x16xf32, #tpu.memory_space<vmem>>, vector<2048x16xf32>
    %mul3A = arith.constant 2.500000e-01 : f32
    %mul3A_14 = vector.broadcast %mul3A : f32 to vector<2048x16xf32>
    %mul3A_15 = arith.mulf %mul3A_14, %get3A_13 : vector<2048x16xf32>
    %get3A_16 = arith.constant 0 : index
    %get3A_17 = arith.constant 0 : index
    %get3A_18 = vector.load %arg4[%get3A_16, %get3A_17] : memref<2048x16xf32, #tpu.memory_space<vmem>>, vector<2048x16xf32>
    %mul3A_19 = arith.constant 7.500000e-01 : f32
    %mul3A_20 = vector.broadcast %mul3A_19 : f32 to vector<2048x16xf32>
    %mul3A_21 = arith.mulf %mul3A_20, %get3A_18 : vector<2048x16xf32>
    %add3A_22 = arith.addf %mul3A_15, %mul3A_21 : vector<2048x16xf32>
    %div3A_23 = vector.broadcast %max3A_9 : vector<2048x1xf32> to vector<2048x16xf32>
    %div3A_24 = arith.divf %slice3A_6, %div3A_23 : vector<2048x16xf32>
    %add3A_25 = arith.addf %add3A_22, %div3A_24 : vector<2048x16xf32>
    %swap3A = arith.constant 0 : index
    %swap3A_26 = arith.constant 0 : index
    %swap3A_27 = vector.load %arg13[%swap3A, %swap3A_26] : memref<2048x16xf32, #tpu.memory_space<vmem>>, vector<2048x16xf32>
    tpu.vector_store %arg13[%swap3A, %swap3A_26], %add3A_25 {strides = array<i32>} : memref<2048x16xf32, #tpu.memory_space<vmem>>, vector<2048x16xf32>,
    %get3A_28 = arith.constant 0 : index
    %get3A_29 = arith.constant 0 : index
    %get3A_30 = vector.load %arg1[%get3A_28, %get3A_29] : memref<2048x64xf32, #tpu.memory_space<vmem>>, vector<2048x64xf32>
    %get3A_31 = arith.constant 0 : index
    %get3A_32 = arith.constant 0 : index
    %get3A_33 = vector.load %arg6[%get3A_31, %get3A_32] : memref<64x64xf32, #tpu.memory_space<vmem>>, vector<64x64xf32>
    %dot_general3A = arith.constant dense<0.000000e+00> : vector<2048x64xf32>
    %dot_general3A_34 = tpu.matmul %get3A_30, %get3A_33, %dot_general3A {dimension_numbers = #tpu.dot_dimension_numbers<[1], [0], [0], [1], [0, 0, 1, 1], [], []>, transpose_lhs_hint = false} : vector<2048x64xf32>, vector<64x64xf32>, vector<2048x64xf32> -> vector<2048x64xf32>
    %get3A_35 = arith.constant 0 : index
    %get3A_36 = arith.constant 0 : index
    %get3A_37 = vector.load %arg7[%get3A_35, %get3A_36] : memref<64x64xf32, #tpu.memory_space<vmem>>, vector<64x64xf32>
    %dot_general3A_38 = arith.constant dense<0.000000e+00> : vector<2048x64xf32>
    %dot_general3A_39 = tpu.matmul %div3A_10, %get3A_37, %dot_general3A_38 {dimension_numbers = #tpu.dot_dimension_numbers<[1], [0], [0], [1], [0, 0, 1, 1], [], []>, transpose_lhs_hint = false} : vector<2048x64xf32>, vector<64x64xf32>, vector<2048x64xf32> -> vector<2048x64xf32>
    %add3A_40 = arith.addf %dot_general3A_34, %dot_general3A_39 : vector<2048x64xf32>
    %get3A_41 = arith.constant 0 : index
    %get3A_42 = arith.constant 0 : index
    %get3A_43 = vector.load %arg3[%get3A_41, %get3A_42] : memref<2048x64xf32, #tpu.memory_space<vmem>>, vector<2048x64xf32>
    %get3A_44 = arith.constant 0 : index
    %get3A_45 = arith.constant 0 : index
    %get3A_46 = vector.load %arg8[%get3A_44, %get3A_45] : memref<64x64xf32, #tpu.memory_space<vmem>>, vector<64x64xf32>
    %dot_general3A_47 = arith.constant dense<0.000000e+00> : vector<2048x64xf32>
    %dot_general3A_48 = tpu.matmul %get3A_43, %get3A_46, %dot_general3A_47 {dimension_numbers = #tpu.dot_dimension_numbers<[1], [0], [0], [1], [0, 0, 1, 1], [], []>, transpose_lhs_hint = false} : vector<2048x64xf32>, vector<64x64xf32>, vector<2048x64xf32> -> vector<2048x64xf32>
    %add3A_49 = arith.addf %add3A_40, %dot_general3A_48 : vector<2048x64xf32>
    %get3A_50 = arith.constant 0 : index
    %get3A_51 = arith.constant 0 : index
    %get3A_52 = vector.load %arg2[%get3A_50, %get3A_51] : memref<2048x64xf32, #tpu.memory_space<vmem>>, vector<2048x64xf32>
    %get3A_53 = arith.constant 0 : index
    %get3A_54 = arith.constant 0 : index
    %get3A_55 = vector.load %arg9[%get3A_53, %get3A_54] : memref<64x64xf32, #tpu.memory_space<vmem>>, vector<64x64xf32>
    %dot_general3A_56 = arith.constant dense<0.000000e+00> : vector<2048x64xf32>
    %dot_general3A_57 = tpu.matmul %get3A_52, %get3A_55, %dot_general3A_56 {dimension_numbers = #tpu.dot_dimension_numbers<[1], [0], [0], [1], [0, 0, 1, 1], [], []>, transpose_lhs_hint = false} : vector<2048x64xf32>, vector<64x64xf32>, vector<2048x64xf32> -> vector<2048x64xf32>
    %add3A_58 = arith.addf %add3A_49, %dot_general3A_57 : vector<2048x64xf32>
    %get3A_59 = arith.constant 0 : index
    %get3A_60 = arith.constant 0 : index
    %get3A_61 = vector.load %arg10[%get3A_59, %get3A_60] : memref<1x64xf32, #tpu.memory_space<vmem>>, vector<1x64xf32>
    %add3A_62 = vector.broadcast %get3A_61 : vector<1x64xf32> to vector<2048x64xf32>
    %add3A_63 = arith.addf %add3A_58, %add3A_62 : vector<2048x64xf32>
    %mul3A_64 = arith.constant 0.00999999977 : f32
    %mul3A_65 = vector.broadcast %mul3A_64 : f32 to vector<2048x64xf32>
    %mul3A_66 = arith.mulf %mul3A_65, %add3A_63 : vector<2048x64xf32>
    %max3A_67 = arith.maximumf %add3A_63, %mul3A_66 : vector<2048x64xf32>
    %get3A_68 = arith.constant 0 : index
    %get3A_69 = arith.constant 0 : index
    %get3A_70 = vector.load %arg11[%get3A_68, %get3A_69] : memref<64x64xf32, #tpu.memory_space<vmem>>, vector<64x64xf32>
    %dot_general3A_71 = arith.constant dense<0.000000e+00> : vector<2048x64xf32>
    %dot_general3A_72 = tpu.matmul %max3A_67, %get3A_70, %dot_general3A_71 {dimension_numbers = #tpu.dot_dimension_numbers<[1], [0], [0], [1], [0, 0, 1, 1], [], []>, transpose_lhs_hint = false} : vector<2048x64xf32>, vector<64x64xf32>, vector<2048x64xf32> -> vector<2048x64xf32>
    %get3A_73 = arith.constant 0 : index
    %get3A_74 = arith.constant 0 : index
    %get3A_75 = vector.load %arg12[%get3A_73, %get3A_74] : memref<1x64xf32, #tpu.memory_space<vmem>>, vector<1x64xf32>
    %add3A_76 = vector.broadcast %get3A_75 : vector<1x64xf32> to vector<2048x64xf32>
    %add3A_77 = arith.addf %dot_general3A_72, %add3A_76 : vector<2048x64xf32>
    %mul3A_78 = arith.constant 5.000000e-01 : f32
    %mul3A_79 = vector.broadcast %mul3A_78 : f32 to vector<2048x64xf32>
    %mul3A_80 = arith.mulf %mul3A_79, %add3A_77 : vector<2048x64xf32>
    %mul3A_81 = arith.constant 5.000000e-01 : f32
    %mul3A_82 = vector.broadcast %mul3A_81 : f32 to vector<2048x64xf32>
    %mul3A_83 = arith.mulf %mul3A_82, %get3A_30 : vector<2048x64xf32>
    %add3A_84 = arith.addf %mul3A_80, %mul3A_83 : vector<2048x64xf32>
    %swap3A_85 = arith.constant 0 : index
    %swap3A_86 = arith.constant 0 : index
    %swap3A_87 = vector.load %arg14[%swap3A_85, %swap3A_86] : memref<2048x64xf32, #tpu.memory_space<vmem>>, vector<2048x64xf32>
    tpu.vector_store %arg14[%swap3A_85, %swap3A_86], %add3A_84 {strides = array<i32>} : memref<2048x64xf32, #tpu.memory_space<vmem>>, vector<2048x64xf32>,
    return
  }
}

module attributes {stable_mosaic.version = 14 : i64} {
  func.func @_fin_body(%arg0: memref<2x8192x128xf32, #tpu.memory_space<vmem>>, %arg1: memref<8192x64xf32, #tpu.memory_space<vmem>>, %arg2: memref<8192x64xf32, #tpu.memory_space<vmem>>, %arg3: memref<8192x64xf32, #tpu.memory_space<vmem>>, %arg4: memref<8192x16xf32, #tpu.memory_space<vmem>>, %arg5: memref<8192x16xf32, #tpu.memory_space<vmem>>, %arg6: memref<64x64xf32, #tpu.memory_space<vmem>>, %arg7: memref<64x64xf32, #tpu.memory_space<vmem>>, %arg8: memref<64x64xf32, #tpu.memory_space<vmem>>, %arg9: memref<64x64xf32, #tpu.memory_space<vmem>>, %arg10: memref<1x64xf32, #tpu.memory_space<vmem>>, %arg11: memref<64x64xf32, #tpu.memory_space<vmem>>, %arg12: memref<1x64xf32, #tpu.memory_space<vmem>>, %arg13: memref<8192x16xf32, #tpu.memory_space<vmem>>, %arg14: memref<8192x64xf32, #tpu.memory_space<vmem>>) attributes {dimension_semantics = [], scalar_prefetch = 0 : i64, scratch_operands = 0 : i64, tpu.core_type = #tpu.core_type<tc>} {
    %get3A = arith.constant 0 : index
    %get3A_0 = arith.constant 0 : index
    %get3A_1 = arith.constant 0 : index
    %get3A_2 = vector.load %arg0[%get3A, %get3A_0, %get3A_1] : memref<2x8192x128xf32, #tpu.memory_space<vmem>>, vector<2x8192x128xf32>
    %slice3A = vector.extract_strided_slice %get3A_2 {offsets = [0, 0, 0], sizes = [1, 8192, 128], strides = [1, 1, 1]} : vector<2x8192x128xf32> to vector<1x8192x128xf32>
    %squeeze3A = vector.shape_cast %slice3A : vector<1x8192x128xf32> to vector<8192x128xf32>
    %slice3A_3 = vector.extract_strided_slice %get3A_2 {offsets = [1, 0, 0], sizes = [1, 8192, 128], strides = [1, 1, 1]} : vector<2x8192x128xf32> to vector<1x8192x128xf32>
    %squeeze3A_4 = vector.shape_cast %slice3A_3 : vector<1x8192x128xf32> to vector<8192x128xf32>
    %add3A = arith.addf %squeeze3A, %squeeze3A_4 : vector<8192x128xf32>
    %slice3A_5 = vector.extract_strided_slice %add3A {offsets = [0, 0], sizes = [8192, 64], strides = [1, 1]} : vector<8192x128xf32> to vector<8192x64xf32>
    %slice3A_6 = vector.extract_strided_slice %add3A {offsets = [0, 64], sizes = [8192, 16], strides = [1, 1]} : vector<8192x128xf32> to vector<8192x16xf32>
    %slice3A_7 = vector.extract_strided_slice %slice3A_6 {offsets = [0, 3], sizes = [8192, 1], strides = [1, 1]} : vector<8192x16xf32> to vector<8192x1xf32>
    %max3A = arith.constant 1.000000e+00 : f32
    %max3A_8 = vector.broadcast %max3A : f32 to vector<8192x1xf32>
    %max3A_9 = arith.maximumf %slice3A_7, %max3A_8 : vector<8192x1xf32>
    %div3A = vector.broadcast %max3A_9 : vector<8192x1xf32> to vector<8192x64xf32>
    %div3A_10 = arith.divf %slice3A_5, %div3A : vector<8192x64xf32>
    %get3A_11 = arith.constant 0 : index
    %get3A_12 = arith.constant 0 : index
    %get3A_13 = vector.load %arg5[%get3A_11, %get3A_12] : memref<8192x16xf32, #tpu.memory_space<vmem>>, vector<8192x16xf32>
    %mul3A = arith.constant 2.500000e-01 : f32
    %mul3A_14 = vector.broadcast %mul3A : f32 to vector<8192x16xf32>
    %mul3A_15 = arith.mulf %mul3A_14, %get3A_13 : vector<8192x16xf32>
    %get3A_16 = arith.constant 0 : index
    %get3A_17 = arith.constant 0 : index
    %get3A_18 = vector.load %arg4[%get3A_16, %get3A_17] : memref<8192x16xf32, #tpu.memory_space<vmem>>, vector<8192x16xf32>
    %mul3A_19 = arith.constant 7.500000e-01 : f32
    %mul3A_20 = vector.broadcast %mul3A_19 : f32 to vector<8192x16xf32>
    %mul3A_21 = arith.mulf %mul3A_20, %get3A_18 : vector<8192x16xf32>
    %add3A_22 = arith.addf %mul3A_15, %mul3A_21 : vector<8192x16xf32>
    %div3A_23 = vector.broadcast %max3A_9 : vector<8192x1xf32> to vector<8192x16xf32>
    %div3A_24 = arith.divf %slice3A_6, %div3A_23 : vector<8192x16xf32>
    %add3A_25 = arith.addf %add3A_22, %div3A_24 : vector<8192x16xf32>
    %swap3A = arith.constant 0 : index
    %swap3A_26 = arith.constant 0 : index
    %swap3A_27 = vector.load %arg13[%swap3A, %swap3A_26] : memref<8192x16xf32, #tpu.memory_space<vmem>>, vector<8192x16xf32>
    tpu.vector_store %arg13[%swap3A, %swap3A_26], %add3A_25 {strides = array<i32>} : memref<8192x16xf32, #tpu.memory_space<vmem>>, vector<8192x16xf32>,
    %get3A_28 = arith.constant 0 : index
    %get3A_29 = arith.constant 0 : index
    %get3A_30 = vector.load %arg1[%get3A_28, %get3A_29] : memref<8192x64xf32, #tpu.memory_space<vmem>>, vector<8192x64xf32>
    %get3A_31 = arith.constant 0 : index
    %get3A_32 = arith.constant 0 : index
    %get3A_33 = vector.load %arg6[%get3A_31, %get3A_32] : memref<64x64xf32, #tpu.memory_space<vmem>>, vector<64x64xf32>
    %dot_general3A = arith.constant dense<0.000000e+00> : vector<8192x64xf32>
    %dot_general3A_34 = tpu.matmul %get3A_30, %get3A_33, %dot_general3A {dimension_numbers = #tpu.dot_dimension_numbers<[1], [0], [0], [1], [0, 0, 1, 1], [], []>, transpose_lhs_hint = false} : vector<8192x64xf32>, vector<64x64xf32>, vector<8192x64xf32> -> vector<8192x64xf32>
    %get3A_35 = arith.constant 0 : index
    %get3A_36 = arith.constant 0 : index
    %get3A_37 = vector.load %arg7[%get3A_35, %get3A_36] : memref<64x64xf32, #tpu.memory_space<vmem>>, vector<64x64xf32>
    %dot_general3A_38 = arith.constant dense<0.000000e+00> : vector<8192x64xf32>
    %dot_general3A_39 = tpu.matmul %div3A_10, %get3A_37, %dot_general3A_38 {dimension_numbers = #tpu.dot_dimension_numbers<[1], [0], [0], [1], [0, 0, 1, 1], [], []>, transpose_lhs_hint = false} : vector<8192x64xf32>, vector<64x64xf32>, vector<8192x64xf32> -> vector<8192x64xf32>
    %add3A_40 = arith.addf %dot_general3A_34, %dot_general3A_39 : vector<8192x64xf32>
    %get3A_41 = arith.constant 0 : index
    %get3A_42 = arith.constant 0 : index
    %get3A_43 = vector.load %arg3[%get3A_41, %get3A_42] : memref<8192x64xf32, #tpu.memory_space<vmem>>, vector<8192x64xf32>
    %get3A_44 = arith.constant 0 : index
    %get3A_45 = arith.constant 0 : index
    %get3A_46 = vector.load %arg8[%get3A_44, %get3A_45] : memref<64x64xf32, #tpu.memory_space<vmem>>, vector<64x64xf32>
    %dot_general3A_47 = arith.constant dense<0.000000e+00> : vector<8192x64xf32>
    %dot_general3A_48 = tpu.matmul %get3A_43, %get3A_46, %dot_general3A_47 {dimension_numbers = #tpu.dot_dimension_numbers<[1], [0], [0], [1], [0, 0, 1, 1], [], []>, transpose_lhs_hint = false} : vector<8192x64xf32>, vector<64x64xf32>, vector<8192x64xf32> -> vector<8192x64xf32>
    %add3A_49 = arith.addf %add3A_40, %dot_general3A_48 : vector<8192x64xf32>
    %get3A_50 = arith.constant 0 : index
    %get3A_51 = arith.constant 0 : index
    %get3A_52 = vector.load %arg2[%get3A_50, %get3A_51] : memref<8192x64xf32, #tpu.memory_space<vmem>>, vector<8192x64xf32>
    %get3A_53 = arith.constant 0 : index
    %get3A_54 = arith.constant 0 : index
    %get3A_55 = vector.load %arg9[%get3A_53, %get3A_54] : memref<64x64xf32, #tpu.memory_space<vmem>>, vector<64x64xf32>
    %dot_general3A_56 = arith.constant dense<0.000000e+00> : vector<8192x64xf32>
    %dot_general3A_57 = tpu.matmul %get3A_52, %get3A_55, %dot_general3A_56 {dimension_numbers = #tpu.dot_dimension_numbers<[1], [0], [0], [1], [0, 0, 1, 1], [], []>, transpose_lhs_hint = false} : vector<8192x64xf32>, vector<64x64xf32>, vector<8192x64xf32> -> vector<8192x64xf32>
    %add3A_58 = arith.addf %add3A_49, %dot_general3A_57 : vector<8192x64xf32>
    %get3A_59 = arith.constant 0 : index
    %get3A_60 = arith.constant 0 : index
    %get3A_61 = vector.load %arg10[%get3A_59, %get3A_60] : memref<1x64xf32, #tpu.memory_space<vmem>>, vector<1x64xf32>
    %add3A_62 = vector.broadcast %get3A_61 : vector<1x64xf32> to vector<8192x64xf32>
    %add3A_63 = arith.addf %add3A_58, %add3A_62 : vector<8192x64xf32>
    %mul3A_64 = arith.constant 0.00999999977 : f32
    %mul3A_65 = vector.broadcast %mul3A_64 : f32 to vector<8192x64xf32>
    %mul3A_66 = arith.mulf %mul3A_65, %add3A_63 : vector<8192x64xf32>
    %max3A_67 = arith.maximumf %add3A_63, %mul3A_66 : vector<8192x64xf32>
    %get3A_68 = arith.constant 0 : index
    %get3A_69 = arith.constant 0 : index
    %get3A_70 = vector.load %arg11[%get3A_68, %get3A_69] : memref<64x64xf32, #tpu.memory_space<vmem>>, vector<64x64xf32>
    %dot_general3A_71 = arith.constant dense<0.000000e+00> : vector<8192x64xf32>
    %dot_general3A_72 = tpu.matmul %max3A_67, %get3A_70, %dot_general3A_71 {dimension_numbers = #tpu.dot_dimension_numbers<[1], [0], [0], [1], [0, 0, 1, 1], [], []>, transpose_lhs_hint = false} : vector<8192x64xf32>, vector<64x64xf32>, vector<8192x64xf32> -> vector<8192x64xf32>
    %get3A_73 = arith.constant 0 : index
    %get3A_74 = arith.constant 0 : index
    %get3A_75 = vector.load %arg12[%get3A_73, %get3A_74] : memref<1x64xf32, #tpu.memory_space<vmem>>, vector<1x64xf32>
    %add3A_76 = vector.broadcast %get3A_75 : vector<1x64xf32> to vector<8192x64xf32>
    %add3A_77 = arith.addf %dot_general3A_72, %add3A_76 : vector<8192x64xf32>
    %mul3A_78 = arith.constant 5.000000e-01 : f32
    %mul3A_79 = vector.broadcast %mul3A_78 : f32 to vector<8192x64xf32>
    %mul3A_80 = arith.mulf %mul3A_79, %add3A_77 : vector<8192x64xf32>
    %mul3A_81 = arith.constant 5.000000e-01 : f32
    %mul3A_82 = vector.broadcast %mul3A_81 : f32 to vector<8192x64xf32>
    %mul3A_83 = arith.mulf %mul3A_82, %get3A_30 : vector<8192x64xf32>
    %add3A_84 = arith.addf %mul3A_80, %mul3A_83 : vector<8192x64xf32>
    %swap3A_85 = arith.constant 0 : index
    %swap3A_86 = arith.constant 0 : index
    %swap3A_87 = vector.load %arg14[%swap3A_85, %swap3A_86] : memref<8192x64xf32, #tpu.memory_space<vmem>>, vector<8192x64xf32>
    tpu.vector_store %arg14[%swap3A_85, %swap3A_86], %add3A_84 {strides = array<i32>} : memref<8192x64xf32, #tpu.memory_space<vmem>>, vector<8192x64xf32>,
    return
  }
}

</mosaic_0001>

<sc_bundles>
// kernel: kernel.13.cloned.1.call-start
scs
__scs_entry_jumppad:
0x0: {  	(pc) =	sbr.rel $0x88, $3  }
0x1: {  	(tag) =	ssettag $0x0;
	lr =	simm.s32 $0x1  }
0x2: {  	[smem:$0x3F77] =	sst lr;
	_ =	strace $0xD0000000  }
0x3: {  	_ = 	snop  }
0x4: {  	_ = 	snop  }
0x5: {  	_ = 	snop  }
0x6: {  	_ = 	snop  }
0x7: {  	_ = 	snop  }
__scs_overlays_trampoline_lowered:
0x8: {  	[smem:$0x3F86] =	sst s0  }
0x9: {  	[smem:$0x3F87] =	sst s1  }
0xa: {  	[smem:$0x3F88] =	sst s2  }
0xb: {  	[smem:$0x3F89] =	sst s3  }
0xc: {  	[smem:$0x3F8A] =	sst s4  }
0xd: {  	[smem:$0x3F8B] =	sst s5  }
0xe: {  	[smem:$0x3F8C] =	sst s6  }
0xf: {  	[smem:$0x3F8D] =	sst s7  }
0x10: {  	[smem:$0x3F8E] =	sst s8  }
0x11: {  	[smem:$0x3F8F] =	sst s9;
	s0 =	simm.s32 @!p0 $0x0  }
0x12: {  	s1 =	sld [smem:$0x3F75];
	s0 =	simm.s32 @p0 $0x1  }
0x13: {  	[smem:$0x3F90] =	sst s0;
	s0 =	simm.s32 @!p1 $0x0  }
0x14: {  	s2 =	sld [smem:$0x3F74];
	s0 =	simm.s32 @p1 $0x1  }
0x15: {  	[smem:$0x3F91] =	sst s0;
	s0 =	simm.s32 @!p2 $0x0  }
0x16: {  	s3 =	sld [smem:$0x3FDB];
	s0 =	simm.s32 @p2 $0x1  }
0x17: {  	s4 =	simm.s32 $0x1BF5;
	[smem:$0x3F93] =	sst s0  }
0x18: {  	s0 =	sld [smem:$0x3F76];
	_ =	swait.ge [sflag:s4], $0x0  }
0x19: {  	s7 =	sld [smem:$0x3F77]  }
0x1a: {  	s8 =	sadd.s32 $0xFFFFE003, lr  }
0x1b: {  	s9 =	sadd.s32 $0xFFFFFEF7, lr;
	s5 =	simm.s32 $0xFFFFFFFF;
	p2 =	slt.u32 s8, $0xFFFFF086  }
0x1c: {  	p1 =	slt.u32 s9, $0xF7A;
	s5 =	simm.s32 @!p2 $0x0  }
0x1d: {  	s5 =	simm.s32 @p1 $0x1;
	p0 =	seq.s32 s7, s2  }
0x1e: {  	s7 =	smul.u32 @!p0 $0xF7A, s2;
	p2 =	seq.s32 @!p0 s5, $0x0  }
0x1f: {  	s9 =	smul.u32 $0xF7A, s1;
	s8 =	simm.s32 @!p0 $0x1BF5;
	p2 =	por !p2, p0  }
0x20: {  	[sflag:s8] =	ssyncset.s32 @!p0 $0xFFFFF086;
	s6 =	sadd.s32 @!p0 s3, s7;
	s7 =	simm.s32 @!p0 $0x108  }
0x21: {  	s3 =	sadd.s32 s3, s9;
	s6 =	sadd.s32 @!p0 $0x88, s6;
	s7 =	simm.s32 @p2 $0x1082  }
0x22: {  	[simem:s7], [sflag:s8] =	dma.local @!p0 [hbm:s6], $0xF7A  }
0x23: {  	s9 =	sor.u32 $0xD0000000, s2;
	s6 =	simm.s32 $0x108;
	_ =	swait.ge @!p0 [sflag:s8], $0x0  }
0x24: {  	s3 =	sadd.s32 $0x88, s3;
	s6 =	simm.s32 @!p1 $0x1082;
	[sflag:s4] =	ssyncset.s32 $0xFFFFF086  }
0x25: {  	[simem:s6], [sflag:s4] =	dma.local [hbm:s3], $0xF7A  }
0x26: {  	[smem:$0x3F77] =	sst s1;
	(tag) =	ssettag s2;
	_ =	strace s9  }
0x27: {  	s1 =	sld [smem:$0x3F87]  }
0x28: {  	s2 =	sld [smem:$0x3F88]  }
0x29: {  	s4 =	sld [smem:$0x3F8A]  }
0x2a: {  	p0 =	seq.s32 s5, $0x0;
	s5 =	sld [smem:$0x3F8B]  }
0x2b: {  	s6 =	sld [smem:$0x3F8C]  }
0x2c: {  	s7 =	sld [smem:$0x3F8D]  }
0x2d: {  	s3 =	simm.s32 $0x108;
	s8 =	sld [smem:$0x3F8E]  }
0x2e: {  	s3 =	simm.s32 @!p0 $0x1082;
	s9 =	sld [smem:$0x3F8F]  }
0x2f: {  	lr =	sadd.s32 s0, s3;
	s0 =	sld [smem:$0x3F86]  }
0x30: {  	s3 =	sld [smem:$0x3F89]  }
0x31: {  	[smem:$0x3F92] =	sst s10  }
0x32: {  	s10 =	sld [smem:$0x3F90];
	_ =	sdelay $0x3  }
0x33: {  	p0 =	seq.s32 s10, $0x1;
	s10 =	sld [smem:$0x3F92];
	_ =	sdelay $0x3  }
0x34: {  	[smem:$0x3F92] =	sst s10  }
0x35: {  	s10 =	sld [smem:$0x3F91];
	_ =	sdelay $0x3  }
0x36: {  	p1 =	seq.s32 s10, $0x1;
	s10 =	sld [smem:$0x3F92];
	_ =	sdelay $0x3  }
0x37: {  	[smem:$0x3F92] =	sst s10  }
0x38: {  	s10 =	sld [smem:$0x3F93]  }
0x39: {  	_ = 	snop;
	(pc) =	sbr.ind lr, $3  }
0x3a: {  	_ = 	snop  }
0x3b: {  	_ = 	snop  }
0x3c: {  	p2 =	seq.s32 s10, $0x1;
	s10 =	sld [smem:$0x3F92]  }
0x3d: {  	_ =	shalt  }
0x3e: {  	_ =	shalt  }
0x3f: {  	_ =	shalt  }
0x40: {  	_ =	shalt  }
0x41: {  	_ =	shalt  }
0x42: {  	_ =	shalt  }
0x43: {  	_ =	shalt  }
0x44: {  	_ =	shalt  }
0x45: {  	_ =	shalt  }
0x46: {  	_ =	shalt  }
0x47: {  	_ =	shalt  }
0x48: {  	_ =	shalt  }
0x49: {  	_ =	shalt  }
0x4a: {  	_ =	shalt  }
0x4b: {  	_ =	shalt  }
0x4c: {  	_ =	shalt  }
0x4d: {  	_ =	shalt  }
0x4e: {  	_ =	shalt  }
0x4f: {  	_ =	shalt  }
0x50: {  	_ =	shalt  }
0x51: {  	_ =	shalt  }
0x52: {  	_ =	shalt  }
0x53: {  	_ =	shalt  }
0x54: {  	_ =	shalt  }
0x55: {  	_ =	shalt  }
0x56: {  	_ =	shalt  }
0x57: {  	_ =	shalt  }
0x58: {  	_ =	shalt  }
0x59: {  	_ =	shalt  }
0x5a: {  	_ =	shalt  }
0x5b: {  	_ =	shalt  }
0x5c: {  	_ =	shalt  }
0x5d: {  	_ =	shalt  }
0x5e: {  	_ =	shalt  }
0x5f: {  	_ =	shalt  }
0x60: {  	_ =	shalt  }
0x61: {  	_ =	shalt  }
0x62: {  	_ =	shalt  }
0x63: {  	_ =	shalt  }
0x64: {  	_ =	shalt  }
0x65: {  	_ =	shalt  }
0x66: {  	_ =	shalt  }
0x67: {  	_ =	shalt  }
0x68: {  	_ =	shalt  }
0x69: {  	_ =	shalt  }
0x6a: {  	_ =	shalt  }
0x6b: {  	_ =	shalt  }
0x6c: {  	_ =	shalt  }
0x6d: {  	_ =	shalt  }
0x6e: {  	_ =	shalt  }
0x6f: {  	_ =	shalt  }
0x70: {  	_ =	shalt  }
0x71: {  	_ =	shalt  }
0x72: {  	_ =	shalt  }
0x73: {  	_ =	shalt  }
0x74: {  	_ =	shalt  }
0x75: {  	_ =	shalt  }
0x76: {  	_ =	shalt  }
0x77: {  	_ =	shalt  }
0x78: {  	_ =	shalt  }
0x79: {  	_ =	shalt  }
0x7a: {  	_ =	shalt  }
0x7b: {  	_ =	shalt  }
0x7c: {  	_ =	shalt  }
0x7d: {  	_ =	shalt  }
0x7e: {  	_ =	shalt  }
0x7f: {  	_ =	shalt  }
0x80: {  	_ =	shalt  }
0x81: {  	_ =	shalt  }
0x82: {  	_ =	shalt  }
0x83: {  	_ =	shalt  }
0x84: {  	_ =	shalt  }
0x85: {  	_ =	shalt  }
0x86: {  	_ =	shalt  }
0x87: {  	_ =	shalt  }
.Lfunc_end0:
.L_simem_size_0:
called_computation_lowered:
.L_overlay_start_0:
0x88: {  	s2 =	sld [smem:$0x3FD9]  }
0x89: {  	s3 =	sld [smem:$0x3FFE];
	_ =	sdelay $0x1  }
0x8a: {  	s1 =	srdreg.scid  }
0x8b: {  	s0 =	sand.u32 $0x1, s1  }
0x8c: {  	s14 =	sshll.u32 s0, $0xA;
	s2 =	sadd.s32 s3, s2  }
0x8d: {  	s2 =	sadd.s32 s2, s14  }
0x8e: {  	[smem:$0x3F9E] =	sst s2  }
0x8f: {  	_ = 	snop  }
0x90: {  	s2 =	sld [smem:$0x3FD0];
	_ =	sdelay $0x2  }
0x91: {  	s15 =	simm.s32 $0xB;
	s4 =	simm.s32 $0x10  }
0x92: {  	[smem:s4], [sflag:s15] =	dma.local [hbm:s2], $0x1  }
0x93: {  	_ =	swait.eq [sflag:s15], $0x1  }
0x94: {  	[sflag:s15] =	ssyncset.done $0x0  }
0x95: {  	[sflag:s15] =	ssyncadd.s32 $0xFFFFFFFF  }
0x96: {  	s16 =	sld [smem:$0x12];
	(tm) =	ssettm $0x1  }
0x97: {  	s17 =	sld [smem:$0x3FFB];
	_ =	sdelay $0x3  }
0x98: {  	_ =	strace s17  }
0x99: {  	s3 =	sld [smem:$0x3FFC];
	_ =	sdelay $0x3  }
0x9a: {  	_ =	strace s3  }
0x9b: {  	s3 =	sld [smem:$0x3FFD];
	_ =	sdelay $0x3  }
0x9c: {  	_ =	strace s3  }
0x9d: {  	_ =	strace $0x8FFFFFFF  }
0x9e: {  	s18 =	sld [smem:$0x3FDB];
	_ =	sdelay $0x1  }
0x9f: {  	s19 =	simm.s32 $_scs_section_size  }
0xa0: {  	s5 =	simm.s32 $_size__tile_overlayer_lowered;
	s6 =	simm.s32 $_tile_overlayer_lowered  }
0xa1: {  	s22 =	simm.s32 $0x1BFF;
	s21 =	sshll.u32 s6, $0x1;
	s3 =	sadd.s32 s19, s18  }
0xa2: {  	s7 =	simm.s32 $0x0;
	s20 =	sshll.u32 s5, $0x1;
	s5 =	sadd.s32 s21, s3  }
0xa3: {  	[timem:s7], [sflag:s22] =	dma.local [hbm:s5], s20  }
0xa4: {  	_ =	swait.ge [sflag:s22], s20  }
0xa5: {  	s4 =	ssub.s32 $0x0, s20;
	[sflag:s22] =	ssyncset.done $0x0  }
0xa6: {  	[sflag:s22] =	ssyncadd.s32 s4;
	_ =	sdelay $0x1  }
0xa7: {  	s23 =	simm.s32 $0x1B8B  }
0xa8: {  	_ =	swait.ge [sflag:s23], $0x1  }
0xa9: {  	[sflag:s23] =	ssyncset.done $0x0  }
0xaa: {  	s25 =	simm.s32 $0x1B8E;
	s24 =	sld [smem:$0x3FFE];
	[sflag:s23] =	ssyncadd.s32 $0xFFFFFFFF  }
0xab: {  	s26 =	simm.s32 $execute0_lowered;
	[smem:$0x3FD2] =	sst s25  }
0xac: {  	s5 =	sshll.u32 s26, $0x1;
	_ =	strace $0x80000046;
	[dreg:$0x1] =	wrdreg $0xFFFFFFFF  }
0xad: {  	s28 =	simm.s32 $_size_execute0_lowered;
	s3 =	sadd.s32 s3, s5;
	[dreg:$0x0] =	wrdreg $0x0  }
0xae: {  	s5 =	sshll.u32 s28, $0x1;
	[dreg:$0x2] =	wrdreg s3  }
0xaf: {  	[dreg:$0x3] =	wrdreg s5  }
0xb0: {  	[dreg:$0x4] =	wrdreg $0xC0  }
0xb1: {  	_ =	task [dreg:s7], $0x5FFFF  }
0xb2: {  	[dreg:$0x1] =	wrdreg $0xFFFFFFFF  }
0xb3: {  	[dreg:$0x0] =	wrdreg $0x60  }
0xb4: {  	[dreg:$0x2] =	wrdreg s24  }
0xb5: {  	[dreg:$0x3] =	wrdreg s16  }
0xb6: {  	[dreg:$0x4] =	wrdreg $0xA  }
0xb7: {  	_ =	task.clear_ibuf [dreg:s7], $0x5FFFF;
	_ =	strace $0x90000046  }
0xb8: {  	s29 =	simm.s32 $0xA;
	_ =	strace $0x80000048  }
0xb9: {  	_ =	swait.ge [sflag:s29], $0x1  }
0xba: {  	[sflag:s29] =	ssyncadd.s32 $0xFFFFFFFF  }
0xbb: {  	_ =	strace $0x90000048  }
0xbc: {  	_ =	sfence  }
0xbd: {  	s30 =	sld [smem:$0x0];
	_ =	sdelay $0x2  }
0xbe: {  	s31 =	sshll.u32 s1, $0xD;
	s1 =	sshrl.u32 s1, $0x2  }
0xbf: {  	s3 =	sand.u32 $0x4000, s31;
	s1 =	sadd.s32 s1, s30  }
0xc0: {  	s0 =	sor.u32 s3, s0;
	s1 =	sshll.u32 s1, $0x11  }
0xc1: {  	s0 =	sor.u32 s1, s0  }
0xc2: {  	s0 =	sadd.s32 $0x8F2B, s0  }
0xc3: {  	[sflag:s0] =	ssyncadd.remote.s32 $0x1  }
0xc4: {  	_ =	sfence.sel $0xFFFF  }
0xc5: {  	[dreg:$0x0] =	wrdreg $0xFFFFFFFF;
	(pc) =	sbr.abs _section_cstart, $3  }
0xc6: {  	[dreg:$0x1] =	wrdreg $0xFFFFFFFF  }
0xc7: {  	_ =	task.clear_ibuf [dreg:s7], $0x2FFFF;
	_ =	strace $0x9FFFFFFF  }
0xc8: {  	(tm) =	ssettm $0x7FFFFFFF  }
0xc9: {  	_ =	shalt  }
tec
execute0_lowered:
.L_overlay_start_1:
0x0: {  	(tag) =	ssettag $0x1  }
0x1: {  	s6 =	rddreg [dreg:$0x0]  }
0x2: {  	s8 =	rddreg [dreg:$0x1]  }
0x3: {  	s0 =	rddreg [dreg:$0x2]  }
0x4: {  	s3 =	srdreg.scid;
	s2 =	simm.s32 $0x0;
	s1 =	stileid.u32  }
0x5: {  	s12 =	simm.s32 $0x80;
	s13 =	simm.s32 $0x800;
	s14 =	simm.s32 $0x4800  }
0x6: {  	s15 =	simm.s32 $0x8800;
	s16 =	simm.s32 $0xC800;
	s17 =	simm.s32 $0x1  }
0x7: {  	s18 =	simm.s32 $0x2;
	s19 =	simm.s32 $0x0;
	s5 =	sand.u32 $0x1, s3  }
0x8: {  	[smem:$0x7FF] =	sst s2;
	s31 =	sshll.u32 s1, $0x4;
	s4 =	sshll.u32 s5, $0x3  }
0x9: {  	_ =	strace $0x80000047;
	s7 =	ssub.s32 $0x2, s5;
	s3 =	sor.u32 s4, s31  }
0xa: {  	s5 =	sadd.s32 $0x83C00, s6;
	s11 =	sshrl.u32 s7, $0x1;
	s9 =	sshll.u32 s3, $0x4  }
0xb: {  	s4 =	sadd.s32 $0x7BC00, s6;
	s11 =	ssub.s32 s7, s11;
	s10 =	sadd.s32 s9, s6  }
0xc: {  	s6 =	sadd.s32 $0xFFC00, s6;
	s8 =	sadd.s32 s8, s9;
	s9 =	smax.u32 s11, $0x1  }
0xd: {  	s11 =	simm.s32 $0x400;
	s7 =	sadd.s32 $0x5AC00, s10;
	s10 =	simm.s32 $0x3  }
.LBB2_1:
0xe: {  	[tilespmem:s2], [sflag:$0x3] =	stream.linear.gather [hbm4b:s7+s2], $0x400, $0x38;
	[tilespmem:$0x10800] =	vst v63  }
0xf: {  	_ =	swait.ge [sflag:s10], $0x400  }
0x10: {  	[sflag:s10] =	ssyncset.done $0x0  }
0x11: {  	[sflag:s10] =	ssyncadd.s32 $0xFFFFFC00  }
0x12: {  	[tilespmem:s11], [sflag:$0x3] =	stream.linear.gather [hbm4b:s8+s2], $0x400, $0x38;
	[tilespmem:$0x10800] =	vst v63  }
0x13: {  	_ =	swait.ge [sflag:s10], $0x400  }
0x14: {  	[sflag:s10] =	ssyncset.done $0x0  }
0x15: {  	[sflag:s10] =	ssyncadd.s32 $0xFFFFFC00  }
0x16: {  	[tilespmem:s13], [sflag:$0x1] =	stream.indirect.gather [hbm4b:s4+s12], $0x80, s2, s12, $0xb8;
	[tilespmem:$0x10800] =	vst v63  }
0x17: {  	s20 =	simm.s32 $0x0  }
0x18: {  	[tilespmem:s14], [sflag:$0x1] =	stream.indirect.gather [hbm4b:s5+s12], $0x80, s11, s12, $0xb8;
	[tilespmem:$0x10800] =	vst v63  }
.LBB2_2:
0x19: {  	s21 =	sshllo.u32 s20, $0x1  }
0x1a: {  	s22 =	sshll.u32 s21, $0x7  }
0x1b: {  	[tilespmem:s15], [sflag:$0x2] =	stream.indirect.gather [hbm4b:s4+s12], $0x80, s22, s12, $0xb8;
	[tilespmem:$0x10800] =	vst v63  }
0x1c: {  	s22 =	sadd.s32 $0x400, s22  }
0x1d: {  	[tilespmem:s16], [sflag:$0x2] =	stream.indirect.gather [hbm4b:s5+s12], $0x80, s22, s12, $0xb8;
	[tilespmem:$0x10800] =	vst v63  }
0x1e: {  	_ =	swait.ge [sflag:s17], $0x4000  }
0x1f: {  	[sflag:s17] =	ssyncset.done $0x0  }
0x20: {  	[sflag:s17] =	ssyncadd.s32 $0xFFFFC000  }
0x21: {  	_ =	swait.ge [sflag:s17], $0x4000  }
0x22: {  	[sflag:s17] =	ssyncset.done $0x0  }
0x23: {  	s22 =	simm.s32 $0x0;
	[sflag:s17] =	ssyncadd.s32 $0xFFFFC000  }
0x24: {  	v3 =	vld [tilespmem:s22+$0x4800]  }
0x25: {  	v4 =	vld [tilespmem:s22+$0x4810]  }
0x26: {  	v2 =	vld [tilespmem:s22+$0x4820]  }
0x27: {  	v1 =	vld [tilespmem:s22+$0x4830]  }
0x28: {  	v0 =	vld [tilespmem:s22+$0x4840]  }
0x29: {  	v7 =	vld [tilespmem:s22+$0x800]  }
0x2a: {  	v8 =	vld [tilespmem:s22+$0x810]  }
0x2b: {  	v6 =	vld [tilespmem:s22+$0x820]  }
0x2c: {  	s23 =	sshll.u32 s20, $0x1;
	s24 =	simm.s32 $0x200;
	v5 =	vld [tilespmem:s22+$0x830]  }
.LBB2_3:
0x2d: {  	s25 =	sshra.s32 s24, $0x2;
	p0 =	sne.s32 s24, $0xFE00;
	v9 =	vld [tilespmem:s22+$0x840]  }
0x2e: {  	v7 =	vadd.f32 v3, v7;
	v3 =	vld [tilespmem:s25+$0x4800]  }
0x2f: {  	v8 =	vadd.f32 v4, v8;
	v4 =	vld [tilespmem:s25+$0x4810]  }
0x30: {  	[tilespmem:s22+$0x800] =	vst v7;
	v6 =	vadd.f32 v2, v6;
	v2 =	vld [tilespmem:s25+$0x4820]  }
0x31: {  	[tilespmem:s22+$0x810] =	vst v8;
	v5 =	vadd.f32 v1, v5;
	v1 =	vld [tilespmem:s25+$0x4830]  }
.Ltmp0:
0x32: {  	[tilespmem:s22+$0x820] =	vst v6;
	v6 =	vsub.f32 v9, v0;
	v0 =	vld [tilespmem:s25+$0x4840];
	(pc) =	sbr.rel @p0 .LBB2_3-.Ltmp0, $4  }
0x33: {  	v7 =	vld [tilespmem:s25+$0x800];
	[tilespmem:s22+$0x830] =	vst v5  }
0x34: {  	v8 =	vld [tilespmem:s25+$0x810];
	[tilespmem:s22+$0x840] =	vst v6;
	s22 =	smov.u32 s25  }
0x35: {  	v6 =	vld [tilespmem:s22+$0x820]  }
0x36: {  	s24 =	sadd.s32 $0x200, s24;
	v5 =	vld [tilespmem:s22+$0x830]  }
0x37: {  	v9 =	vld [tilespmem:s22+$0x840]  }
0x38: {  	v3 =	vadd.f32 v3, v7  }
0x39: {  	v4 =	vadd.f32 v4, v8  }
0x3a: {  	[tilespmem:s22+$0x800] =	vst v3;
	v2 =	vadd.f32 v2, v6  }
0x3b: {  	[tilespmem:s22+$0x810] =	vst v4;
	v1 =	vadd.f32 v1, v5  }
0x3c: {  	s23 =	sadd.s32 s3, s23;
	[tilespmem:s22+$0x820] =	vst v2;
	v0 =	vsub.f32 v9, v0  }
0x3d: {  	s23 =	sshll.u32 s23, $0xB;
	[tilespmem:s22+$0x830] =	vst v1  }
0x3e: {  	s31 =	sadd.s32 s6, s23;
	[tilespmem:s22+$0x840] =	vst v0  }
0x3f: {  	[hbm4b:s31+s2] =	stream.linear.scatter [tilespmem:s13], [sflag:$0x3], $0x4000, $0x38;
	[tilespmem:$0x10800] =	vst v63  }
0x40: {  	p0 =	seq.s32 s20, $0x3;
	_ =	swait.ge [sflag:s10], $0x4000  }
0x41: {  	s24 =	simm.s32 @!p0 $0x80;
	s22 =	sshll.u32 @!p0 s20, $0x8;
	[sflag:s10] =	ssyncset.done $0x0  }
0x42: {  	s25 =	simm.s32 @!p0 $0x800;
	s23 =	sadd.s32 @!p0 $0x100, s22;
	[sflag:s10] =	ssyncadd.s32 $0xFFFFC000  }
0x43: {  	[tilespmem:s25], [sflag:$0x1] =	stream.indirect.gather @!p0 [hbm4b:s4+s24], $0x80, s23, s24, $0xb8;
	[tilespmem:$0x10800] =	vst v63  }
0x44: {  	s22 =	sadd.s32 @!p0 $0x500, s22;
	s23 =	simm.s32 @!p0 $0x4800  }
0x45: {  	[tilespmem:s23], [sflag:$0x1] =	stream.indirect.gather @!p0 [hbm4b:s5+s24], $0x80, s22, s24, $0xb8;
	[tilespmem:$0x10800] =	vst v63  }
0x46: {  	_ =	swait.ge [sflag:s18], $0x4000  }
0x47: {  	[sflag:s18] =	ssyncset.done $0x0  }
0x48: {  	[sflag:s18] =	ssyncadd.s32 $0xFFFFC000  }
0x49: {  	_ =	swait.ge [sflag:s18], $0x4000  }
0x4a: {  	[sflag:s18] =	ssyncset.done $0x0  }
0x4b: {  	s22 =	simm.s32 $0x0;
	[sflag:s18] =	ssyncadd.s32 $0xFFFFC000  }
0x4c: {  	v3 =	vld [tilespmem:s22+$0xC800]  }
0x4d: {  	v4 =	vld [tilespmem:s22+$0xC810]  }
0x4e: {  	v2 =	vld [tilespmem:s22+$0xC820]  }
0x4f: {  	v1 =	vld [tilespmem:s22+$0xC830]  }
0x50: {  	v0 =	vld [tilespmem:s22+$0xC840]  }
0x51: {  	v7 =	vld [tilespmem:s22+$0x8800]  }
0x52: {  	v8 =	vld [tilespmem:s22+$0x8810]  }
0x53: {  	v6 =	vld [tilespmem:s22+$0x8820]  }
0x54: {  	s23 =	simm.s32 $0x200;
	v5 =	vld [tilespmem:s22+$0x8830]  }
.LBB2_5:
0x55: {  	s24 =	sshra.s32 s23, $0x2;
	p0 =	sne.s32 s23, $0xFE00;
	v9 =	vld [tilespmem:s22+$0x8840]  }
0x56: {  	v7 =	vadd.f32 v3, v7;
	v3 =	vld [tilespmem:s24+$0xC800]  }
0x57: {  	v8 =	vadd.f32 v4, v8;
	v4 =	vld [tilespmem:s24+$0xC810]  }
0x58: {  	[tilespmem:s22+$0x8800] =	vst v7;
	v6 =	vadd.f32 v2, v6;
	v2 =	vld [tilespmem:s24+$0xC820]  }
0x59: {  	[tilespmem:s22+$0x8810] =	vst v8;
	v5 =	vadd.f32 v1, v5;
	v1 =	vld [tilespmem:s24+$0xC830]  }
.Ltmp1:
0x5a: {  	[tilespmem:s22+$0x8820] =	vst v6;
	v6 =	vsub.f32 v9, v0;
	v0 =	vld [tilespmem:s24+$0xC840];
	(pc) =	sbr.rel @p0 .LBB2_5-.Ltmp1, $4  }
0x5b: {  	v7 =	vld [tilespmem:s24+$0x8800];
	[tilespmem:s22+$0x8830] =	vst v5  }
0x5c: {  	v8 =	vld [tilespmem:s24+$0x8810];
	[tilespmem:s22+$0x8840] =	vst v6;
	s22 =	smov.u32 s24  }
0x5d: {  	v6 =	vld [tilespmem:s22+$0x8820]  }
0x5e: {  	s23 =	sadd.s32 $0x200, s23;
	v5 =	vld [tilespmem:s22+$0x8830]  }
0x5f: {  	v9 =	vld [tilespmem:s22+$0x8840]  }
0x60: {  	v3 =	vadd.f32 v3, v7  }
0x61: {  	v4 =	vadd.f32 v4, v8  }
0x62: {  	[tilespmem:s22+$0x8800] =	vst v3;
	v2 =	vadd.f32 v2, v6  }
0x63: {  	[tilespmem:s22+$0x8810] =	vst v4;
	v1 =	vadd.f32 v1, v5  }
0x64: {  	s21 =	sadd.s32 s3, s21;
	s20 =	sadd.s32 $0x1, s20;
	[tilespmem:s22+$0x8820] =	vst v2;
	v0 =	vsub.f32 v9, v0  }
0x65: {  	s21 =	sshll.u32 s21, $0xB;
	p0 =	sne.s32 s20, $0x4;
	[tilespmem:s22+$0x8830] =	vst v1  }
.Ltmp2:
0x66: {  	s21 =	sadd.s32 s6, s21;
	[tilespmem:s22+$0x8840] =	vst v0;
	(pc) =	sbr.rel @p0 .LBB2_2-.Ltmp2, $4  }
0x67: {  	[hbm4b:s21+s2] =	stream.linear.scatter [tilespmem:s15], [sflag:$0x3], $0x4000, $0x38;
	[tilespmem:$0x10800] =	vst v63  }
0x68: {  	_ =	swait.ge [sflag:s10], $0x4000  }
0x69: {  	[sflag:s10] =	ssyncset.done $0x0  }
0x6a: {  	[sflag:s10] =	ssyncadd.s32 $0xFFFFC000  }
0x6b: {  	s19 =	sadd.s32 $0x1, s19  }
0x6c: {  	p0 =	sne.s32 s19, s9  }
.Ltmp3:
0x6d: {  	_ = 	snop;
	(pc) =	sbr.rel @p0 .LBB2_1-.Ltmp3, $1  }
0x6e: {  	_ =	sdelay $0x3  }
0x6f: {  	_ =	sfence.sel $0x180000  }
0x70: {  	[bflag:$0x0] =	sbarrier.arrive $0xFFFF  }
0x71: {  	p0 =	sne.s32 s1, $0x0;
	_ =	strace $0x90000047  }
0x72: {  	s0 =	sadd.s32 @!p0 $0x100000, s0;
	[bflag:$0x2] =	sbarrier.arrive $0xFFFF  }
0x73: {  	[sflag:s0] =	ssyncadd.tile.s32 @!p0 $0x1;
	_ =	shalt  }
.Lfunc_end2:
_tile_overlayer_lowered:
.L_overlay_start_2:
0x74: {  	(tag) =	ssettag $0x2  }
0x75: {  	s0 =	rddreg [dreg:$0x0];
	s2 =	stileid.u32  }
0x76: {  	s1 =	rddreg [dreg:$0x1];
	p0 =	sne.s32 s2, $0x0  }
0x77: {  	s3 =	rddreg [dreg:$0x2];
	[bflag:$0x3] =	sbarrier.arrive $0xFFFF;
	s2 =	simm.s32 @!p0 $0x1C03  }
0x78: {  	[timem:s3], [sflag:s2] =	dma.local @!p0 [hbm:s0], s1  }
0x79: {  	s0 =	simm.s32 @!p0 $0x3  }
0x7a: {  	_ =	swait.ge @!p0 [sflag:s0], s1  }
0x7b: {  	s1 =	ssub.s32 @!p0 $0x0, s1;
	[sflag:s0] =	ssyncset.done @!p0 $0x0  }
0x7c: {  	[sflag:s0] =	ssyncadd.s32 @!p0 s1  }
0x7d: {  	[bflag:$0x3] =	sbarrier.arrive $0xFFFF  }
0x7e: {  	_ =	shalt  }

// kernel: kernel.16.cloned.1.call-start
scs
__scs_entry_jumppad:
0x0: {  	(pc) =	sbr.rel $0x88, $3  }
0x1: {  	(tag) =	ssettag $0x0;
	lr =	simm.s32 $0x1  }
0x2: {  	[smem:$0x3F77] =	sst lr;
	_ =	strace $0xD0000000  }
0x3: {  	_ = 	snop  }
0x4: {  	_ = 	snop  }
0x5: {  	_ = 	snop  }
0x6: {  	_ = 	snop  }
0x7: {  	_ = 	snop  }
__scs_overlays_trampoline_lowered:
0x8: {  	[smem:$0x3F86] =	sst s0  }
0x9: {  	[smem:$0x3F87] =	sst s1  }
0xa: {  	[smem:$0x3F88] =	sst s2  }
0xb: {  	[smem:$0x3F89] =	sst s3  }
0xc: {  	[smem:$0x3F8A] =	sst s4  }
0xd: {  	[smem:$0x3F8B] =	sst s5  }
0xe: {  	[smem:$0x3F8C] =	sst s6  }
0xf: {  	[smem:$0x3F8D] =	sst s7  }
0x10: {  	[smem:$0x3F8E] =	sst s8  }
0x11: {  	[smem:$0x3F8F] =	sst s9;
	s0 =	simm.s32 @!p0 $0x0  }
0x12: {  	s1 =	sld [smem:$0x3F75];
	s0 =	simm.s32 @p0 $0x1  }
0x13: {  	[smem:$0x3F90] =	sst s0;
	s0 =	simm.s32 @!p1 $0x0  }
0x14: {  	s2 =	sld [smem:$0x3F74];
	s0 =	simm.s32 @p1 $0x1  }
0x15: {  	[smem:$0x3F91] =	sst s0;
	s0 =	simm.s32 @!p2 $0x0  }
0x16: {  	s3 =	sld [smem:$0x3FDB];
	s0 =	simm.s32 @p2 $0x1  }
0x17: {  	s4 =	simm.s32 $0x1BF5;
	[smem:$0x3F93] =	sst s0  }
0x18: {  	s0 =	sld [smem:$0x3F76];
	_ =	swait.ge [sflag:s4], $0x0  }
0x19: {  	s7 =	sld [smem:$0x3F77]  }
0x1a: {  	s8 =	sadd.s32 $0xFFFFE003, lr  }
0x1b: {  	s9 =	sadd.s32 $0xFFFFFEF7, lr;
	s5 =	simm.s32 $0xFFFFFFFF;
	p2 =	slt.u32 s8, $0xFFFFF086  }
0x1c: {  	p1 =	slt.u32 s9, $0xF7A;
	s5 =	simm.s32 @!p2 $0x0  }
0x1d: {  	s5 =	simm.s32 @p1 $0x1;
	p0 =	seq.s32 s7, s2  }
0x1e: {  	s7 =	smul.u32 @!p0 $0xF7A, s2;
	p2 =	seq.s32 @!p0 s5, $0x0  }
0x1f: {  	s9 =	smul.u32 $0xF7A, s1;
	s8 =	simm.s32 @!p0 $0x1BF5;
	p2 =	por !p2, p0  }
0x20: {  	[sflag:s8] =	ssyncset.s32 @!p0 $0xFFFFF086;
	s6 =	sadd.s32 @!p0 s3, s7;
	s7 =	simm.s32 @!p0 $0x108  }
0x21: {  	s3 =	sadd.s32 s3, s9;
	s6 =	sadd.s32 @!p0 $0x88, s6;
	s7 =	simm.s32 @p2 $0x1082  }
0x22: {  	[simem:s7], [sflag:s8] =	dma.local @!p0 [hbm:s6], $0xF7A  }
0x23: {  	s9 =	sor.u32 $0xD0000000, s2;
	s6 =	simm.s32 $0x108;
	_ =	swait.ge @!p0 [sflag:s8], $0x0  }
0x24: {  	s3 =	sadd.s32 $0x88, s3;
	s6 =	simm.s32 @!p1 $0x1082;
	[sflag:s4] =	ssyncset.s32 $0xFFFFF086  }
0x25: {  	[simem:s6], [sflag:s4] =	dma.local [hbm:s3], $0xF7A  }
0x26: {  	[smem:$0x3F77] =	sst s1;
	(tag) =	ssettag s2;
	_ =	strace s9  }
0x27: {  	s1 =	sld [smem:$0x3F87]  }
0x28: {  	s2 =	sld [smem:$0x3F88]  }
0x29: {  	s4 =	sld [smem:$0x3F8A]  }
0x2a: {  	p0 =	seq.s32 s5, $0x0;
	s5 =	sld [smem:$0x3F8B]  }
0x2b: {  	s6 =	sld [smem:$0x3F8C]  }
0x2c: {  	s7 =	sld [smem:$0x3F8D]  }
0x2d: {  	s3 =	simm.s32 $0x108;
	s8 =	sld [smem:$0x3F8E]  }
0x2e: {  	s3 =	simm.s32 @!p0 $0x1082;
	s9 =	sld [smem:$0x3F8F]  }
0x2f: {  	lr =	sadd.s32 s0, s3;
	s0 =	sld [smem:$0x3F86]  }
0x30: {  	s3 =	sld [smem:$0x3F89]  }
0x31: {  	[smem:$0x3F92] =	sst s10  }
0x32: {  	s10 =	sld [smem:$0x3F90];
	_ =	sdelay $0x3  }
0x33: {  	p0 =	seq.s32 s10, $0x1;
	s10 =	sld [smem:$0x3F92];
	_ =	sdelay $0x3  }
0x34: {  	[smem:$0x3F92] =	sst s10  }
0x35: {  	s10 =	sld [smem:$0x3F91];
	_ =	sdelay $0x3  }
0x36: {  	p1 =	seq.s32 s10, $0x1;
	s10 =	sld [smem:$0x3F92];
	_ =	sdelay $0x3  }
0x37: {  	[smem:$0x3F92] =	sst s10  }
0x38: {  	s10 =	sld [smem:$0x3F93]  }
0x39: {  	_ = 	snop;
	(pc) =	sbr.ind lr, $3  }
0x3a: {  	_ = 	snop  }
0x3b: {  	_ = 	snop  }
0x3c: {  	p2 =	seq.s32 s10, $0x1;
	s10 =	sld [smem:$0x3F92]  }
0x3d: {  	_ =	shalt  }
0x3e: {  	_ =	shalt  }
0x3f: {  	_ =	shalt  }
0x40: {  	_ =	shalt  }
0x41: {  	_ =	shalt  }
0x42: {  	_ =	shalt  }
0x43: {  	_ =	shalt  }
0x44: {  	_ =	shalt  }
0x45: {  	_ =	shalt  }
0x46: {  	_ =	shalt  }
0x47: {  	_ =	shalt  }
0x48: {  	_ =	shalt  }
0x49: {  	_ =	shalt  }
0x4a: {  	_ =	shalt  }
0x4b: {  	_ =	shalt  }
0x4c: {  	_ =	shalt  }
0x4d: {  	_ =	shalt  }
0x4e: {  	_ =	shalt  }
0x4f: {  	_ =	shalt  }
0x50: {  	_ =	shalt  }
0x51: {  	_ =	shalt  }
0x52: {  	_ =	shalt  }
0x53: {  	_ =	shalt  }
0x54: {  	_ =	shalt  }
0x55: {  	_ =	shalt  }
0x56: {  	_ =	shalt  }
0x57: {  	_ =	shalt  }
0x58: {  	_ =	shalt  }
0x59: {  	_ =	shalt  }
0x5a: {  	_ =	shalt  }
0x5b: {  	_ =	shalt  }
0x5c: {  	_ =	shalt  }
0x5d: {  	_ =	shalt  }
0x5e: {  	_ =	shalt  }
0x5f: {  	_ =	shalt  }
0x60: {  	_ =	shalt  }
0x61: {  	_ =	shalt  }
0x62: {  	_ =	shalt  }
0x63: {  	_ =	shalt  }
0x64: {  	_ =	shalt  }
0x65: {  	_ =	shalt  }
0x66: {  	_ =	shalt  }
0x67: {  	_ =	shalt  }
0x68: {  	_ =	shalt  }
0x69: {  	_ =	shalt  }
0x6a: {  	_ =	shalt  }
0x6b: {  	_ =	shalt  }
0x6c: {  	_ =	shalt  }
0x6d: {  	_ =	shalt  }
0x6e: {  	_ =	shalt  }
0x6f: {  	_ =	shalt  }
0x70: {  	_ =	shalt  }
0x71: {  	_ =	shalt  }
0x72: {  	_ =	shalt  }
0x73: {  	_ =	shalt  }
0x74: {  	_ =	shalt  }
0x75: {  	_ =	shalt  }
0x76: {  	_ =	shalt  }
0x77: {  	_ =	shalt  }
0x78: {  	_ =	shalt  }
0x79: {  	_ =	shalt  }
0x7a: {  	_ =	shalt  }
0x7b: {  	_ =	shalt  }
0x7c: {  	_ =	shalt  }
0x7d: {  	_ =	shalt  }
0x7e: {  	_ =	shalt  }
0x7f: {  	_ =	shalt  }
0x80: {  	_ =	shalt  }
0x81: {  	_ =	shalt  }
0x82: {  	_ =	shalt  }
0x83: {  	_ =	shalt  }
0x84: {  	_ =	shalt  }
0x85: {  	_ =	shalt  }
0x86: {  	_ =	shalt  }
0x87: {  	_ =	shalt  }
.Lfunc_end0:
.L_simem_size_0:
called_computation.1_lowered:
.L_overlay_start_0:
0x88: {  	s2 =	sld [smem:$0x3FD9]  }
0x89: {  	s3 =	sld [smem:$0x3FFE];
	_ =	sdelay $0x1  }
0x8a: {  	s1 =	srdreg.scid  }
0x8b: {  	s0 =	sand.u32 $0x1, s1  }
0x8c: {  	s15 =	sshll.u32 s0, $0xA;
	s2 =	sadd.s32 s3, s2  }
0x8d: {  	s2 =	sadd.s32 s2, s15  }
0x8e: {  	[smem:$0x3F9E] =	sst s2  }
0x8f: {  	_ = 	snop  }
0x90: {  	s2 =	sld [smem:$0x3FD0];
	_ =	sdelay $0x2  }
0x91: {  	s16 =	simm.s32 $0xB;
	s4 =	simm.s32 $0x10  }
0x92: {  	[smem:s4], [sflag:s16] =	dma.local [hbm:s2], $0x1  }
0x93: {  	_ =	swait.eq [sflag:s16], $0x1  }
0x94: {  	[sflag:s16] =	ssyncset.done $0x0  }
0x95: {  	[sflag:s16] =	ssyncadd.s32 $0xFFFFFFFF  }
0x96: {  	s17 =	sld [smem:$0x11];
	(tm) =	ssettm $0x1  }
0x97: {  	s18 =	sld [smem:$0x3FFB];
	_ =	sdelay $0x3  }
0x98: {  	_ =	strace s18  }
0x99: {  	s2 =	sld [smem:$0x3FFC];
	_ =	sdelay $0x3  }
0x9a: {  	_ =	strace s2  }
0x9b: {  	s2 =	sld [smem:$0x3FFD];
	_ =	sdelay $0x3  }
0x9c: {  	_ =	strace s2  }
0x9d: {  	_ =	strace $0x8FFFFFFF  }
0x9e: {  	s19 =	sld [smem:$0x3FDB];
	_ =	sdelay $0x1  }
0x9f: {  	s20 =	simm.s32 $_scs_section_size  }
0xa0: {  	s5 =	simm.s32 $_size__tile_overlayer_lowered;
	s6 =	simm.s32 $_tile_overlayer_lowered  }
0xa1: {  	s7 =	simm.s32 $0x1BFF;
	s21 =	sshll.u32 s6, $0x1;
	s4 =	sadd.s32 s20, s19  }
0xa2: {  	s22 =	simm.s32 $0x0;
	s5 =	sshll.u32 s5, $0x1;
	s6 =	sadd.s32 s21, s4  }
0xa3: {  	[timem:s22], [sflag:s7] =	dma.local [hbm:s6], s5  }
0xa4: {  	_ =	swait.ge [sflag:s7], s5  }
0xa5: {  	s5 =	ssub.s32 $0x0, s5;
	[sflag:s7] =	ssyncset.done $0x0  }
0xa6: {  	[sflag:s7] =	ssyncadd.s32 s5;
	_ =	sdelay $0x1  }
0xa7: {  	s23 =	simm.s32 $0x1B8B  }
0xa8: {  	_ =	swait.ge [sflag:s23], $0x1  }
0xa9: {  	[sflag:s23] =	ssyncset.done $0x0  }
0xaa: {  	[sflag:s23] =	ssyncadd.s32 $0xFFFFFFFF  }
0xab: {  	s5 =	sld [smem:$0x0]  }
0xac: {  	s6 =	sand.u32 $0xFFFFFFFE, s1  }
0xad: {  	p0 =	sne.s32 s1, s6  }
0xae: {  	s6 =	sshll.u32 @p0 s6, $0xE  }
0xaf: {  	s6 =	sadd.s32 @p0 $0x11B8D, s6;
	s7 =	sshll.u32 @p0 s5, $0x11  }
0xb0: {  	s6 =	sor.u32 @p0 s7, s6  }
0xb1: {  	[sflag:s6] =	ssyncadd.remote.s32 @p0 $0x1;
	_ =	sdelay $0x1  }
0xb2: {  	s6 =	simm.s32 @p0 $0x1B8D  }
0xb3: {  	_ =	swait.eq @p0 [sflag:s6], $0x1  }
0xb4: {  	[sflag:s6] =	ssyncadd.s32 @p0 $0xFFFFFFFF  }
0xb5: {  	s7 =	sshll.u32 @!p0 s1, $0xE  }
0xb6: {  	s7 =	sor.u32 @!p0 $0x4000, s7;
	s6 =	simm.s32 @!p0 $0x1B8D  }
0xb7: {  	s5 =	sshll.u32 @!p0 s5, $0x11;
	s7 =	sadd.s32 @!p0 $0x11B8D, s7;
	_ =	swait.eq @!p0 [sflag:s6], $0x1  }
0xb8: {  	s5 =	sor.u32 @!p0 s5, s7;
	[sflag:s6] =	ssyncadd.s32 @!p0 $0xFFFFFFFF  }
0xb9: {  	s25 =	simm.s32 $0x1B8E;
	s24 =	sld [smem:$0x3FFE];
	[sflag:s5] =	ssyncadd.remote.s32 @!p0 $0x1  }
0xba: {  	s26 =	simm.s32 $execute0_lowered;
	[smem:$0x3FD2] =	sst s25  }
0xbb: {  	s6 =	sshll.u32 s26, $0x1;
	_ =	strace $0x80000049;
	[dreg:$0x1] =	wrdreg $0xFFFFFFFF  }
0xbc: {  	s28 =	simm.s32 $_size_execute0_lowered;
	s4 =	sadd.s32 s4, s6;
	[dreg:$0x0] =	wrdreg $0x0  }
0xbd: {  	s6 =	sshll.u32 s28, $0x1;
	[dreg:$0x2] =	wrdreg s4  }
0xbe: {  	[dreg:$0x3] =	wrdreg s6  }
0xbf: {  	[dreg:$0x4] =	wrdreg $0xC0  }
0xc0: {  	_ =	task [dreg:s22], $0x5FFFF  }
0xc1: {  	[dreg:$0x1] =	wrdreg $0xFFFFFFFF  }
0xc2: {  	[dreg:$0x0] =	wrdreg $0x60  }
0xc3: {  	[dreg:$0x2] =	wrdreg s24  }
0xc4: {  	[dreg:$0x3] =	wrdreg s17  }
0xc5: {  	[dreg:$0x4] =	wrdreg $0x9  }
0xc6: {  	_ =	task.clear_ibuf [dreg:s22], $0x5FFFF;
	_ =	strace $0x90000049  }
0xc7: {  	s29 =	simm.s32 $0x9;
	_ =	strace $0x8000004B  }
0xc8: {  	_ =	swait.ge [sflag:s29], $0x1  }
0xc9: {  	[sflag:s29] =	ssyncadd.s32 $0xFFFFFFFF  }
0xca: {  	_ =	strace $0x9000004B  }
0xcb: {  	_ =	sfence  }
0xcc: {  	s30 =	sld [smem:$0x0];
	_ =	sdelay $0x2  }
0xcd: {  	s31 =	sshll.u32 s1, $0xD;
	s1 =	sshrl.u32 s1, $0x2  }
0xce: {  	s4 =	sand.u32 $0x4000, s31;
	s1 =	sadd.s32 s1, s30  }
0xcf: {  	s0 =	sor.u32 s4, s0;
	s1 =	sshll.u32 s1, $0x11  }
0xd0: {  	s0 =	sor.u32 s1, s0  }
0xd1: {  	s0 =	sadd.s32 $0x8F2B, s0  }
0xd2: {  	[sflag:s0] =	ssyncadd.remote.s32 $0x1  }
0xd3: {  	_ =	sfence.sel $0xFFFF  }
0xd4: {  	[dreg:$0x0] =	wrdreg $0xFFFFFFFF;
	(pc) =	sbr.abs _section_cstart, $3  }
0xd5: {  	[dreg:$0x1] =	wrdreg $0xFFFFFFFF  }
0xd6: {  	_ =	task.clear_ibuf [dreg:s22], $0x2FFFF;
	_ =	strace $0x9FFFFFFF  }
0xd7: {  	(tm) =	ssettm $0x7FFFFFFF  }
tec
execute0_lowered:
.L_overlay_start_1:
0x0: {  	(tag) =	ssettag $0x1  }
0x1: {  	s6 =	rddreg [dreg:$0x0]  }
0x2: {  	s7 =	rddreg [dreg:$0x1]  }
0x3: {  	s0 =	rddreg [dreg:$0x2]  }
0x4: {  	s3 =	srdreg.scid;
	s2 =	simm.s32 $0x0;
	s1 =	stileid.u32  }
0x5: {  	s12 =	simm.s32 $0x80;
	s13 =	simm.s32 $0x2000;
	s14 =	simm.s32 $0x6000  }
0x6: {  	s15 =	simm.s32 $0xA000;
	s16 =	simm.s32 $0xE000;
	s17 =	simm.s32 $0x1  }
0x7: {  	s18 =	simm.s32 $0x2;
	s19 =	simm.s32 $0x0;
	s5 =	sand.u32 $0x1, s3  }
0x8: {  	[smem:$0x7FF] =	sst s2;
	s31 =	sshll.u32 s1, $0x6;
	s4 =	sshll.u32 s5, $0x5  }
0x9: {  	_ =	strace $0x8000004A;
	s9 =	ssub.s32 $0x2, s5;
	s5 =	sadd.s32 $0xABC00, s6  }
0xa: {  	s3 =	sor.u32 s4, s31;
	s4 =	sadd.s32 $0x8BC00, s6;
	s11 =	sshrl.u32 s9, $0x1  }
0xb: {  	s8 =	sshll.u32 s3, $0x4;
	s9 =	ssub.s32 s9, s11;
	s11 =	simm.s32 $0x1000  }
0xc: {  	s10 =	sadd.s32 s8, s6;
	s6 =	sadd.s32 $0x183C00, s6;
	s7 =	sadd.s32 s7, s8  }
0xd: {  	s9 =	smax.u32 s9, $0x1;
	s8 =	sadd.s32 $0x17FC00, s10;
	s10 =	simm.s32 $0x3  }
.LBB2_1:
0xe: {  	[tilespmem:s2], [sflag:$0x3] =	stream.linear.gather [hbm4b:s7+s2], $0x1000, $0x38;
	[tilespmem:$0x12000] =	vst v63  }
0xf: {  	_ =	swait.ge [sflag:s10], $0x1000  }
0x10: {  	[sflag:s10] =	ssyncset.done $0x0  }
0x11: {  	[sflag:s10] =	ssyncadd.s32 $0xFFFFF000  }
0x12: {  	[tilespmem:s11], [sflag:$0x3] =	stream.linear.gather [hbm4b:s8+s2], $0x1000, $0x38;
	[tilespmem:$0x12000] =	vst v63  }
0x13: {  	_ =	swait.ge [sflag:s10], $0x1000  }
0x14: {  	[sflag:s10] =	ssyncset.done $0x0  }
0x15: {  	[sflag:s10] =	ssyncadd.s32 $0xFFFFF000  }
0x16: {  	[tilespmem:s13], [sflag:$0x1] =	stream.indirect.gather [hbm4b:s4+s12], $0x80, s2, s12, $0xb8;
	[tilespmem:$0x12000] =	vst v63  }
0x17: {  	s20 =	simm.s32 $0x0  }
0x18: {  	[tilespmem:s14], [sflag:$0x1] =	stream.indirect.gather [hbm4b:s5+s12], $0x80, s11, s12, $0xb8;
	[tilespmem:$0x12000] =	vst v63  }
.LBB2_2:
0x19: {  	s21 =	sshllo.u32 s20, $0x1  }
0x1a: {  	s22 =	sshll.u32 s21, $0x7  }
0x1b: {  	[tilespmem:s15], [sflag:$0x2] =	stream.indirect.gather [hbm4b:s4+s12], $0x80, s22, s12, $0xb8;
	[tilespmem:$0x12000] =	vst v63  }
0x1c: {  	s22 =	sadd.s32 $0x1000, s22  }
0x1d: {  	[tilespmem:s16], [sflag:$0x2] =	stream.indirect.gather [hbm4b:s5+s12], $0x80, s22, s12, $0xb8;
	[tilespmem:$0x12000] =	vst v63  }
0x1e: {  	_ =	swait.ge [sflag:s17], $0x4000  }
0x1f: {  	[sflag:s17] =	ssyncset.done $0x0  }
0x20: {  	[sflag:s17] =	ssyncadd.s32 $0xFFFFC000  }
0x21: {  	_ =	swait.ge [sflag:s17], $0x4000  }
0x22: {  	[sflag:s17] =	ssyncset.done $0x0  }
0x23: {  	s22 =	simm.s32 $0x0;
	[sflag:s17] =	ssyncadd.s32 $0xFFFFC000  }
0x24: {  	v3 =	vld [tilespmem:s22+$0x6000]  }
0x25: {  	v4 =	vld [tilespmem:s22+$0x6010]  }
0x26: {  	v2 =	vld [tilespmem:s22+$0x6020]  }
0x27: {  	v1 =	vld [tilespmem:s22+$0x6030]  }
0x28: {  	v0 =	vld [tilespmem:s22+$0x6040]  }
0x29: {  	v7 =	vld [tilespmem:s22+$0x2000]  }
0x2a: {  	v8 =	vld [tilespmem:s22+$0x2010]  }
0x2b: {  	v6 =	vld [tilespmem:s22+$0x2020]  }
0x2c: {  	s23 =	sshll.u32 s20, $0x1;
	s24 =	simm.s32 $0x200;
	v5 =	vld [tilespmem:s22+$0x2030]  }
.LBB2_3:
0x2d: {  	s25 =	sshra.s32 s24, $0x2;
	p0 =	sne.s32 s24, $0xFE00;
	v9 =	vld [tilespmem:s22+$0x2040]  }
0x2e: {  	v7 =	vadd.f32 v3, v7;
	v3 =	vld [tilespmem:s25+$0x6000]  }
0x2f: {  	v8 =	vadd.f32 v4, v8;
	v4 =	vld [tilespmem:s25+$0x6010]  }
0x30: {  	[tilespmem:s22+$0x2000] =	vst v7;
	v6 =	vadd.f32 v2, v6;
	v2 =	vld [tilespmem:s25+$0x6020]  }
0x31: {  	[tilespmem:s22+$0x2010] =	vst v8;
	v5 =	vadd.f32 v1, v5;
	v1 =	vld [tilespmem:s25+$0x6030]  }
.Ltmp0:
0x32: {  	[tilespmem:s22+$0x2020] =	vst v6;
	v6 =	vsub.f32 v9, v0;
	v0 =	vld [tilespmem:s25+$0x6040];
	(pc) =	sbr.rel @p0 .LBB2_3-.Ltmp0, $4  }
0x33: {  	v7 =	vld [tilespmem:s25+$0x2000];
	[tilespmem:s22+$0x2030] =	vst v5  }
0x34: {  	v8 =	vld [tilespmem:s25+$0x2010];
	[tilespmem:s22+$0x2040] =	vst v6;
	s22 =	smov.u32 s25  }
0x35: {  	v6 =	vld [tilespmem:s22+$0x2020]  }
0x36: {  	s24 =	sadd.s32 $0x200, s24;
	v5 =	vld [tilespmem:s22+$0x2030]  }
0x37: {  	v9 =	vld [tilespmem:s22+$0x2040]  }
0x38: {  	v3 =	vadd.f32 v3, v7  }
0x39: {  	v4 =	vadd.f32 v4, v8  }
0x3a: {  	[tilespmem:s22+$0x2000] =	vst v3;
	v2 =	vadd.f32 v2, v6  }
0x3b: {  	[tilespmem:s22+$0x2010] =	vst v4;
	v1 =	vadd.f32 v1, v5  }
0x3c: {  	s23 =	sadd.s32 s3, s23;
	[tilespmem:s22+$0x2020] =	vst v2;
	v0 =	vsub.f32 v9, v0  }
0x3d: {  	s23 =	sshll.u32 s23, $0xB;
	[tilespmem:s22+$0x2030] =	vst v1  }
0x3e: {  	s31 =	sadd.s32 s6, s23;
	[tilespmem:s22+$0x2040] =	vst v0  }
0x3f: {  	[hbm4b:s31+s2] =	stream.linear.scatter [tilespmem:s13], [sflag:$0x3], $0x4000, $0x38;
	[tilespmem:$0x12000] =	vst v63  }
0x40: {  	p0 =	seq.s32 s20, $0xF;
	_ =	swait.ge [sflag:s10], $0x4000  }
0x41: {  	s24 =	simm.s32 @!p0 $0x80;
	s22 =	sshll.u32 @!p0 s20, $0x8;
	[sflag:s10] =	ssyncset.done $0x0  }
0x42: {  	s25 =	simm.s32 @!p0 $0x2000;
	s23 =	sadd.s32 @!p0 $0x100, s22;
	[sflag:s10] =	ssyncadd.s32 $0xFFFFC000  }
0x43: {  	[tilespmem:s25], [sflag:$0x1] =	stream.indirect.gather @!p0 [hbm4b:s4+s24], $0x80, s23, s24, $0xb8;
	[tilespmem:$0x12000] =	vst v63  }
0x44: {  	s22 =	sadd.s32 @!p0 $0x1100, s22;
	s23 =	simm.s32 @!p0 $0x6000  }
0x45: {  	[tilespmem:s23], [sflag:$0x1] =	stream.indirect.gather @!p0 [hbm4b:s5+s24], $0x80, s22, s24, $0xb8;
	[tilespmem:$0x12000] =	vst v63  }
0x46: {  	_ =	swait.ge [sflag:s18], $0x4000  }
0x47: {  	[sflag:s18] =	ssyncset.done $0x0  }
0x48: {  	[sflag:s18] =	ssyncadd.s32 $0xFFFFC000  }
0x49: {  	_ =	swait.ge [sflag:s18], $0x4000  }
0x4a: {  	[sflag:s18] =	ssyncset.done $0x0  }
0x4b: {  	s22 =	simm.s32 $0x0;
	[sflag:s18] =	ssyncadd.s32 $0xFFFFC000  }
0x4c: {  	v3 =	vld [tilespmem:s22+$0xE000]  }
0x4d: {  	v4 =	vld [tilespmem:s22+$0xE010]  }
0x4e: {  	v2 =	vld [tilespmem:s22+$0xE020]  }
0x4f: {  	v1 =	vld [tilespmem:s22+$0xE030]  }
0x50: {  	v0 =	vld [tilespmem:s22+$0xE040]  }
0x51: {  	v7 =	vld [tilespmem:s22+$0xA000]  }
0x52: {  	v8 =	vld [tilespmem:s22+$0xA010]  }
0x53: {  	v6 =	vld [tilespmem:s22+$0xA020]  }
0x54: {  	s23 =	simm.s32 $0x200;
	v5 =	vld [tilespmem:s22+$0xA030]  }
.LBB2_5:
0x55: {  	s24 =	sshra.s32 s23, $0x2;
	p0 =	sne.s32 s23, $0xFE00;
	v9 =	vld [tilespmem:s22+$0xA040]  }
0x56: {  	v7 =	vadd.f32 v3, v7;
	v3 =	vld [tilespmem:s24+$0xE000]  }
0x57: {  	v8 =	vadd.f32 v4, v8;
	v4 =	vld [tilespmem:s24+$0xE010]  }
0x58: {  	[tilespmem:s22+$0xA000] =	vst v7;
	v6 =	vadd.f32 v2, v6;
	v2 =	vld [tilespmem:s24+$0xE020]  }
0x59: {  	[tilespmem:s22+$0xA010] =	vst v8;
	v5 =	vadd.f32 v1, v5;
	v1 =	vld [tilespmem:s24+$0xE030]  }
.Ltmp1:
0x5a: {  	[tilespmem:s22+$0xA020] =	vst v6;
	v6 =	vsub.f32 v9, v0;
	v0 =	vld [tilespmem:s24+$0xE040];
	(pc) =	sbr.rel @p0 .LBB2_5-.Ltmp1, $4  }
0x5b: {  	v7 =	vld [tilespmem:s24+$0xA000];
	[tilespmem:s22+$0xA030] =	vst v5  }
0x5c: {  	v8 =	vld [tilespmem:s24+$0xA010];
	[tilespmem:s22+$0xA040] =	vst v6;
	s22 =	smov.u32 s24  }
0x5d: {  	v6 =	vld [tilespmem:s22+$0xA020]  }
0x5e: {  	s23 =	sadd.s32 $0x200, s23;
	v5 =	vld [tilespmem:s22+$0xA030]  }
0x5f: {  	v9 =	vld [tilespmem:s22+$0xA040]  }
0x60: {  	v3 =	vadd.f32 v3, v7  }
0x61: {  	v4 =	vadd.f32 v4, v8  }
0x62: {  	[tilespmem:s22+$0xA000] =	vst v3;
	v2 =	vadd.f32 v2, v6  }
0x63: {  	[tilespmem:s22+$0xA010] =	vst v4;
	v1 =	vadd.f32 v1, v5  }
0x64: {  	s21 =	sadd.s32 s3, s21;
	s20 =	sadd.s32 $0x1, s20;
	[tilespmem:s22+$0xA020] =	vst v2;
	v0 =	vsub.f32 v9, v0  }
0x65: {  	s21 =	sshll.u32 s21, $0xB;
	p0 =	sne.s32 s20, $0x10;
	[tilespmem:s22+$0xA030] =	vst v1  }
.Ltmp2:
0x66: {  	s21 =	sadd.s32 s6, s21;
	[tilespmem:s22+$0xA040] =	vst v0;
	(pc) =	sbr.rel @p0 .LBB2_2-.Ltmp2, $4  }
0x67: {  	[hbm4b:s21+s2] =	stream.linear.scatter [tilespmem:s15], [sflag:$0x3], $0x4000, $0x38;
	[tilespmem:$0x12000] =	vst v63  }
0x68: {  	_ =	swait.ge [sflag:s10], $0x4000  }
0x69: {  	[sflag:s10] =	ssyncset.done $0x0  }
0x6a: {  	[sflag:s10] =	ssyncadd.s32 $0xFFFFC000  }
0x6b: {  	s19 =	sadd.s32 $0x1, s19  }
0x6c: {  	p0 =	sne.s32 s19, s9  }
.Ltmp3:
0x6d: {  	_ = 	snop;
	(pc) =	sbr.rel @p0 .LBB2_1-.Ltmp3, $1  }
0x6e: {  	_ =	sdelay $0x3  }
0x6f: {  	_ =	sfence.sel $0x180000  }
0x70: {  	[bflag:$0x0] =	sbarrier.arrive $0xFFFF  }
0x71: {  	p0 =	sne.s32 s1, $0x0;
	_ =	strace $0x9000004A  }
0x72: {  	s0 =	sadd.s32 @!p0 $0x100000, s0;
	[bflag:$0x2] =	sbarrier.arrive $0xFFFF  }
0x73: {  	[sflag:s0] =	ssyncadd.tile.s32 @!p0 $0x1;
	_ =	shalt  }
.Lfunc_end2:
_tile_overlayer_lowered:
.L_overlay_start_2:
0x74: {  	(tag) =	ssettag $0x2  }
0x75: {  	s0 =	rddreg [dreg:$0x0];
	s2 =	stileid.u32  }
0x76: {  	s1 =	rddreg [dreg:$0x1];
	p0 =	sne.s32 s2, $0x0  }
0x77: {  	s3 =	rddreg [dreg:$0x2];
	[bflag:$0x3] =	sbarrier.arrive $0xFFFF;
	s2 =	simm.s32 @!p0 $0x1C03  }
0x78: {  	[timem:s3], [sflag:s2] =	dma.local @!p0 [hbm:s0], s1  }
0x79: {  	s0 =	simm.s32 @!p0 $0x3  }
0x7a: {  	_ =	swait.ge @!p0 [sflag:s0], s1  }
0x7b: {  	s1 =	ssub.s32 @!p0 $0x0, s1;
	[sflag:s0] =	ssyncset.done @!p0 $0x0  }
0x7c: {  	[sflag:s0] =	ssyncadd.s32 @!p0 s1  }
0x7d: {  	[bflag:$0x3] =	sbarrier.arrive $0xFFFF  }
0x7e: {  	_ =	shalt  }

// kernel: kernel.19.cloned.1.call-start
scs
__scs_entry_jumppad:
0x0: {  	(pc) =	sbr.rel $0x88, $3  }
0x1: {  	(tag) =	ssettag $0x0;
	lr =	simm.s32 $0x1  }
0x2: {  	[smem:$0x3F77] =	sst lr;
	_ =	strace $0xD0000000  }
0x3: {  	_ = 	snop  }
0x4: {  	_ = 	snop  }
0x5: {  	_ = 	snop  }
0x6: {  	_ = 	snop  }
0x7: {  	_ = 	snop  }
__scs_overlays_trampoline_lowered:
0x8: {  	[smem:$0x3F86] =	sst s0  }
0x9: {  	[smem:$0x3F87] =	sst s1  }
0xa: {  	[smem:$0x3F88] =	sst s2  }
0xb: {  	[smem:$0x3F89] =	sst s3  }
0xc: {  	[smem:$0x3F8A] =	sst s4  }
0xd: {  	[smem:$0x3F8B] =	sst s5  }
0xe: {  	[smem:$0x3F8C] =	sst s6  }
0xf: {  	[smem:$0x3F8D] =	sst s7  }
0x10: {  	[smem:$0x3F8E] =	sst s8  }
0x11: {  	[smem:$0x3F8F] =	sst s9;
	s0 =	simm.s32 @!p0 $0x0  }
0x12: {  	s1 =	sld [smem:$0x3F75];
	s0 =	simm.s32 @p0 $0x1  }
0x13: {  	[smem:$0x3F90] =	sst s0;
	s0 =	simm.s32 @!p1 $0x0  }
0x14: {  	s2 =	sld [smem:$0x3F74];
	s0 =	simm.s32 @p1 $0x1  }
0x15: {  	[smem:$0x3F91] =	sst s0;
	s0 =	simm.s32 @!p2 $0x0  }
0x16: {  	s3 =	sld [smem:$0x3FDB];
	s0 =	simm.s32 @p2 $0x1  }
0x17: {  	s4 =	simm.s32 $0x1BF5;
	[smem:$0x3F93] =	sst s0  }
0x18: {  	s0 =	sld [smem:$0x3F76];
	_ =	swait.ge [sflag:s4], $0x0  }
0x19: {  	s7 =	sld [smem:$0x3F77]  }
0x1a: {  	s8 =	sadd.s32 $0xFFFFE003, lr  }
0x1b: {  	s9 =	sadd.s32 $0xFFFFFEF7, lr;
	s5 =	simm.s32 $0xFFFFFFFF;
	p2 =	slt.u32 s8, $0xFFFFF086  }
0x1c: {  	p1 =	slt.u32 s9, $0xF7A;
	s5 =	simm.s32 @!p2 $0x0  }
0x1d: {  	s5 =	simm.s32 @p1 $0x1;
	p0 =	seq.s32 s7, s2  }
0x1e: {  	s7 =	smul.u32 @!p0 $0xF7A, s2;
	p2 =	seq.s32 @!p0 s5, $0x0  }
0x1f: {  	s9 =	smul.u32 $0xF7A, s1;
	s8 =	simm.s32 @!p0 $0x1BF5;
	p2 =	por !p2, p0  }
0x20: {  	[sflag:s8] =	ssyncset.s32 @!p0 $0xFFFFF086;
	s6 =	sadd.s32 @!p0 s3, s7;
	s7 =	simm.s32 @!p0 $0x108  }
0x21: {  	s3 =	sadd.s32 s3, s9;
	s6 =	sadd.s32 @!p0 $0x88, s6;
	s7 =	simm.s32 @p2 $0x1082  }
0x22: {  	[simem:s7], [sflag:s8] =	dma.local @!p0 [hbm:s6], $0xF7A  }
0x23: {  	s9 =	sor.u32 $0xD0000000, s2;
	s6 =	simm.s32 $0x108;
	_ =	swait.ge @!p0 [sflag:s8], $0x0  }
0x24: {  	s3 =	sadd.s32 $0x88, s3;
	s6 =	simm.s32 @!p1 $0x1082;
	[sflag:s4] =	ssyncset.s32 $0xFFFFF086  }
0x25: {  	[simem:s6], [sflag:s4] =	dma.local [hbm:s3], $0xF7A  }
0x26: {  	[smem:$0x3F77] =	sst s1;
	(tag) =	ssettag s2;
	_ =	strace s9  }
0x27: {  	s1 =	sld [smem:$0x3F87]  }
0x28: {  	s2 =	sld [smem:$0x3F88]  }
0x29: {  	s4 =	sld [smem:$0x3F8A]  }
0x2a: {  	p0 =	seq.s32 s5, $0x0;
	s5 =	sld [smem:$0x3F8B]  }
0x2b: {  	s6 =	sld [smem:$0x3F8C]  }
0x2c: {  	s7 =	sld [smem:$0x3F8D]  }
0x2d: {  	s3 =	simm.s32 $0x108;
	s8 =	sld [smem:$0x3F8E]  }
0x2e: {  	s3 =	simm.s32 @!p0 $0x1082;
	s9 =	sld [smem:$0x3F8F]  }
0x2f: {  	lr =	sadd.s32 s0, s3;
	s0 =	sld [smem:$0x3F86]  }
0x30: {  	s3 =	sld [smem:$0x3F89]  }
0x31: {  	[smem:$0x3F92] =	sst s10  }
0x32: {  	s10 =	sld [smem:$0x3F90];
	_ =	sdelay $0x3  }
0x33: {  	p0 =	seq.s32 s10, $0x1;
	s10 =	sld [smem:$0x3F92];
	_ =	sdelay $0x3  }
0x34: {  	[smem:$0x3F92] =	sst s10  }
0x35: {  	s10 =	sld [smem:$0x3F91];
	_ =	sdelay $0x3  }
0x36: {  	p1 =	seq.s32 s10, $0x1;
	s10 =	sld [smem:$0x3F92];
	_ =	sdelay $0x3  }
0x37: {  	[smem:$0x3F92] =	sst s10  }
0x38: {  	s10 =	sld [smem:$0x3F93]  }
0x39: {  	_ = 	snop;
	(pc) =	sbr.ind lr, $3  }
0x3a: {  	_ = 	snop  }
0x3b: {  	_ = 	snop  }
0x3c: {  	p2 =	seq.s32 s10, $0x1;
	s10 =	sld [smem:$0x3F92]  }
0x3d: {  	_ =	shalt  }
0x3e: {  	_ =	shalt  }
0x3f: {  	_ =	shalt  }
0x40: {  	_ =	shalt  }
0x41: {  	_ =	shalt  }
0x42: {  	_ =	shalt  }
0x43: {  	_ =	shalt  }
0x44: {  	_ =	shalt  }
0x45: {  	_ =	shalt  }
0x46: {  	_ =	shalt  }
0x47: {  	_ =	shalt  }
0x48: {  	_ =	shalt  }
0x49: {  	_ =	shalt  }
0x4a: {  	_ =	shalt  }
0x4b: {  	_ =	shalt  }
0x4c: {  	_ =	shalt  }
0x4d: {  	_ =	shalt  }
0x4e: {  	_ =	shalt  }
0x4f: {  	_ =	shalt  }
0x50: {  	_ =	shalt  }
0x51: {  	_ =	shalt  }
0x52: {  	_ =	shalt  }
0x53: {  	_ =	shalt  }
0x54: {  	_ =	shalt  }
0x55: {  	_ =	shalt  }
0x56: {  	_ =	shalt  }
0x57: {  	_ =	shalt  }
0x58: {  	_ =	shalt  }
0x59: {  	_ =	shalt  }
0x5a: {  	_ =	shalt  }
0x5b: {  	_ =	shalt  }
0x5c: {  	_ =	shalt  }
0x5d: {  	_ =	shalt  }
0x5e: {  	_ =	shalt  }
0x5f: {  	_ =	shalt  }
0x60: {  	_ =	shalt  }
0x61: {  	_ =	shalt  }
0x62: {  	_ =	shalt  }
0x63: {  	_ =	shalt  }
0x64: {  	_ =	shalt  }
0x65: {  	_ =	shalt  }
0x66: {  	_ =	shalt  }
0x67: {  	_ =	shalt  }
0x68: {  	_ =	shalt  }
0x69: {  	_ =	shalt  }
0x6a: {  	_ =	shalt  }
0x6b: {  	_ =	shalt  }
0x6c: {  	_ =	shalt  }
0x6d: {  	_ =	shalt  }
0x6e: {  	_ =	shalt  }
0x6f: {  	_ =	shalt  }
0x70: {  	_ =	shalt  }
0x71: {  	_ =	shalt  }
0x72: {  	_ =	shalt  }
0x73: {  	_ =	shalt  }
0x74: {  	_ =	shalt  }
0x75: {  	_ =	shalt  }
0x76: {  	_ =	shalt  }
0x77: {  	_ =	shalt  }
0x78: {  	_ =	shalt  }
0x79: {  	_ =	shalt  }
0x7a: {  	_ =	shalt  }
0x7b: {  	_ =	shalt  }
0x7c: {  	_ =	shalt  }
0x7d: {  	_ =	shalt  }
0x7e: {  	_ =	shalt  }
0x7f: {  	_ =	shalt  }
0x80: {  	_ =	shalt  }
0x81: {  	_ =	shalt  }
0x82: {  	_ =	shalt  }
0x83: {  	_ =	shalt  }
0x84: {  	_ =	shalt  }
0x85: {  	_ =	shalt  }
0x86: {  	_ =	shalt  }
0x87: {  	_ =	shalt  }
.Lfunc_end0:
.L_simem_size_0:
called_computation.2_lowered:
.L_overlay_start_0:
0x88: {  	s2 =	sld [smem:$0x3FD9]  }
0x89: {  	s3 =	sld [smem:$0x3FFE];
	_ =	sdelay $0x1  }
0x8a: {  	s1 =	srdreg.scid  }
0x8b: {  	s0 =	sand.u32 $0x1, s1  }
0x8c: {  	s15 =	sshll.u32 s0, $0xA;
	s2 =	sadd.s32 s3, s2  }
0x8d: {  	s2 =	sadd.s32 s2, s15  }
0x8e: {  	[smem:$0x3F9E] =	sst s2  }
0x8f: {  	_ = 	snop  }
0x90: {  	s2 =	sld [smem:$0x3FD0];
	_ =	sdelay $0x2  }
0x91: {  	s16 =	simm.s32 $0xB;
	s4 =	simm.s32 $0x10  }
0x92: {  	[smem:s4], [sflag:s16] =	dma.local [hbm:s2], $0x1  }
0x93: {  	_ =	swait.eq [sflag:s16], $0x1  }
0x94: {  	[sflag:s16] =	ssyncset.done $0x0  }
0x95: {  	[sflag:s16] =	ssyncadd.s32 $0xFFFFFFFF  }
0x96: {  	s17 =	sld [smem:$0x12];
	(tm) =	ssettm $0x1  }
0x97: {  	s18 =	sld [smem:$0x3FFB];
	_ =	sdelay $0x3  }
0x98: {  	_ =	strace s18  }
0x99: {  	s2 =	sld [smem:$0x3FFC];
	_ =	sdelay $0x3  }
0x9a: {  	_ =	strace s2  }
0x9b: {  	s2 =	sld [smem:$0x3FFD];
	_ =	sdelay $0x3  }
0x9c: {  	_ =	strace s2  }
0x9d: {  	_ =	strace $0x8FFFFFFF  }
0x9e: {  	s19 =	sld [smem:$0x3FDB];
	_ =	sdelay $0x1  }
0x9f: {  	s20 =	simm.s32 $_scs_section_size  }
0xa0: {  	s5 =	simm.s32 $_size__tile_overlayer_lowered;
	s6 =	simm.s32 $_tile_overlayer_lowered  }
0xa1: {  	s7 =	simm.s32 $0x1BFF;
	s21 =	sshll.u32 s6, $0x1;
	s4 =	sadd.s32 s20, s19  }
0xa2: {  	s22 =	simm.s32 $0x0;
	s5 =	sshll.u32 s5, $0x1;
	s6 =	sadd.s32 s21, s4  }
0xa3: {  	[timem:s22], [sflag:s7] =	dma.local [hbm:s6], s5  }
0xa4: {  	_ =	swait.ge [sflag:s7], s5  }
0xa5: {  	s5 =	ssub.s32 $0x0, s5;
	[sflag:s7] =	ssyncset.done $0x0  }
0xa6: {  	[sflag:s7] =	ssyncadd.s32 s5;
	_ =	sdelay $0x1  }
0xa7: {  	s23 =	simm.s32 $0x1B8B  }
0xa8: {  	_ =	swait.ge [sflag:s23], $0x1  }
0xa9: {  	[sflag:s23] =	ssyncset.done $0x0  }
0xaa: {  	[sflag:s23] =	ssyncadd.s32 $0xFFFFFFFF  }
0xab: {  	s5 =	sld [smem:$0x0]  }
0xac: {  	s6 =	sand.u32 $0xFFFFFFFE, s1  }
0xad: {  	p0 =	sne.s32 s1, s6  }
0xae: {  	s6 =	sshll.u32 @p0 s6, $0xE  }
0xaf: {  	s6 =	sadd.s32 @p0 $0x11B8D, s6;
	s7 =	sshll.u32 @p0 s5, $0x11  }
0xb0: {  	s6 =	sor.u32 @p0 s7, s6  }
0xb1: {  	[sflag:s6] =	ssyncadd.remote.s32 @p0 $0x1;
	_ =	sdelay $0x1  }
0xb2: {  	s6 =	simm.s32 @p0 $0x1B8D  }
0xb3: {  	_ =	swait.eq @p0 [sflag:s6], $0x1  }
0xb4: {  	[sflag:s6] =	ssyncadd.s32 @p0 $0xFFFFFFFF  }
0xb5: {  	s7 =	sshll.u32 @!p0 s1, $0xE  }
0xb6: {  	s7 =	sor.u32 @!p0 $0x4000, s7;
	s6 =	simm.s32 @!p0 $0x1B8D  }
0xb7: {  	s5 =	sshll.u32 @!p0 s5, $0x11;
	s7 =	sadd.s32 @!p0 $0x11B8D, s7;
	_ =	swait.eq @!p0 [sflag:s6], $0x1  }
0xb8: {  	s5 =	sor.u32 @!p0 s5, s7;
	[sflag:s6] =	ssyncadd.s32 @!p0 $0xFFFFFFFF  }
0xb9: {  	s25 =	simm.s32 $0x1B8E;
	s24 =	sld [smem:$0x3FFE];
	[sflag:s5] =	ssyncadd.remote.s32 @!p0 $0x1  }
0xba: {  	s26 =	simm.s32 $execute0_lowered;
	[smem:$0x3FD2] =	sst s25  }
0xbb: {  	s6 =	sshll.u32 s26, $0x1;
	_ =	strace $0x8000004C;
	[dreg:$0x1] =	wrdreg $0xFFFFFFFF  }
0xbc: {  	s28 =	simm.s32 $_size_execute0_lowered;
	s4 =	sadd.s32 s4, s6;
	[dreg:$0x0] =	wrdreg $0x0  }
0xbd: {  	s6 =	sshll.u32 s28, $0x1;
	[dreg:$0x2] =	wrdreg s4  }
0xbe: {  	[dreg:$0x3] =	wrdreg s6  }
0xbf: {  	[dreg:$0x4] =	wrdreg $0xC0  }
0xc0: {  	_ =	task [dreg:s22], $0x5FFFF  }
0xc1: {  	[dreg:$0x1] =	wrdreg $0xFFFFFFFF  }
0xc2: {  	[dreg:$0x0] =	wrdreg $0x60  }
0xc3: {  	[dreg:$0x2] =	wrdreg s24  }
0xc4: {  	[dreg:$0x3] =	wrdreg s17  }
0xc5: {  	[dreg:$0x4] =	wrdreg $0x84000  }
0xc6: {  	[dreg:$0x5] =	wrdreg $0xA  }
0xc7: {  	_ =	task.clear_ibuf [dreg:s22], $0x6FFFF;
	_ =	strace $0x9000004C  }
0xc8: {  	s29 =	simm.s32 $0xA;
	_ =	strace $0x8000004E  }
0xc9: {  	_ =	swait.ge [sflag:s29], $0x1  }
0xca: {  	[sflag:s29] =	ssyncadd.s32 $0xFFFFFFFF  }
0xcb: {  	_ =	strace $0x9000004E  }
0xcc: {  	_ =	sfence  }
0xcd: {  	s30 =	sld [smem:$0x0];
	_ =	sdelay $0x2  }
0xce: {  	s31 =	sshll.u32 s1, $0xD;
	s1 =	sshrl.u32 s1, $0x2  }
0xcf: {  	s4 =	sand.u32 $0x4000, s31;
	s1 =	sadd.s32 s1, s30  }
0xd0: {  	s0 =	sor.u32 s4, s0;
	s1 =	sshll.u32 s1, $0x11  }
0xd1: {  	s0 =	sor.u32 s1, s0  }
0xd2: {  	s0 =	sadd.s32 $0x8F2B, s0  }
0xd3: {  	[sflag:s0] =	ssyncadd.remote.s32 $0x1  }
0xd4: {  	_ =	sfence.sel $0xFFFF  }
0xd5: {  	[dreg:$0x0] =	wrdreg $0xFFFFFFFF;
	(pc) =	sbr.abs _section_cstart, $3  }
0xd6: {  	[dreg:$0x1] =	wrdreg $0xFFFFFFFF  }
0xd7: {  	_ =	task.clear_ibuf [dreg:s22], $0x2FFFF;
	_ =	strace $0x9FFFFFFF  }
0xd8: {  	(tm) =	ssettm $0x7FFFFFFF  }
0xd9: {  	_ =	shalt  }
tec
execute0_lowered:
.L_overlay_start_1:
0x0: {  	(tag) =	ssettag $0x1  }
0x1: {  	s9 =	rddreg [dreg:$0x0]  }
0x2: {  	s8 =	rddreg [dreg:$0x1]  }
0x3: {  	s1 =	rddreg [dreg:$0x2];
	s3 =	simm.s32 $0x0;
	s4 =	srdreg.scid  }
0x4: {  	s2 =	stileid.u32;
	[smem:$0x7FF] =	sst s3;
	s29 =	sand.u32 $0x1, s4  }
0x5: {  	s10 =	sshll.u32 s2, $0x4;
	s26 =	sshll.u32 s2, $0xB;
	s31 =	sshll.u32 s2, $0xE  }
0x6: {  	s5 =	sshll.u32 s2, $0x6;
	_ =	strace $0x8000004D;
	s11 =	sshll.u32 s29, $0x3  }
0x7: {  	s30 =	sadd.s32 s26, s9;
	s6 =	sadd.s32 s31, s1;
	s5 =	sor.u32 $0x1C03, s5  }
0x8: {  	s4 =	sadd.s32 $0x7BC00, s30;
	s7 =	sshrl.u32 s6, $0x3;
	s6 =	simm.s32 $0x3  }
0x9: {  	[spmem:s7], [sflag:s5] =	dma.local [hbm:s4], $0x800  }
0xa: {  	s10 =	sor.u32 s11, s10;
	_ =	swait.ge [sflag:s6], $0x800  }
0xb: {  	s11 =	sshll.u32 s10, $0x4;
	[sflag:s6] =	ssyncset.done $0x0  }
0xc: {  	s8 =	sadd.s32 s8, s11;
	[sflag:s6] =	ssyncadd.s32 $0xFFFFF800  }
0xd: {  	[tilespmem:s3], [sflag:$0x3] =	stream.linear.gather [hbm4b:s8+s3], $0x400, $0x38;
	[tilespmem:$0xC400] =	vst v63  }
0xe: {  	_ =	swait.ge [sflag:s6], $0x400  }
0xf: {  	s10 =	sshll.u32 s10, $0xB;
	[sflag:s6] =	ssyncset.done $0x0  }
0x10: {  	s25 =	sadd.s32 s10, s9;
	[sflag:s6] =	ssyncadd.s32 $0xFFFFFC00  }
0x11: {  	s10 =	simm.s32 $0x400;
	s9 =	sadd.s32 $0xFFC00, s25;
	[bflag:$0x0] =	sbarrier.arrive $0xFFFF  }
0x12: {  	[tilespmem:s10], [sflag:$0x1] =	stream.linear.gather [hbm4b:s9+s3], $0x4000, $0x38;
	[tilespmem:$0xC400] =	vst v63  }
0x13: {  	s12 =	simm.s32 $0x4400;
	s13 =	simm.s32 $0x1;
	s11 =	sadd.s32 $0x100400, s25  }
0x14: {  	[tilespmem:s12], [sflag:$0x2] =	stream.linear.gather [hbm4b:s11+s3], $0x4000, $0x38;
	[tilespmem:$0xC400] =	vst v63  }
0x15: {  	_ =	swait.ge [sflag:s13], $0x4000  }
0x16: {  	[sflag:s13] =	ssyncset.done $0x0  }
0x17: {  	s14 =	simm.s32 $0x80;
	[sflag:s13] =	ssyncadd.s32 $0xFFFFC000  }
0x18: {  	[spmem:s1] =	stream.indirect.scatter.add.f32 [tilespmem:s10], [sflag:$0x3], $0x80, s3, s14, $0xb8;
	[tilespmem:$0xC400] =	vst v63  }
0x19: {  	_ =	swait.ge [sflag:s6], $0x4000  }
0x1a: {  	[sflag:s6] =	ssyncset.done $0x0  }
0x1b: {  	s16 =	simm.s32 $0x2;
	s15 =	sadd.s32 $0x100C00, s25;
	[sflag:s6] =	ssyncadd.s32 $0xFFFFC000  }
0x1c: {  	[tilespmem:s10], [sflag:$0x1] =	stream.linear.gather [hbm4b:s15+s3], $0x4000, $0x38;
	[tilespmem:$0xC400] =	vst v63  }
0x1d: {  	_ =	swait.ge [sflag:s16], $0x4000  }
0x1e: {  	[sflag:s16] =	ssyncset.done $0x0  }
0x1f: {  	[sflag:s16] =	ssyncadd.s32 $0xFFFFC000  }
0x20: {  	[spmem:s1] =	stream.indirect.scatter.add.f32 [tilespmem:s12], [sflag:$0x3], $0x80, s14, s14, $0xb8;
	[tilespmem:$0xC400] =	vst v63  }
0x21: {  	_ =	swait.ge [sflag:s6], $0x4000  }
0x22: {  	[sflag:s6] =	ssyncset.done $0x0  }
0x23: {  	s17 =	sadd.s32 $0x101400, s25;
	[sflag:s6] =	ssyncadd.s32 $0xFFFFC000  }
0x24: {  	[tilespmem:s12], [sflag:$0x2] =	stream.linear.gather [hbm4b:s17+s3], $0x4000, $0x38;
	[tilespmem:$0xC400] =	vst v63  }
0x25: {  	_ =	swait.ge [sflag:s13], $0x4000  }
0x26: {  	[sflag:s13] =	ssyncset.done $0x0  }
0x27: {  	s18 =	simm.s32 $0x100;
	[sflag:s13] =	ssyncadd.s32 $0xFFFFC000  }
0x28: {  	[spmem:s1] =	stream.indirect.scatter.add.f32 [tilespmem:s10], [sflag:$0x3], $0x80, s18, s14, $0xb8;
	[tilespmem:$0xC400] =	vst v63  }
0x29: {  	_ =	swait.ge [sflag:s6], $0x4000  }
0x2a: {  	[sflag:s6] =	ssyncset.done $0x0  }
0x2b: {  	s19 =	sadd.s32 $0x101C00, s25;
	[sflag:s6] =	ssyncadd.s32 $0xFFFFC000  }
0x2c: {  	[tilespmem:s10], [sflag:$0x1] =	stream.linear.gather [hbm4b:s19+s3], $0x4000, $0x38;
	[tilespmem:$0xC400] =	vst v63  }
0x2d: {  	_ =	swait.ge [sflag:s16], $0x4000  }
0x2e: {  	[sflag:s16] =	ssyncset.done $0x0  }
0x2f: {  	s20 =	simm.s32 $0x180;
	[sflag:s16] =	ssyncadd.s32 $0xFFFFC000  }
0x30: {  	[spmem:s1] =	stream.indirect.scatter.add.f32 [tilespmem:s12], [sflag:$0x3], $0x80, s20, s14, $0xb8;
	[tilespmem:$0xC400] =	vst v63  }
0x31: {  	_ =	swait.ge [sflag:s6], $0x4000  }
0x32: {  	[sflag:s6] =	ssyncset.done $0x0  }
0x33: {  	s21 =	sadd.s32 $0x102400, s25;
	[sflag:s6] =	ssyncadd.s32 $0xFFFFC000  }
0x34: {  	[tilespmem:s12], [sflag:$0x2] =	stream.linear.gather [hbm4b:s21+s3], $0x4000, $0x38;
	[tilespmem:$0xC400] =	vst v63  }
0x35: {  	_ =	swait.ge [sflag:s13], $0x4000  }
0x36: {  	[sflag:s13] =	ssyncset.done $0x0  }
0x37: {  	s22 =	simm.s32 $0x200;
	[sflag:s13] =	ssyncadd.s32 $0xFFFFC000  }
0x38: {  	[spmem:s1] =	stream.indirect.scatter.add.f32 [tilespmem:s10], [sflag:$0x3], $0x80, s22, s14, $0xb8;
	[tilespmem:$0xC400] =	vst v63  }
0x39: {  	_ =	swait.ge [sflag:s6], $0x4000  }
0x3a: {  	[sflag:s6] =	ssyncset.done $0x0  }
0x3b: {  	s23 =	sadd.s32 $0x102C00, s25;
	[sflag:s6] =	ssyncadd.s32 $0xFFFFC000  }
0x3c: {  	[tilespmem:s10], [sflag:$0x1] =	stream.linear.gather [hbm4b:s23+s3], $0x4000, $0x38;
	[tilespmem:$0xC400] =	vst v63  }
0x3d: {  	_ =	swait.ge [sflag:s16], $0x4000  }
0x3e: {  	[sflag:s16] =	ssyncset.done $0x0  }
0x3f: {  	s24 =	simm.s32 $0x280;
	[sflag:s16] =	ssyncadd.s32 $0xFFFFC000  }
0x40: {  	[spmem:s1] =	stream.indirect.scatter.add.f32 [tilespmem:s12], [sflag:$0x3], $0x80, s24, s14, $0xb8;
	[tilespmem:$0xC400] =	vst v63  }
0x41: {  	_ =	swait.ge [sflag:s6], $0x4000  }
0x42: {  	[sflag:s6] =	ssyncset.done $0x0  }
0x43: {  	s25 =	sadd.s32 $0x103400, s25;
	[sflag:s6] =	ssyncadd.s32 $0xFFFFC000  }
0x44: {  	[tilespmem:s12], [sflag:$0x2] =	stream.linear.gather [hbm4b:s25+s3], $0x4000, $0x38;
	[tilespmem:$0xC400] =	vst v63  }
0x45: {  	_ =	swait.ge [sflag:s13], $0x4000  }
0x46: {  	[sflag:s13] =	ssyncset.done $0x0  }
0x47: {  	s26 =	simm.s32 $0x300;
	[sflag:s13] =	ssyncadd.s32 $0xFFFFC000  }
0x48: {  	[spmem:s1] =	stream.indirect.scatter.add.f32 [tilespmem:s10], [sflag:$0x3], $0x80, s26, s14, $0xb8;
	[tilespmem:$0xC400] =	vst v63  }
0x49: {  	_ =	swait.ge [sflag:s6], $0x4000  }
0x4a: {  	[sflag:s6] =	ssyncset.done $0x0  }
0x4b: {  	[sflag:s6] =	ssyncadd.s32 $0xFFFFC000  }
0x4c: {  	s31 =	ssub.s32 $0x2, s29;
	_ =	swait.ge [sflag:s16], $0x4000  }
0x4d: {  	s0 =	sshrl.u32 s31, $0x1;
	[sflag:s16] =	ssyncset.done $0x0  }
0x4e: {  	s28 =	simm.s32 $0x380;
	s0 =	ssub.s32 s31, s0;
	[sflag:s16] =	ssyncadd.s32 $0xFFFFC000  }
0x4f: {  	[spmem:s1] =	stream.indirect.scatter.add.f32 [tilespmem:s12], [sflag:$0x3], $0x80, s28, s14, $0xb8;
	[tilespmem:$0xC400] =	vst v63  }
0x50: {  	s0 =	smax.u32 s0, $0x1;
	_ =	swait.ge [sflag:s6], $0x4000  }
0x51: {  	s29 =	sshll.u32 s29, $0xF;
	p0 =	sne.s32 s0, $0x1;
	[sflag:s6] =	ssyncset.done $0x0  }
.Ltmp0:
0x52: {  	s29 =	sadd.s32 s29, s30;
	[sflag:s6] =	ssyncadd.s32 $0xFFFFC000;
	(pc) =	sbr.rel @!p0 .LBB2_2-.Ltmp0, $4  }
0x53: {  	s29 =	sadd.s32 $0x383C00, s29;
	[bflag:$0x0] =	sbarrier.arrive $0xFFFF  }
0x54: {  	[hbm:s29], [sflag:s5] =	dma.local [spmem:s7], $0x800  }
0x55: {  	_ =	swait.ge [sflag:s6], $0x800  }
0x56: {  	s30 =	sadd.s32 $0xFFFFFFFF, s0;
	[sflag:s6] =	ssyncset.done $0x0  }
.LBB2_1:
0x57: {  	p0 =	sne.s32 s30, $0x1;
	s30 =	sadd.s32 $0xFFFFFFFF, s30;
	[sflag:s6] =	ssyncadd.s32 $0xFFFFF800  }
0x58: {  	[spmem:s7], [sflag:s5] =	dma.local [hbm:s4], $0x800  }
0x59: {  	_ =	swait.ge [sflag:s6], $0x800  }
0x5a: {  	[sflag:s6] =	ssyncset.done $0x0  }
0x5b: {  	[sflag:s6] =	ssyncadd.s32 $0xFFFFF800  }
0x5c: {  	[tilespmem:s3], [sflag:$0x3] =	stream.linear.gather [hbm4b:s8+s3], $0x400, $0x38;
	[tilespmem:$0xC400] =	vst v63  }
0x5d: {  	_ =	swait.ge [sflag:s6], $0x400  }
0x5e: {  	[sflag:s6] =	ssyncset.done $0x0  }
0x5f: {  	[sflag:s6] =	ssyncadd.s32 $0xFFFFFC00  }
0x60: {  	[bflag:$0x0] =	sbarrier.arrive $0xFFFF  }
0x61: {  	[tilespmem:s10], [sflag:$0x1] =	stream.linear.gather [hbm4b:s9+s3], $0x4000, $0x38;
	[tilespmem:$0xC400] =	vst v63  }
0x62: {  	_ = 	snop  }
0x63: {  	[tilespmem:s12], [sflag:$0x2] =	stream.linear.gather [hbm4b:s11+s3], $0x4000, $0x38;
	[tilespmem:$0xC400] =	vst v63  }
0x64: {  	_ =	swait.ge [sflag:s13], $0x4000  }
0x65: {  	[sflag:s13] =	ssyncset.done $0x0  }
0x66: {  	[sflag:s13] =	ssyncadd.s32 $0xFFFFC000  }
0x67: {  	[spmem:s1] =	stream.indirect.scatter.add.f32 [tilespmem:s10], [sflag:$0x3], $0x80, s3, s14, $0xb8;
	[tilespmem:$0xC400] =	vst v63  }
0x68: {  	_ =	swait.ge [sflag:s6], $0x4000  }
0x69: {  	[sflag:s6] =	ssyncset.done $0x0  }
0x6a: {  	[sflag:s6] =	ssyncadd.s32 $0xFFFFC000  }
0x6b: {  	[tilespmem:s10], [sflag:$0x1] =	stream.linear.gather [hbm4b:s15+s3], $0x4000, $0x38;
	[tilespmem:$0xC400] =	vst v63  }
0x6c: {  	_ =	swait.ge [sflag:s16], $0x4000  }
0x6d: {  	[sflag:s16] =	ssyncset.done $0x0  }
0x6e: {  	[sflag:s16] =	ssyncadd.s32 $0xFFFFC000  }
0x6f: {  	[spmem:s1] =	stream.indirect.scatter.add.f32 [tilespmem:s12], [sflag:$0x3], $0x80, s14, s14, $0xb8;
	[tilespmem:$0xC400] =	vst v63  }
0x70: {  	_ =	swait.ge [sflag:s6], $0x4000  }
0x71: {  	[sflag:s6] =	ssyncset.done $0x0  }
0x72: {  	[sflag:s6] =	ssyncadd.s32 $0xFFFFC000  }
0x73: {  	[tilespmem:s12], [sflag:$0x2] =	stream.linear.gather [hbm4b:s17+s3], $0x4000, $0x38;
	[tilespmem:$0xC400] =	vst v63  }
0x74: {  	_ =	swait.ge [sflag:s13], $0x4000  }
0x75: {  	[sflag:s13] =	ssyncset.done $0x0  }
0x76: {  	[sflag:s13] =	ssyncadd.s32 $0xFFFFC000  }
0x77: {  	[spmem:s1] =	stream.indirect.scatter.add.f32 [tilespmem:s10], [sflag:$0x3], $0x80, s18, s14, $0xb8;
	[tilespmem:$0xC400] =	vst v63  }
0x78: {  	_ =	swait.ge [sflag:s6], $0x4000  }
0x79: {  	[sflag:s6] =	ssyncset.done $0x0  }
0x7a: {  	[sflag:s6] =	ssyncadd.s32 $0xFFFFC000  }
0x7b: {  	[tilespmem:s10], [sflag:$0x1] =	stream.linear.gather [hbm4b:s19+s3], $0x4000, $0x38;
	[tilespmem:$0xC400] =	vst v63  }
0x7c: {  	_ =	swait.ge [sflag:s16], $0x4000  }
0x7d: {  	[sflag:s16] =	ssyncset.done $0x0  }
0x7e: {  	[sflag:s16] =	ssyncadd.s32 $0xFFFFC000  }
0x7f: {  	[spmem:s1] =	stream.indirect.scatter.add.f32 [tilespmem:s12], [sflag:$0x3], $0x80, s20, s14, $0xb8;
	[tilespmem:$0xC400] =	vst v63  }
0x80: {  	_ =	swait.ge [sflag:s6], $0x4000  }
0x81: {  	[sflag:s6] =	ssyncset.done $0x0  }
0x82: {  	[sflag:s6] =	ssyncadd.s32 $0xFFFFC000  }
0x83: {  	[tilespmem:s12], [sflag:$0x2] =	stream.linear.gather [hbm4b:s21+s3], $0x4000, $0x38;
	[tilespmem:$0xC400] =	vst v63  }
0x84: {  	_ =	swait.ge [sflag:s13], $0x4000  }
0x85: {  	[sflag:s13] =	ssyncset.done $0x0  }
0x86: {  	[sflag:s13] =	ssyncadd.s32 $0xFFFFC000  }
0x87: {  	[spmem:s1] =	stream.indirect.scatter.add.f32 [tilespmem:s10], [sflag:$0x3], $0x80, s22, s14, $0xb8;
	[tilespmem:$0xC400] =	vst v63  }
0x88: {  	_ =	swait.ge [sflag:s6], $0x4000  }
0x89: {  	[sflag:s6] =	ssyncset.done $0x0  }
0x8a: {  	[sflag:s6] =	ssyncadd.s32 $0xFFFFC000  }
0x8b: {  	[tilespmem:s10], [sflag:$0x1] =	stream.linear.gather [hbm4b:s23+s3], $0x4000, $0x38;
	[tilespmem:$0xC400] =	vst v63  }
0x8c: {  	_ =	swait.ge [sflag:s16], $0x4000  }
0x8d: {  	[sflag:s16] =	ssyncset.done $0x0  }
0x8e: {  	[sflag:s16] =	ssyncadd.s32 $0xFFFFC000  }
0x8f: {  	[spmem:s1] =	stream.indirect.scatter.add.f32 [tilespmem:s12], [sflag:$0x3], $0x80, s24, s14, $0xb8;
	[tilespmem:$0xC400] =	vst v63  }
0x90: {  	_ =	swait.ge [sflag:s6], $0x4000  }
0x91: {  	[sflag:s6] =	ssyncset.done $0x0  }
0x92: {  	[sflag:s6] =	ssyncadd.s32 $0xFFFFC000  }
0x93: {  	[tilespmem:s12], [sflag:$0x2] =	stream.linear.gather [hbm4b:s25+s3], $0x4000, $0x38;
	[tilespmem:$0xC400] =	vst v63  }
0x94: {  	_ =	swait.ge [sflag:s13], $0x4000  }
0x95: {  	[sflag:s13] =	ssyncset.done $0x0  }
0x96: {  	[sflag:s13] =	ssyncadd.s32 $0xFFFFC000  }
0x97: {  	[spmem:s1] =	stream.indirect.scatter.add.f32 [tilespmem:s10], [sflag:$0x3], $0x80, s26, s14, $0xb8;
	[tilespmem:$0xC400] =	vst v63  }
0x98: {  	_ =	swait.ge [sflag:s6], $0x4000  }
0x99: {  	[sflag:s6] =	ssyncset.done $0x0  }
0x9a: {  	[sflag:s6] =	ssyncadd.s32 $0xFFFFC000  }
0x9b: {  	_ =	swait.ge [sflag:s16], $0x4000  }
0x9c: {  	[sflag:s16] =	ssyncset.done $0x0  }
0x9d: {  	[sflag:s16] =	ssyncadd.s32 $0xFFFFC000  }
0x9e: {  	[spmem:s1] =	stream.indirect.scatter.add.f32 [tilespmem:s12], [sflag:$0x3], $0x80, s28, s14, $0xb8;
	[tilespmem:$0xC400] =	vst v63  }
0x9f: {  	_ =	swait.ge [sflag:s6], $0x4000  }
0xa0: {  	[sflag:s6] =	ssyncset.done $0x0  }
.Ltmp1:
0xa1: {  	[sflag:s6] =	ssyncadd.s32 $0xFFFFC000;
	(pc) =	sbr.rel @p0 .LBB2_1-.Ltmp1, $4  }
0xa2: {  	[bflag:$0x0] =	sbarrier.arrive $0xFFFF  }
0xa3: {  	[hbm:s29], [sflag:s5] =	dma.local [spmem:s7], $0x800  }
0xa4: {  	_ =	swait.ge [sflag:s6], $0x800  }
0xa5: {  	[sflag:s6] =	ssyncset.done $0x0  }
.LBB2_2:
0xa6: {  	[sflag:s6] =	ssyncadd.s32 $0xFFFFF800  }
0xa7: {  	_ =	sfence.sel $0x180000  }
0xa8: {  	[bflag:$0x0] =	sbarrier.arrive $0xFFFF  }
0xa9: {  	_ =	strace $0x9000004D  }
0xaa: {  	[bflag:$0x2] =	sbarrier.arrive $0xFFFF  }
0xab: {  	p0 =	sne.s32 s2, $0x0;
	s0 =	rddreg [dreg:$0x3]  }
0xac: {  	s0 =	sadd.s32 @!p0 $0x100000, s0  }
0xad: {  	[sflag:s0] =	ssyncadd.tile.s32 @!p0 $0x1;
	_ =	shalt  }
.Lfunc_end2:
_tile_overlayer_lowered:
.L_overlay_start_2:
0xae: {  	(tag) =	ssettag $0x2  }
0xaf: {  	s0 =	rddreg [dreg:$0x0];
	s2 =	stileid.u32  }
0xb0: {  	s1 =	rddreg [dreg:$0x1];
	p0 =	sne.s32 s2, $0x0  }
0xb1: {  	s3 =	rddreg [dreg:$0x2];
	[bflag:$0x3] =	sbarrier.arrive $0xFFFF;
	s2 =	simm.s32 @!p0 $0x1C03  }
0xb2: {  	[timem:s3], [sflag:s2] =	dma.local @!p0 [hbm:s0], s1  }
0xb3: {  	s0 =	simm.s32 @!p0 $0x3  }
0xb4: {  	_ =	swait.ge @!p0 [sflag:s0], s1  }
0xb5: {  	s1 =	ssub.s32 @!p0 $0x0, s1;
	[sflag:s0] =	ssyncset.done @!p0 $0x0  }
0xb6: {  	[sflag:s0] =	ssyncadd.s32 @!p0 s1  }
0xb7: {  	[bflag:$0x3] =	sbarrier.arrive $0xFFFF  }
0xb8: {  	_ =	shalt  }

// kernel: kernel.22.cloned.1.call-start
scs
__scs_entry_jumppad:
0x0: {  	(pc) =	sbr.rel $0x88, $3  }
0x1: {  	(tag) =	ssettag $0x0;
	lr =	simm.s32 $0x1  }
0x2: {  	[smem:$0x3F77] =	sst lr;
	_ =	strace $0xD0000000  }
0x3: {  	_ = 	snop  }
0x4: {  	_ = 	snop  }
0x5: {  	_ = 	snop  }
0x6: {  	_ = 	snop  }
0x7: {  	_ = 	snop  }
__scs_overlays_trampoline_lowered:
0x8: {  	[smem:$0x3F86] =	sst s0  }
0x9: {  	[smem:$0x3F87] =	sst s1  }
0xa: {  	[smem:$0x3F88] =	sst s2  }
0xb: {  	[smem:$0x3F89] =	sst s3  }
0xc: {  	[smem:$0x3F8A] =	sst s4  }
0xd: {  	[smem:$0x3F8B] =	sst s5  }
0xe: {  	[smem:$0x3F8C] =	sst s6  }
0xf: {  	[smem:$0x3F8D] =	sst s7  }
0x10: {  	[smem:$0x3F8E] =	sst s8  }
0x11: {  	[smem:$0x3F8F] =	sst s9;
	s0 =	simm.s32 @!p0 $0x0  }
0x12: {  	s1 =	sld [smem:$0x3F75];
	s0 =	simm.s32 @p0 $0x1  }
0x13: {  	[smem:$0x3F90] =	sst s0;
	s0 =	simm.s32 @!p1 $0x0  }
0x14: {  	s2 =	sld [smem:$0x3F74];
	s0 =	simm.s32 @p1 $0x1  }
0x15: {  	[smem:$0x3F91] =	sst s0;
	s0 =	simm.s32 @!p2 $0x0  }
0x16: {  	s3 =	sld [smem:$0x3FDB];
	s0 =	simm.s32 @p2 $0x1  }
0x17: {  	s4 =	simm.s32 $0x1BF5;
	[smem:$0x3F93] =	sst s0  }
0x18: {  	s0 =	sld [smem:$0x3F76];
	_ =	swait.ge [sflag:s4], $0x0  }
0x19: {  	s7 =	sld [smem:$0x3F77]  }
0x1a: {  	s8 =	sadd.s32 $0xFFFFE003, lr  }
0x1b: {  	s9 =	sadd.s32 $0xFFFFFEF7, lr;
	s5 =	simm.s32 $0xFFFFFFFF;
	p2 =	slt.u32 s8, $0xFFFFF086  }
0x1c: {  	p1 =	slt.u32 s9, $0xF7A;
	s5 =	simm.s32 @!p2 $0x0  }
0x1d: {  	s5 =	simm.s32 @p1 $0x1;
	p0 =	seq.s32 s7, s2  }
0x1e: {  	s7 =	smul.u32 @!p0 $0xF7A, s2;
	p2 =	seq.s32 @!p0 s5, $0x0  }
0x1f: {  	s9 =	smul.u32 $0xF7A, s1;
	s8 =	simm.s32 @!p0 $0x1BF5;
	p2 =	por !p2, p0  }
0x20: {  	[sflag:s8] =	ssyncset.s32 @!p0 $0xFFFFF086;
	s6 =	sadd.s32 @!p0 s3, s7;
	s7 =	simm.s32 @!p0 $0x108  }
0x21: {  	s3 =	sadd.s32 s3, s9;
	s6 =	sadd.s32 @!p0 $0x88, s6;
	s7 =	simm.s32 @p2 $0x1082  }
0x22: {  	[simem:s7], [sflag:s8] =	dma.local @!p0 [hbm:s6], $0xF7A  }
0x23: {  	s9 =	sor.u32 $0xD0000000, s2;
	s6 =	simm.s32 $0x108;
	_ =	swait.ge @!p0 [sflag:s8], $0x0  }
0x24: {  	s3 =	sadd.s32 $0x88, s3;
	s6 =	simm.s32 @!p1 $0x1082;
	[sflag:s4] =	ssyncset.s32 $0xFFFFF086  }
0x25: {  	[simem:s6], [sflag:s4] =	dma.local [hbm:s3], $0xF7A  }
0x26: {  	[smem:$0x3F77] =	sst s1;
	(tag) =	ssettag s2;
	_ =	strace s9  }
0x27: {  	s1 =	sld [smem:$0x3F87]  }
0x28: {  	s2 =	sld [smem:$0x3F88]  }
0x29: {  	s4 =	sld [smem:$0x3F8A]  }
0x2a: {  	p0 =	seq.s32 s5, $0x0;
	s5 =	sld [smem:$0x3F8B]  }
0x2b: {  	s6 =	sld [smem:$0x3F8C]  }
0x2c: {  	s7 =	sld [smem:$0x3F8D]  }
0x2d: {  	s3 =	simm.s32 $0x108;
	s8 =	sld [smem:$0x3F8E]  }
0x2e: {  	s3 =	simm.s32 @!p0 $0x1082;
	s9 =	sld [smem:$0x3F8F]  }
0x2f: {  	lr =	sadd.s32 s0, s3;
	s0 =	sld [smem:$0x3F86]  }
0x30: {  	s3 =	sld [smem:$0x3F89]  }
0x31: {  	[smem:$0x3F92] =	sst s10  }
0x32: {  	s10 =	sld [smem:$0x3F90];
	_ =	sdelay $0x3  }
0x33: {  	p0 =	seq.s32 s10, $0x1;
	s10 =	sld [smem:$0x3F92];
	_ =	sdelay $0x3  }
0x34: {  	[smem:$0x3F92] =	sst s10  }
0x35: {  	s10 =	sld [smem:$0x3F91];
	_ =	sdelay $0x3  }
0x36: {  	p1 =	seq.s32 s10, $0x1;
	s10 =	sld [smem:$0x3F92];
	_ =	sdelay $0x3  }
0x37: {  	[smem:$0x3F92] =	sst s10  }
0x38: {  	s10 =	sld [smem:$0x3F93]  }
0x39: {  	_ = 	snop;
	(pc) =	sbr.ind lr, $3  }
0x3a: {  	_ = 	snop  }
0x3b: {  	_ = 	snop  }
0x3c: {  	p2 =	seq.s32 s10, $0x1;
	s10 =	sld [smem:$0x3F92]  }
0x3d: {  	_ =	shalt  }
0x3e: {  	_ =	shalt  }
0x3f: {  	_ =	shalt  }
0x40: {  	_ =	shalt  }
0x41: {  	_ =	shalt  }
0x42: {  	_ =	shalt  }
0x43: {  	_ =	shalt  }
0x44: {  	_ =	shalt  }
0x45: {  	_ =	shalt  }
0x46: {  	_ =	shalt  }
0x47: {  	_ =	shalt  }
0x48: {  	_ =	shalt  }
0x49: {  	_ =	shalt  }
0x4a: {  	_ =	shalt  }
0x4b: {  	_ =	shalt  }
0x4c: {  	_ =	shalt  }
0x4d: {  	_ =	shalt  }
0x4e: {  	_ =	shalt  }
0x4f: {  	_ =	shalt  }
0x50: {  	_ =	shalt  }
0x51: {  	_ =	shalt  }
0x52: {  	_ =	shalt  }
0x53: {  	_ =	shalt  }
0x54: {  	_ =	shalt  }
0x55: {  	_ =	shalt  }
0x56: {  	_ =	shalt  }
0x57: {  	_ =	shalt  }
0x58: {  	_ =	shalt  }
0x59: {  	_ =	shalt  }
0x5a: {  	_ =	shalt  }
0x5b: {  	_ =	shalt  }
0x5c: {  	_ =	shalt  }
0x5d: {  	_ =	shalt  }
0x5e: {  	_ =	shalt  }
0x5f: {  	_ =	shalt  }
0x60: {  	_ =	shalt  }
0x61: {  	_ =	shalt  }
0x62: {  	_ =	shalt  }
0x63: {  	_ =	shalt  }
0x64: {  	_ =	shalt  }
0x65: {  	_ =	shalt  }
0x66: {  	_ =	shalt  }
0x67: {  	_ =	shalt  }
0x68: {  	_ =	shalt  }
0x69: {  	_ =	shalt  }
0x6a: {  	_ =	shalt  }
0x6b: {  	_ =	shalt  }
0x6c: {  	_ =	shalt  }
0x6d: {  	_ =	shalt  }
0x6e: {  	_ =	shalt  }
0x6f: {  	_ =	shalt  }
0x70: {  	_ =	shalt  }
0x71: {  	_ =	shalt  }
0x72: {  	_ =	shalt  }
0x73: {  	_ =	shalt  }
0x74: {  	_ =	shalt  }
0x75: {  	_ =	shalt  }
0x76: {  	_ =	shalt  }
0x77: {  	_ =	shalt  }
0x78: {  	_ =	shalt  }
0x79: {  	_ =	shalt  }
0x7a: {  	_ =	shalt  }
0x7b: {  	_ =	shalt  }
0x7c: {  	_ =	shalt  }
0x7d: {  	_ =	shalt  }
0x7e: {  	_ =	shalt  }
0x7f: {  	_ =	shalt  }
0x80: {  	_ =	shalt  }
0x81: {  	_ =	shalt  }
0x82: {  	_ =	shalt  }
0x83: {  	_ =	shalt  }
0x84: {  	_ =	shalt  }
0x85: {  	_ =	shalt  }
0x86: {  	_ =	shalt  }
0x87: {  	_ =	shalt  }
.Lfunc_end0:
.L_simem_size_0:
called_computation.3_lowered:
.L_overlay_start_0:
0x88: {  	s2 =	sld [smem:$0x3FD9]  }
0x89: {  	s3 =	sld [smem:$0x3FFE];
	_ =	sdelay $0x1  }
0x8a: {  	s1 =	srdreg.scid  }
0x8b: {  	s0 =	sand.u32 $0x1, s1  }
0x8c: {  	s17 =	sshll.u32 s0, $0xA;
	s2 =	sadd.s32 s3, s2  }
0x8d: {  	s2 =	sadd.s32 s2, s17  }
0x8e: {  	[smem:$0x3F9E] =	sst s2  }
0x8f: {  	_ = 	snop  }
0x90: {  	(tm) =	ssettm $0x1  }
0x91: {  	s18 =	sld [smem:$0x3FFB];
	_ =	sdelay $0x3  }
0x92: {  	_ =	strace s18  }
0x93: {  	s2 =	sld [smem:$0x3FFC];
	_ =	sdelay $0x3  }
0x94: {  	_ =	strace s2  }
0x95: {  	s2 =	sld [smem:$0x3FFD];
	_ =	sdelay $0x3  }
0x96: {  	_ =	strace s2  }
0x97: {  	_ =	strace $0x8FFFFFFF  }
0x98: {  	s19 =	sld [smem:$0x3FDB];
	_ =	sdelay $0x1  }
0x99: {  	s20 =	simm.s32 $_scs_section_size  }
0x9a: {  	s4 =	simm.s32 $_size__tile_overlayer_lowered;
	s5 =	simm.s32 $_tile_overlayer_lowered  }
0x9b: {  	s6 =	simm.s32 $0x1BFF;
	s21 =	sshll.u32 s5, $0x1;
	s3 =	sadd.s32 s20, s19  }
0x9c: {  	s22 =	simm.s32 $0x0;
	s4 =	sshll.u32 s4, $0x1;
	s5 =	sadd.s32 s21, s3  }
0x9d: {  	[timem:s22], [sflag:s6] =	dma.local [hbm:s5], s4  }
0x9e: {  	_ =	swait.ge [sflag:s6], s4  }
0x9f: {  	s4 =	ssub.s32 $0x0, s4;
	[sflag:s6] =	ssyncset.done $0x0  }
0xa0: {  	[sflag:s6] =	ssyncadd.s32 s4;
	_ =	sdelay $0x1  }
0xa1: {  	s23 =	simm.s32 $0x1B8B  }
0xa2: {  	_ =	swait.ge [sflag:s23], $0x1  }
0xa3: {  	[sflag:s23] =	ssyncset.done $0x0  }
0xa4: {  	[sflag:s23] =	ssyncadd.s32 $0xFFFFFFFF  }
0xa5: {  	s4 =	sld [smem:$0x0]  }
0xa6: {  	s5 =	sand.u32 $0xFFFFFFFE, s1  }
0xa7: {  	p0 =	sne.s32 s1, s5  }
0xa8: {  	s5 =	sshll.u32 @p0 s5, $0xE  }
0xa9: {  	s5 =	sadd.s32 @p0 $0x11B8D, s5;
	s6 =	sshll.u32 @p0 s4, $0x11  }
0xaa: {  	s5 =	sor.u32 @p0 s6, s5  }
0xab: {  	[sflag:s5] =	ssyncadd.remote.s32 @p0 $0x1;
	_ =	sdelay $0x1  }
0xac: {  	s5 =	simm.s32 @p0 $0x1B8D  }
0xad: {  	_ =	swait.eq @p0 [sflag:s5], $0x1  }
0xae: {  	[sflag:s5] =	ssyncadd.s32 @p0 $0xFFFFFFFF  }
0xaf: {  	s6 =	sshll.u32 @!p0 s1, $0xE  }
0xb0: {  	s6 =	sor.u32 @!p0 $0x4000, s6;
	s5 =	simm.s32 @!p0 $0x1B8D  }
0xb1: {  	s4 =	sshll.u32 @!p0 s4, $0x11;
	s6 =	sadd.s32 @!p0 $0x11B8D, s6;
	_ =	swait.eq @!p0 [sflag:s5], $0x1  }
0xb2: {  	s4 =	sor.u32 @!p0 s4, s6;
	[sflag:s5] =	ssyncadd.s32 @!p0 $0xFFFFFFFF  }
0xb3: {  	s25 =	simm.s32 $0x1B8E;
	s24 =	sld [smem:$0x3FFE];
	[sflag:s4] =	ssyncadd.remote.s32 @!p0 $0x1  }
0xb4: {  	s26 =	simm.s32 $execute0_lowered;
	[smem:$0x3FD2] =	sst s25  }
0xb5: {  	s5 =	sshll.u32 s26, $0x1;
	_ =	strace $0x8000004F;
	[dreg:$0x1] =	wrdreg $0xFFFFFFFF  }
0xb6: {  	s28 =	simm.s32 $_size_execute0_lowered;
	s3 =	sadd.s32 s3, s5;
	[dreg:$0x0] =	wrdreg $0x0  }
0xb7: {  	s5 =	sshll.u32 s28, $0x1;
	[dreg:$0x2] =	wrdreg s3  }
0xb8: {  	[dreg:$0x3] =	wrdreg s5  }
0xb9: {  	[dreg:$0x4] =	wrdreg $0xC0  }
0xba: {  	_ =	task [dreg:s22], $0x5FFFF  }
0xbb: {  	[dreg:$0x1] =	wrdreg $0xFFFFFFFF  }
0xbc: {  	[dreg:$0x0] =	wrdreg $0x60  }
0xbd: {  	[dreg:$0x2] =	wrdreg s24  }
0xbe: {  	[dreg:$0x3] =	wrdreg $0x90000  }
0xbf: {  	[dreg:$0x4] =	wrdreg $0x9  }
0xc0: {  	_ =	task.clear_ibuf [dreg:s22], $0x5FFFF;
	_ =	strace $0x9000004F  }
0xc1: {  	s29 =	simm.s32 $0x9;
	_ =	strace $0x80000051  }
0xc2: {  	_ =	swait.ge [sflag:s29], $0x1  }
0xc3: {  	[sflag:s29] =	ssyncadd.s32 $0xFFFFFFFF  }
0xc4: {  	_ =	strace $0x90000051  }
0xc5: {  	_ =	sfence  }
0xc6: {  	s30 =	sld [smem:$0x0];
	_ =	sdelay $0x2  }
0xc7: {  	s31 =	sshll.u32 s1, $0xD;
	s1 =	sshrl.u32 s1, $0x2  }
0xc8: {  	s4 =	sand.u32 $0x4000, s31;
	s1 =	sadd.s32 s1, s30  }
0xc9: {  	s0 =	sor.u32 s4, s0;
	s1 =	sshll.u32 s1, $0x11  }
0xca: {  	s0 =	sor.u32 s1, s0  }
0xcb: {  	s0 =	sadd.s32 $0x8F2B, s0  }
0xcc: {  	[sflag:s0] =	ssyncadd.remote.s32 $0x1  }
0xcd: {  	_ =	sfence.sel $0xFFFF  }
0xce: {  	[dreg:$0x0] =	wrdreg $0xFFFFFFFF;
	(pc) =	sbr.abs _section_cstart, $3  }
0xcf: {  	[dreg:$0x1] =	wrdreg $0xFFFFFFFF  }
0xd0: {  	_ =	task.clear_ibuf [dreg:s22], $0x2FFFF;
	_ =	strace $0x9FFFFFFF  }
0xd1: {  	(tm) =	ssettm $0x7FFFFFFF  }
tec
execute0_lowered:
.L_overlay_start_1:
0x0: {  	(tag) =	ssettag $0x1  }
0x1: {  	s4 =	rddreg [dreg:$0x0]  }
0x2: {  	s2 =	rddreg [dreg:$0x1];
	s3 =	srdreg.scid  }
0x3: {  	s0 =	rddreg [dreg:$0x2];
	s1 =	stileid.u32  }
0x4: {  	s15 =	simm.s32 $0x5000;
	s16 =	simm.s32 $0x1;
	s17 =	simm.s32 $0x80  }
0x5: {  	s18 =	simm.s32 $0x2;
	s19 =	simm.s32 $0xF00;
	s20 =	simm.s32 $0xF80  }
0x6: {  	s21 =	simm.s32 $0x0;
	s8 =	sand.u32 $0x1, s3;
	s3 =	simm.s32 $0x0  }
0x7: {  	s5 =	sshll.u32 s1, $0x6;
	s9 =	sadd.s32 $0x593C00, s4;
	s10 =	sshll.u32 s1, $0xD  }
0x8: {  	s12 =	sshll.u32 s1, $0x10;
	s14 =	sshll.u32 s1, $0x11;
	s6 =	sshll.u32 s8, $0x5  }
0x9: {  	[smem:$0x7FF] =	sst s3;
	s11 =	ssub.s32 $0x2, s8;
	s10 =	sadd.s32 s10, s4  }
0xa: {  	s12 =	sadd.s32 s12, s2;
	s13 =	sshll.u32 s8, $0x11;
	s29 =	sadd.s32 s14, s9  }
0xb: {  	s30 =	sshll.u32 s8, $0x10;
	s14 =	simm.s32 $0x1000;
	s7 =	sor.u32 s6, s5  }
0xc: {  	_ =	strace $0x80000050;
	s28 =	sshrl.u32 s11, $0x1;
	s5 =	sor.u32 $0x1C03, s5  }
0xd: {  	s31 =	sadd.s32 s30, s29;
	s12 =	sshrl.u32 s12, $0x3;
	s6 =	sshll.u32 s7, $0x4  }
0xe: {  	s11 =	ssub.s32 s11, s28;
	s7 =	sshll.u32 s7, $0xB;
	s6 =	sadd.s32 s6, s4  }
0xf: {  	s4 =	sadd.s32 $0x83C00, s10;
	s7 =	sadd.s32 s9, s7;
	s10 =	sadd.s32 s13, s10  }
0x10: {  	s9 =	smax.u32 s11, $0x1;
	s11 =	sadd.s32 $0x1000, s31;
	s6 =	sadd.s32 $0x17FC00, s6  }
0x11: {  	s13 =	simm.s32 $0x3;
	s8 =	sadd.s32 $0x183C00, s10;
	s10 =	sadd.s32 $0xF800, s7  }
.LBB2_1:
0x12: {  	[spmem:s12], [sflag:s5] =	dma.local [hbm:s4], $0x2000  }
0x13: {  	_ =	swait.ge [sflag:s13], $0x2000  }
0x14: {  	[sflag:s13] =	ssyncset.done $0x0  }
0x15: {  	[sflag:s13] =	ssyncadd.s32 $0xFFFFE000  }
0x16: {  	[tilespmem:s3], [sflag:$0x3] =	stream.linear.gather [hbm4b:s6+s3], $0x1000, $0x38;
	[tilespmem:$0x19000] =	vst v63  }
0x17: {  	_ =	swait.ge [sflag:s13], $0x1000  }
0x18: {  	[sflag:s13] =	ssyncset.done $0x0  }
0x19: {  	[sflag:s13] =	ssyncadd.s32 $0xFFFFF000  }
0x1a: {  	[bflag:$0x0] =	sbarrier.arrive $0xFFFF  }
0x1b: {  	[tilespmem:s14], [sflag:$0x1] =	stream.linear.gather [hbm4b:s7+s3], $0x4000, $0x38;
	[tilespmem:$0x19000] =	vst v63  }
0x1c: {  	s22 =	sadd.s32 $0xFFFFF800, s11  }
0x1d: {  	[tilespmem:s15], [sflag:$0x2] =	stream.linear.gather [hbm4b:s22+s3], $0x4000, $0x38;
	[tilespmem:$0x19000] =	vst v63  }
0x1e: {  	_ =	swait.ge [sflag:s16], $0x4000  }
0x1f: {  	[sflag:s16] =	ssyncset.done $0x0  }
0x20: {  	s30 =	simm.s32 $0x0;
	[sflag:s16] =	ssyncadd.s32 $0xFFFFC000  }
0x21: {  	[spmem:s2] =	stream.indirect.scatter.add.f32 [tilespmem:s14], [sflag:$0x3], $0x80, s30, s17, $0xb8;
	[tilespmem:$0x19000] =	vst v63  }
0x22: {  	_ =	swait.ge [sflag:s13], $0x4000  }
0x23: {  	[sflag:s13] =	ssyncset.done $0x0  }
0x24: {  	[sflag:s13] =	ssyncadd.s32 $0xFFFFC000  }
0x25: {  	[tilespmem:s14], [sflag:$0x1] =	stream.linear.gather [hbm4b:s11+s3], $0x4000, $0x38;
	[tilespmem:$0x19000] =	vst v63  }
0x26: {  	_ =	swait.ge [sflag:s18], $0x4000  }
0x27: {  	[sflag:s18] =	ssyncset.done $0x0  }
0x28: {  	s31 =	simm.s32 $0x80;
	[sflag:s18] =	ssyncadd.s32 $0xFFFFC000  }
0x29: {  	[spmem:s2] =	stream.indirect.scatter.add.f32 [tilespmem:s15], [sflag:$0x3], $0x80, s31, s17, $0xb8;
	[tilespmem:$0x19000] =	vst v63  }
0x2a: {  	s23 =	simm.s32 $0x400;
	_ =	swait.ge [sflag:s13], $0x4000  }
0x2b: {  	s24 =	simm.s32 $0x800;
	s22 =	sadd.s32 $0x1000, s11;
	[sflag:s13] =	ssyncset.done $0x0  }
.LBB2_2:
0x2c: {  	p0 =	sne.s32 s24, $0x3800;
	s25 =	sadd.s32 $0xFFFFF800, s22;
	[sflag:s13] =	ssyncadd.s32 $0xFFFFC000  }
0x2d: {  	[tilespmem:s15], [sflag:$0x2] =	stream.linear.gather [hbm4b:s25+s3], $0x4000, $0x38;
	[tilespmem:$0x19000] =	vst v63  }
0x2e: {  	s25 =	smov.u32 s24;
	s24 =	sadd.s32 $0x400, s24;
	_ =	swait.ge [sflag:s16], $0x4000  }
0x2f: {  	[sflag:s16] =	ssyncset.done $0x0  }
0x30: {  	s26 =	sshra.s32 s23, $0x2;
	s23 =	smov.u32 s25;
	[sflag:s16] =	ssyncadd.s32 $0xFFFFC000  }
0x31: {  	[spmem:s2] =	stream.indirect.scatter.add.f32 [tilespmem:s14], [sflag:$0x3], $0x80, s26, s17, $0xb8;
	[tilespmem:$0x19000] =	vst v63  }
0x32: {  	_ =	swait.ge [sflag:s13], $0x4000  }
0x33: {  	[sflag:s13] =	ssyncset.done $0x0  }
0x34: {  	[sflag:s13] =	ssyncadd.s32 $0xFFFFC000  }
0x35: {  	[tilespmem:s14], [sflag:$0x1] =	stream.linear.gather [hbm4b:s22+s3], $0x4000, $0x38;
	[tilespmem:$0x19000] =	vst v63  }
0x36: {  	_ =	swait.ge [sflag:s18], $0x4000  }
.Ltmp0:
0x37: {  	[sflag:s18] =	ssyncset.done $0x0;
	(pc) =	sbr.rel @p0 .LBB2_2-.Ltmp0, $4  }
0x38: {  	s25 =	sadd.s32 $0x80, s26;
	[sflag:s18] =	ssyncadd.s32 $0xFFFFC000  }
0x39: {  	[spmem:s2] =	stream.indirect.scatter.add.f32 [tilespmem:s15], [sflag:$0x3], $0x80, s25, s17, $0xb8;
	[tilespmem:$0x19000] =	vst v63  }
0x3a: {  	_ =	swait.ge [sflag:s13], $0x4000  }
0x3b: {  	s22 =	sadd.s32 $0x1000, s22;
	[sflag:s13] =	ssyncset.done $0x0  }
0x3c: {  	s24 =	sadd.s32 $0xFFFFF800, s22;
	[sflag:s13] =	ssyncadd.s32 $0xFFFFC000  }
0x3d: {  	[tilespmem:s15], [sflag:$0x2] =	stream.linear.gather [hbm4b:s24+s3], $0x4000, $0x38;
	[tilespmem:$0x19000] =	vst v63  }
0x3e: {  	_ =	swait.ge [sflag:s16], $0x4000  }
0x3f: {  	[sflag:s16] =	ssyncset.done $0x0  }
0x40: {  	s23 =	sshra.s32 s23, $0x2;
	[sflag:s16] =	ssyncadd.s32 $0xFFFFC000  }
0x41: {  	[spmem:s2] =	stream.indirect.scatter.add.f32 [tilespmem:s14], [sflag:$0x3], $0x80, s23, s17, $0xb8;
	[tilespmem:$0x19000] =	vst v63  }
0x42: {  	_ =	swait.ge [sflag:s13], $0x4000  }
0x43: {  	[sflag:s13] =	ssyncset.done $0x0  }
0x44: {  	[sflag:s13] =	ssyncadd.s32 $0xFFFFC000  }
0x45: {  	[tilespmem:s14], [sflag:$0x1] =	stream.linear.gather [hbm4b:s22+s3], $0x4000, $0x38;
	[tilespmem:$0x19000] =	vst v63  }
0x46: {  	_ =	swait.ge [sflag:s18], $0x4000  }
0x47: {  	[sflag:s18] =	ssyncset.done $0x0  }
0x48: {  	s31 =	sadd.s32 $0x80, s23;
	[sflag:s18] =	ssyncadd.s32 $0xFFFFC000  }
0x49: {  	[spmem:s2] =	stream.indirect.scatter.add.f32 [tilespmem:s15], [sflag:$0x3], $0x80, s31, s17, $0xb8;
	[tilespmem:$0x19000] =	vst v63  }
0x4a: {  	_ =	swait.ge [sflag:s13], $0x4000  }
0x4b: {  	[sflag:s13] =	ssyncset.done $0x0  }
0x4c: {  	[sflag:s13] =	ssyncadd.s32 $0xFFFFC000  }
0x4d: {  	[tilespmem:s15], [sflag:$0x2] =	stream.linear.gather [hbm4b:s10+s3], $0x4000, $0x38;
	[tilespmem:$0x19000] =	vst v63  }
0x4e: {  	_ =	swait.ge [sflag:s16], $0x4000  }
0x4f: {  	[sflag:s16] =	ssyncset.done $0x0  }
0x50: {  	[sflag:s16] =	ssyncadd.s32 $0xFFFFC000  }
0x51: {  	[spmem:s2] =	stream.indirect.scatter.add.f32 [tilespmem:s14], [sflag:$0x3], $0x80, s19, s17, $0xb8;
	[tilespmem:$0x19000] =	vst v63  }
0x52: {  	_ =	swait.ge [sflag:s13], $0x4000  }
0x53: {  	[sflag:s13] =	ssyncset.done $0x0  }
0x54: {  	[sflag:s13] =	ssyncadd.s32 $0xFFFFC000  }
0x55: {  	_ =	swait.ge [sflag:s18], $0x4000  }
0x56: {  	[sflag:s18] =	ssyncset.done $0x0  }
0x57: {  	[sflag:s18] =	ssyncadd.s32 $0xFFFFC000  }
0x58: {  	[spmem:s2] =	stream.indirect.scatter.add.f32 [tilespmem:s15], [sflag:$0x3], $0x80, s20, s17, $0xb8;
	[tilespmem:$0x19000] =	vst v63  }
0x59: {  	_ =	swait.ge [sflag:s13], $0x4000  }
0x5a: {  	s21 =	sadd.s32 $0x1, s21;
	[sflag:s13] =	ssyncset.done $0x0  }
0x5b: {  	p0 =	sne.s32 s21, s9;
	[sflag:s13] =	ssyncadd.s32 $0xFFFFC000  }
.Ltmp1:
0x5c: {  	[bflag:$0x0] =	sbarrier.arrive $0xFFFF;
	(pc) =	sbr.rel @p0 .LBB2_1-.Ltmp1, $4  }
0x5d: {  	[hbm:s8], [sflag:s5] =	dma.local [spmem:s12], $0x2000  }
0x5e: {  	_ =	swait.ge [sflag:s13], $0x2000  }
0x5f: {  	[sflag:s13] =	ssyncset.done $0x0  }
0x60: {  	[sflag:s13] =	ssyncadd.s32 $0xFFFFE000  }
0x61: {  	_ =	sfence.sel $0x180000  }
0x62: {  	[bflag:$0x0] =	sbarrier.arrive $0xFFFF  }
0x63: {  	p0 =	sne.s32 s1, $0x0;
	_ =	strace $0x90000050  }
0x64: {  	s0 =	sadd.s32 @!p0 $0x100000, s0;
	[bflag:$0x2] =	sbarrier.arrive $0xFFFF  }
0x65: {  	[sflag:s0] =	ssyncadd.tile.s32 @!p0 $0x1;
	_ =	shalt  }
.Lfunc_end2:
_tile_overlayer_lowered:
.L_overlay_start_2:
0x66: {  	(tag) =	ssettag $0x2  }
0x67: {  	s0 =	rddreg [dreg:$0x0];
	s2 =	stileid.u32  }
0x68: {  	s1 =	rddreg [dreg:$0x1];
	p0 =	sne.s32 s2, $0x0  }
0x69: {  	s3 =	rddreg [dreg:$0x2];
	[bflag:$0x3] =	sbarrier.arrive $0xFFFF;
	s2 =	simm.s32 @!p0 $0x1C03  }
0x6a: {  	[timem:s3], [sflag:s2] =	dma.local @!p0 [hbm:s0], s1  }
0x6b: {  	s0 =	simm.s32 @!p0 $0x3  }
0x6c: {  	_ =	swait.ge @!p0 [sflag:s0], s1  }
0x6d: {  	s1 =	ssub.s32 @!p0 $0x0, s1;
	[sflag:s0] =	ssyncset.done @!p0 $0x0  }
0x6e: {  	[sflag:s0] =	ssyncadd.s32 @!p0 s1  }
0x6f: {  	[bflag:$0x3] =	sbarrier.arrive $0xFFFF  }
0x70: {  	_ =	shalt  }

</sc_bundles>
